<compile_context>
chip_gen: v7x
topology: tpu7x:2x2x1
jax: 0.10.2.dev20260603
libtpu: 0.0.44.dev20260713+nightly
codegen_flags: <defaults>
</compile_context>

<pallas_src>
import functools

import jax
import jax.numpy as jnp
from jax import lax
from jax.experimental import pallas as pl
from jax.experimental.pallas import tpu as pltpu
from jax.experimental.pallas import tpu_sc as plsc

RES = 256
NF = 1048576
FD = 16
RAD = 1.0
NI = 32
SS = 0.0625

B = 4096
P = B * NI
N1 = P * 8
N2 = P * 16
NC, NS = 2, 16
NW = NC * NS
T128 = 128

N1R = N1 // T128
N2R = N2 // T128
W1R = N1R // NW
W2R = N2R // NW

_HI = jax.lax.Precision.HIGHEST
_HP = jax.lax.Precision.DEFAULT



def _sc_gather_scalar(gtab, idx):
    mesh = plsc.VectorSubcoreMesh(core_axis_name="c", subcore_axis_name="s")

    @functools.partial(
        pl.kernel, mesh=mesh,
        out_type=jax.ShapeDtypeStruct((N1R, T128), jnp.float32),
        compiler_params=pltpu.CompilerParams(use_tc_tiling_on_sc=False),
        scratch_types=[
            pltpu.VMEM((W1R, T128), jnp.int32),
            pltpu.VMEM((W1R, T128), jnp.float32),
            pltpu.SemaphoreType.DMA,
        ],
    )
    def k(gt_hbm, idx_hbm, out_hbm, idx_v, out_v, sem):
        wid = lax.axis_index("s") * NC + lax.axis_index("c")
        base = wid * W1R
        pltpu.sync_copy(idx_hbm.at[pl.ds(base, W1R)], idx_v)

        def fire(m):
            for u in range(16):
                j = m * 16 + u
                pltpu.async_copy(gt_hbm.at[idx_v.at[j]], out_v.at[j], sem)

        fire(0)

        def macro(m, carry):
            @pl.when(m + 1 < W1R // 16)
            def _():
                for u in range(16):
                    j = (m + 1) * 16 + u
                    pltpu.async_copy(gt_hbm.at[idx_v.at[j]], out_v.at[j], sem)

            pltpu.make_async_copy(
                out_hbm.at[pl.ds(0, 16)],
                out_v.at[pl.ds(m * 16, 16)], sem).wait()
            return carry

        lax.fori_loop(0, W1R // 16, macro, 0)
        pltpu.sync_copy(out_v, out_hbm.at[pl.ds(base, W1R)])

    return k(gtab, idx)


def _sc_gather_reduce(ftab, idx, wcf):
    mesh = plsc.VectorSubcoreMesh(core_axis_name="c", subcore_axis_name="s")

    @functools.partial(
        pl.kernel, mesh=mesh,
        out_type=jax.ShapeDtypeStruct((P, T128), jnp.float32),
        compiler_params=pltpu.CompilerParams(use_tc_tiling_on_sc=False),
        scratch_types=[
            pltpu.VMEM((W2R, T128), jnp.int32),
            pltpu.VMEM((16 * T128, FD), jnp.float32),
            pltpu.VMEM((8, T128), jnp.float32),
            pltpu.VMEM((64, FD), jnp.float32),
            pltpu.SemaphoreType.DMA,
        ],
    )
    def k(ft_hbm, idx_hbm, wc_hbm, out_hbm, idx_v, rows_v, wc_v, fv_v, sem):
        wid = lax.axis_index("s") * NC + lax.axis_index("c")
        ibase = wid * W2R
        pltpu.sync_copy(idx_hbm.at[pl.ds(ibase, W2R)], idx_v)
        nm = W2R // 8

        def fire(m, boff):
            return [pltpu.async_copy(
                ft_hbm.at[idx_v.at[m * 8 + u]],
                rows_v.at[pl.ds(boff + u * T128, T128)], sem)
                for u in range(8)]

        def reduce_macro(mm):
            boff = (mm % 2) * (8 * T128)
            pltpu.sync_copy(wc_hbm.at[pl.ds(ibase + mm * 8, 8)], wc_v)

            def point(p, carry2):
                wvec = wc_v[p // 8, pl.ds((p % 8) * 16, 16)]
                base = boff + p * 16
                acc = wvec[0] * rows_v[base, :]
                for j in range(1, 16):
                    acc = acc + wvec[j] * rows_v[base + j, :]
                fv_v[p, :] = acc
                return carry2

            lax.fori_loop(0, 64, point, 0)
            pltpu.sync_copy(
                fv_v,
                out_hbm.at[pl.ds(wid * (P // NW) + mm * 64, 64),
                           pl.ds(0, FD)])

        def macro(m, carry):
            cps = fire(m, (m % 2) * (8 * T128))

            @pl.when(m > 0)
            def _():
                reduce_macro(m - 1)

            for c in cps:
                c.wait()
            return carry

        lax.fori_loop(0, nm, macro, 0)
        reduce_macro(nm - 1)

    return k(ftab, idx, wcf)



_TC1_BLOCKS = 32
_PB = P // _TC1_BLOCKS
_RB = _PB * 16


def _tc1_body(fv_ref, enc_ref, mask_ref, sw1_ref, sw2_ref, cw1a_ref,
              cw1b_ref, cw2_ref, cw3_ref, out_ref):
    fvals = fv_ref[:, 0:FD]
    encr = enc_ref[...]
    enc = jnp.broadcast_to(encr[:, None, :],
                           (_PB // NI, NI, 16)).reshape(_PB, 16)
    h = jax.nn.relu(jnp.dot(fvals, sw1_ref[...], precision=_HP))
    fo = jnp.dot(h, sw2_ref[...], precision=_HP)
    c_pre = (jnp.dot(enc, cw1a_ref[...], precision=_HP)
             + jnp.dot(fo, cw1b_ref[...], precision=_HP))
    hc = jax.nn.relu(c_pre)
    hc2 = jax.nn.relu(jnp.dot(hc, cw2_ref[...], precision=_HP))
    col = jnp.dot(hc2, cw3_ref[...], precision=_HP)

    nr = _PB // NI
    maskv = mask_ref[...]
    sig = fo[:, 0].reshape(nr, NI)
    sigma = jnp.where(maskv > 0, sig, 0.0)
    alpha = 1.0 - jnp.exp(-jax.nn.relu(sigma) * SS)
    x = 1.0 - alpha + 1e-10
    lx = jnp.log(x)
    r = lax.broadcasted_iota(jnp.int32, (NI, NI), 0)
    c = lax.broadcasted_iota(jnp.int32, (NI, NI), 1)
    m_excl = (r < c).astype(jnp.float32)
    t_tr = jnp.exp(jnp.dot(lx, m_excl, precision=_HI))
    al = alpha * t_tr
    bg = 1.0 - jnp.sum(al, axis=1, keepdims=True)
    outs = []
    for k in range(3):
        s = jax.nn.sigmoid(col[:, k].reshape(nr, NI) * maskv)
        outs.append(jnp.sum(al * s, axis=1, keepdims=True) + bg)
    out_ref[...] = jnp.concatenate(outs, axis=1)


def _tc1(fv, encr, maskf, sw1, sw2, cw1a, cw1b, cw2, cw3):
    rep2 = lambda shape: pl.BlockSpec(shape, lambda i: (0, 0))
    return pl.pallas_call(
        _tc1_body,
        grid=(_TC1_BLOCKS,),
        in_specs=[
            pl.BlockSpec((_PB, T128), lambda i: (i, 0)),
            pl.BlockSpec((_PB // NI, 16), lambda i: (i, 0)),
            pl.BlockSpec((_PB // NI, NI), lambda i: (i, 0)),
            rep2((16, 64)), rep2((64, 16)), rep2((16, 64)),
            rep2((16, 64)), rep2((64, 64)), rep2((64, 3)),
        ],
        out_specs=pl.BlockSpec((_PB // NI, 3), lambda i: (i, 0)),
        out_shape=jax.ShapeDtypeStruct((B, 3), jnp.float32),
    )(fv, encr, maskf, sw1, sw2, cw1a, cw1b, cw2, cw3)



def _tri_weights(o):
    x, y, z = o[:, 0], o[:, 1], o[:, 2]
    return jnp.stack([
        (1 - x) * (1 - y) * (1 - z),
        (1 - x) * (1 - y) * z,
        (1 - x) * y * (1 - z),
        (1 - x) * y * z,
        x * (1 - y) * (1 - z),
        x * (1 - y) * z,
        x * y * (1 - z),
        x * y * z,
    ], axis=-1)


def _sh16_enc(d):
    x, y, z = d[:, 0], d[:, 1], d[:, 2]
    xx, yy, zz = x * x, y * y, z * z
    return jnp.stack([
        0.28209479177387814 * jnp.ones_like(x),
        -0.48860251190291987 * y,
        0.48860251190291987 * z,
        -0.48860251190291987 * x,
        1.0925484305920792 * x * y,
        -1.0925484305920792 * y * z,
        0.31539156525252005 * (3.0 * zz - 1.0),
        -1.0925484305920792 * x * z,
        0.5462742152960396 * (xx - yy),
        -0.5900435899266435 * y * (3.0 * xx - yy),
        2.890611442640554 * x * y * z,
        -0.4570457994644658 * y * (4.0 * zz - xx - yy),
        0.3731763325901154 * z * (2.0 * zz - 3.0 * xx - 3.0 * yy),
        -0.4570457994644658 * x * (4.0 * zz - xx - yy),
        1.445305721320277 * z * (xx - yy),
        -0.5900435899266435 * x * (xx - 3.0 * yy),
    ], axis=-1)


def kernel(rays_o, rays_d, G, F, sigma_W1, sigma_W2, color_W1, color_W2,
           color_W3):
    rd = rays_d / jnp.linalg.norm(rays_d, axis=-1, keepdims=True)
    t = jnp.arange(NI + 1, dtype=jnp.float32) * SS
    tm = 0.5 * (t[:-1] + t[1:])

    px = (rays_o[:, 0:1] + rd[:, 0:1] * tm[None, :]).reshape(P)
    py = (rays_o[:, 1:2] + rd[:, 1:2] * tm[None, :]).reshape(P)
    pz = (rays_o[:, 2:3] + rd[:, 2:3] * tm[None, :]).reshape(P)
    mask = (jnp.sqrt(px * px + py * py + pz * pz) < RAD).reshape(B, NI)
    fpx = (px / RAD + 1.0) * (RES / 2.0)
    fpy = (py / RAD + 1.0) * (RES / 2.0)
    fpz = (pz / RAD + 1.0) * (RES / 2.0)

    def corners(fp):
        lo = jnp.clip(jnp.floor(fp - 0.5), 0.0, RES - 1)
        hi = jnp.clip(jnp.floor(fp + 0.5), 0.0, RES - 1)
        return lo, hi, fp - lo

    pfx0, pfx1, ox = corners(fpx)
    pfy0, pfy1, oy = corners(fpy)
    pfz0, pfz1, oz = corners(fpz)

    rep8 = lambda v: jnp.broadcast_to(v[:, None], (P, 8)).reshape(N1)
    j8 = jnp.arange(N1, dtype=jnp.int32) % 8
    xbit, ybit, zbit = j8 // 4, (j8 // 2) % 2, j8 % 2
    gx = jnp.where(xbit > 0, rep8(pfx1), rep8(pfx0))
    gy = jnp.where(ybit > 0, rep8(pfy1), rep8(pfy0))
    gz = jnp.where(zbit > 0, rep8(pfz1), rep8(pfz0))
    gidxf = (gx.astype(jnp.int32) * (RES * RES)
             + gy.astype(jnp.int32) * RES + gz.astype(jnp.int32))
    fx = jnp.where(xbit > 0, rep8(ox), 1.0 - rep8(ox))
    fy = jnp.where(ybit > 0, rep8(oy), 1.0 - rep8(oy))
    fz = jnp.where(zbit > 0, rep8(oz), 1.0 - rep8(oz))
    w8f = fx * fy * fz

    gvf = _sc_gather_scalar(G.reshape(-1),
                            gidxf.reshape(N1R, T128)).reshape(N1)

    fi = (jnp.clip(gvf, -1.0, 1.0) + 1.0) * (NF / 2.0)
    fl = jnp.clip(jnp.floor(fi), 0.0, NF - 1)
    ce = jnp.clip(jnp.ceil(fi), 0.0, NF - 1)
    wlo = w8f * (ce - fi)
    whi = w8f * (fi - fl)
    rep2 = lambda v: jnp.broadcast_to(v[:, None], (N1, 2)).reshape(N2)
    par = jnp.arange(N2, dtype=jnp.int32) % 2
    wcf = jnp.where(par > 0, rep2(whi), rep2(wlo)).reshape(N2R, T128)
    idx2 = jnp.where(par > 0, rep2(ce), rep2(fl)).astype(
        jnp.int32).reshape(N2R, T128)

    fv = _sc_gather_reduce(F, idx2, wcf)

    enc = _sh16_enc(rd)
    cw1b = jnp.concatenate([jnp.zeros((1, 64), jnp.float32), color_W1[16:]],
                           axis=0)
    maskf = mask.astype(jnp.float32)
    return _tc1(fv, enc, maskf, sigma_W1, sigma_W2, color_W1[:16],
                cw1b, color_W2, color_W3)

# --- scband reference (transcript-rebuilt; emitter-appended) ---
"""Pipeline reference for scband-learnable-hash-23845658428386 (READ-ONLY COPY).

The authoritative reference and input builder live on the scoring server;
editing this copy changes nothing except your own understanding.
"""

import jax, jax.numpy as jnp
import numpy as np

RES = 256
NF = 1048576
FD = 16
RAD = 1.0
NI = 32
SS = 0.0625


def _tri_w(o):
    x, y, z = o[:, 0], o[:, 1], o[:, 2]
    return jnp.stack([
        (1 - x) * (1 - y) * (1 - z),
        (1 - x) * (1 - y) * z,
        (1 - x) * y * (1 - z),
        (1 - x) * y * z,
        x * (1 - y) * (1 - z),
        x * (1 - y) * z,
        x * y * (1 - z),
        x * y * z,
    ], axis=-1)


def _sh16(d):
    x, y, z = d[:, 0], d[:, 1], d[:, 2]
    xx, yy, zz = x * x, y * y, z * z
    return jnp.stack([
        0.28209479177387814 * jnp.ones_like(x),
        -0.48860251190291987 * y,
        0.48860251190291987 * z,
        -0.48860251190291987 * x,
        1.0925484305920792 * x * y,
        -1.0925484305920792 * y * z,
        0.31539156525252005 * (3.0 * zz - 1.0),
        -1.0925484305920792 * x * z,
        0.5462742152960396 * (xx - yy),
        -0.5900435899266435 * y * (3.0 * xx - yy),
        2.890611442640554 * x * y * z,
        -0.4570457994644658 * y * (4.0 * zz - xx - yy),
        0.3731763325901154 * z * (2.0 * zz - 3.0 * xx - 3.0 * yy),
        -0.4570457994644658 * x * (4.0 * zz - xx - yy),
        1.445305721320277 * z * (xx - yy),
        -0.5900435899266435 * x * (xx - 3.0 * yy),
    ], axis=-1)


def setup_inputs(seed: int = 0) -> dict:
    key = jax.random.key(seed)
    ks = jax.random.split(key, 9)
    rays_o = jax.random.normal(ks[0], (4096, 3), dtype=jnp.float32)
    rays_d = jax.random.normal(ks[1], (4096, 3), dtype=jnp.float32)
    G = jax.random.uniform(ks[2], (RES, RES, RES, 1), minval=-1.0, maxval=1.0, dtype=jnp.float32)
    F = jax.random.normal(ks[3], (NF, FD), dtype=jnp.float32) + 0.1
    def lin(k, sh):
        return jax.random.normal(k, sh, dtype=jnp.float32) * (1.0 / np.sqrt(sh[0]))
    sigma_W1 = lin(ks[4], (FD, 64))
    sigma_W2 = lin(ks[5], (64, 16))
    color_W1 = lin(ks[6], (31, 64))
    color_W2 = lin(ks[7], (64, 64))
    color_W3 = lin(ks[8], (64, 3))
    return {"rays_o": rays_o, "rays_d": rays_d, "G": G, "F": F,
            "sigma_W1": sigma_W1, "sigma_W2": sigma_W2,
            "color_W1": color_W1, "color_W2": color_W2, "color_W3": color_W3}


def reference(rays_o, rays_d, G, F, sigma_W1, sigma_W2, color_W1, color_W2, color_W3):
    B = rays_o.shape[0]
    rd = rays_d / jnp.linalg.norm(rays_d, axis=-1, keepdims=True)
    # get_intersections: sample NI points along each ray within a sphere of radius RAD
    t = jnp.arange(NI + 1, dtype=jnp.float32) * SS
    intersections = jnp.broadcast_to(t, (B, NI + 1))
    tm = 0.5 * (t[:-1] + t[1:])
    pts = rays_o[:, None, :] + rd[:, None, :] * tm[None, :, None]  # [B, NI, 3]
    mask = jnp.linalg.norm(pts, axis=-1) < RAD  # [B, NI]
    p = (pts / RAD + 1.0) * RES / 2.0
    fp = p.reshape(-1, 3)
    # get_neighbors
    offs3 = jnp.array([[-1, -1, -1], [-1, -1, 1], [-1, 1, -1], [-1, 1, 1],
                       [1, -1, -1], [1, -1, 1], [1, 1, -1], [1, 1, 1]], dtype=jnp.float32)
    pre = fp[:, None, :] + offs3[None, ...] / 2.0
    pf = jnp.clip(jnp.floor(pre), 0.0, RES - 1)
    offsets = fp - pf[:, 0, :]
    nb = pf.astype(jnp.int32)
    Gflat = G.reshape(-1)
    Gidx = nb[:, :, 0] * (RES * RES) + nb[:, :, 1] * RES + nb[:, :, 2]
    Gv = jnp.take(Gflat, Gidx.reshape(-1)).reshape(Gidx.shape)  # [P, 8]
    w = _tri_w(offsets)
    Fi = ((jnp.clip(Gv, -1.0, 1.0) + 1.0) * NF / 2.0).reshape(-1)
    fl = jnp.clip(jnp.floor(Fi), 0.0, NF - 1)
    ce = jnp.clip(jnp.ceil(Fi), 0.0, NF - 1)
    Fv = (jnp.take(F, fl.astype(jnp.int32), axis=0).reshape(-1, 8, FD) * (ce - Fi).reshape(-1, 8, 1)
          + jnp.take(F, ce.astype(jnp.int32), axis=0).reshape(-1, 8, FD) * (Fi - fl).reshape(-1, 8, 1))
    Fvals = jnp.sum(w[..., None] * Fv, axis=1)
    # sigma_net: FullyFusedMLP feature_dim -> 64 -> 16, ReLU
    h = jax.nn.relu(Fvals @ sigma_W1)
    Fo = h @ sigma_W2  # [P, 16]
    sig = Fo[:, 0].reshape(B, NI)
    rdp = jnp.broadcast_to(rd[:, None, :], (B, NI, 3)).reshape(-1, 3)
    enc = _sh16(rdp)  # SH degree 4 encoding of (rds+1)/2 mapped back to [-1,1]
    c_in = jnp.concatenate([enc, Fo[:, 1:]], axis=-1)  # [P, 31]
    col = jax.nn.relu(jax.nn.relu(c_in @ color_W1) @ color_W2) @ color_W3  # [P, 3]
    # masked_scatter equivalents: zeros where not masked
    sigma = jnp.where(mask, sig, 0.0)
    # sigma2alpha
    deltas = intersections[:, 1:] - intersections[:, :-1]
    alpha = 1.0 - jnp.exp(-jax.nn.relu(sigma) * deltas)
    T = jnp.cumprod(jnp.concatenate([jnp.ones((B, 1), dtype=alpha.dtype), 1.0 - alpha + 1e-10], axis=-1), axis=-1)[:, :-1]
    abs_light = alpha * T
    color = col.reshape(B, NI, 3) * mask[..., None]
    # shrgb2rgb with white background
    rgb = jnp.sum(abs_light[..., None] * jax.nn.sigmoid(color), axis=1)
    rgb = rgb + (1.0 - jnp.sum(abs_light, axis=1, keepdims=True))
    return rgb

if __name__ == "__main__":
    import jax
    _d = setup_inputs()
    print(jax.jit(kernel)(*tuple(_d.values())))

</pallas_src>

<mosaic_0001>
#map = affine_map<(d0, d1) -> (0, 0)>
module attributes {stable_mosaic.version = 14 : i64} {
  func.func @k(%arg0: i32, %arg1: i32, %arg2: memref<1048576x16xf32, #tpu.memory_space<hbm>>, %arg3: memref<16384x128xi32, #tpu.memory_space<hbm>>, %arg4: memref<16384x128xf32, #tpu.memory_space<hbm>>, %arg5: memref<131072x128xf32, #tpu.memory_space<hbm>>, %arg6: memref<512x128xi32, #tpu.memory_space<vmem>>, %arg7: memref<2048x16xf32, #tpu.memory_space<vmem>>, %arg8: memref<8x128xf32, #tpu.memory_space<vmem>>, %arg9: memref<64x16xf32, #tpu.memory_space<vmem>>, %arg10: memref<!tpu.dma_semaphore, #tpu.memory_space<semaphore_mem>>) attributes {dimension_semantics = [#tpu.dimension_semantics<core_parallel>, #tpu.dimension_semantics<subcore_parallel>], iteration_bounds = array<i64: 2, 16>, scalar_prefetch = 0 : i64, scratch_operands = 5 : i64, tpu.core_type = #tpu.core_type<sc_vector_subcore>, window_params = [{transform_indices = #map}, {transform_indices = #map}, {transform_indices = #map}, {transform_indices = #map}]} {
    %mul3A = arith.constant 2 : i32
    %mul3A_0 = arith.muli %arg1, %mul3A : i32
    %add3A = arith.addi %mul3A_0, %arg0 : i32
    %mul3A_1 = arith.constant 512 : i32
    %mul3A_2 = arith.muli %add3A, %mul3A_1 : i32
    "tpu.region"() ({
      %run_scoped3A = tpu.sem_alloc : memref<!tpu.dma_semaphore, #tpu.memory_space<semaphore_mem>>
      %dma_start3A = arith.constant 0 : i32
      %dma_start3A_20 = tpu.memref_slice %arg3[%mul3A_2, %dma_start3A] : memref<16384x128xi32, #tpu.memory_space<hbm>> -> memref<512x128xi32, #tpu.memory_space<hbm>>
      %dma_start3A_21 = arith.constant 0 : i32
      %dma_start3A_22 = tpu.memref_slice %arg3[%mul3A_2, %dma_start3A_21] : memref<16384x128xi32, #tpu.memory_space<hbm>> -> memref<512x128xi32, #tpu.memory_space<hbm>>
      tpu.enqueue_dma source(%dma_start3A_22 : memref<512x128xi32, #tpu.memory_space<hbm>>) target(%arg6 : memref<512x128xi32, #tpu.memory_space<vmem>>) target_semaphore(%run_scoped3A : memref<!tpu.dma_semaphore, #tpu.memory_space<semaphore_mem>>)
      %dma_wait3A = arith.constant 0 : i32
      %dma_wait3A_23 = tpu.memref_slice %arg3[%mul3A_2, %dma_wait3A] : memref<16384x128xi32, #tpu.memory_space<hbm>> -> memref<512x128xi32, #tpu.memory_space<hbm>>
      %dma_wait3A_24 = arith.constant 0 : i32
      %dma_wait3A_25 = tpu.memref_slice %arg3[%mul3A_2, %dma_wait3A_24] : memref<16384x128xi32, #tpu.memory_space<hbm>> -> memref<512x128xi32, #tpu.memory_space<hbm>>
      tpu.wait_dma2 semaphore(%run_scoped3A : memref<!tpu.dma_semaphore, #tpu.memory_space<semaphore_mem>>) src(%dma_wait3A_25 : memref<512x128xi32, #tpu.memory_space<hbm>>) dst(%arg6 : memref<512x128xi32, #tpu.memory_space<vmem>>)
      tpu.yield
    }) : () -> ()
    %scan3A = arith.constant 0 : i32
    %scan3A_3 = arith.constant 0 : i32
    %scan3A_4 = arith.constant 64 : i32
    %scan3A_5 = arith.addi %scan3A_3, %scan3A_4 : i32
    %scan3A_6 = arith.constant 1 : i32
    scf.for %scan3A_20 = %scan3A_3 to %scan3A_5 step %scan3A_6  : i32 {
      %jit3A = arith.constant 2 : i32
      %eq3A = arith.constant 0 : i32
      %eq3A_21 = arith.cmpi eq, %jit3A, %eq3A : i32
      %jit3A_22 = arith.constant 1 : i32
      %select_n3A = arith.select %eq3A_21, %jit3A_22, %jit3A : i32
      %rem3A = arith.remsi %scan3A_20, %select_n3A : i32
      %ne3A = arith.constant 0 : i32
      %ne3A_23 = arith.cmpi ne, %rem3A, %ne3A : i32
      %lt3A = arith.constant 0 : i32
      %lt3A_24 = arith.cmpi slt, %rem3A, %lt3A : i32
      %lt3A_25 = arith.constant 0 : i32
      %lt3A_26 = arith.cmpi slt, %select_n3A, %lt3A_25 : i32
      %ne3A_27 = arith.xori %lt3A_24, %lt3A_26 : i1
      %and3A = arith.andi %ne3A_27, %ne3A_23 : i1
      %add3A_28 = arith.addi %rem3A, %select_n3A : i32
      %select_n3A_29 = arith.select %and3A, %add3A_28, %rem3A : i32
      %mul3A_30 = arith.constant 1024 : i32
      %mul3A_31 = arith.muli %select_n3A_29, %mul3A_30 : i32
      %mul3A_32 = arith.constant 8 : i32
      %mul3A_33 = arith.muli %scan3A_20, %mul3A_32 : i32
      %add3A_34 = arith.constant 0 : i32
      %add3A_35 = arith.addi %mul3A_33, %add3A_34 : i32
      %add3A_36 = arith.constant 0 : i32
      %add3A_37 = arith.addi %mul3A_31, %add3A_36 : i32
      %dma_start3A = arith.constant 0 : i32
      %dma_start3A_38 = tpu.memref_slice %arg7[%add3A_37, %dma_start3A] : memref<2048x16xf32, #tpu.memory_space<vmem>> -> memref<128x16xf32, #tpu.memory_space<vmem>>
      %dma_start3A_39 = arith.constant 0 : i32
      %dma_start3A_40 = tpu.memref_slice %arg6[%add3A_35, %dma_start3A_39] : memref<512x128xi32, #tpu.memory_space<vmem>> -> memref<1x128xi32, #tpu.memory_space<vmem>>
      %dma_start3A_41 = tpu.memref_squeeze %dma_start3A_40 : memref<1x128xi32, #tpu.memory_space<vmem>> -> memref<128xi32, #tpu.memory_space<vmem>>
      %dma_start3A_42 = arith.constant 0 : i32
      %dma_start3A_43 = arith.constant 0 : i32
      %dma_start3A_44 = tpu.memref_slice %arg2[%dma_start3A_42, %dma_start3A_43] : memref<1048576x16xf32, #tpu.memory_space<hbm>> -> memref<1048576x16xf32, #tpu.memory_space<hbm>>
      tpu.enqueue_indirect_dma source(%dma_start3A_44 : memref<1048576x16xf32, #tpu.memory_space<hbm>>) target(%dma_start3A_38 : memref<128x16xf32, #tpu.memory_space<vmem>>) offsets(%dma_start3A_41 : memref<128xi32, #tpu.memory_space<vmem>>) semaphore(%arg10 : memref<!tpu.dma_semaphore, #tpu.memory_space<semaphore_mem>>)
      %mul3A_45 = arith.constant 8 : i32
      %mul3A_46 = arith.muli %scan3A_20, %mul3A_45 : i32
      %add3A_47 = arith.constant 1 : i32
      %add3A_48 = arith.addi %mul3A_46, %add3A_47 : i32
      %add3A_49 = arith.constant 128 : i32
      %add3A_50 = arith.addi %mul3A_31, %add3A_49 : i32
      %dma_start3A_51 = arith.constant 0 : i32
      %dma_start3A_52 = tpu.memref_slice %arg7[%add3A_50, %dma_start3A_51] : memref<2048x16xf32, #tpu.memory_space<vmem>> -> memref<128x16xf32, #tpu.memory_space<vmem>>
      %dma_start3A_53 = arith.constant 0 : i32
      %dma_start3A_54 = tpu.memref_slice %arg6[%add3A_48, %dma_start3A_53] : memref<512x128xi32, #tpu.memory_space<vmem>> -> memref<1x128xi32, #tpu.memory_space<vmem>>
      %dma_start3A_55 = tpu.memref_squeeze %dma_start3A_54 : memref<1x128xi32, #tpu.memory_space<vmem>> -> memref<128xi32, #tpu.memory_space<vmem>>
      %dma_start3A_56 = arith.constant 0 : i32
      %dma_start3A_57 = arith.constant 0 : i32
      %dma_start3A_58 = tpu.memref_slice %arg2[%dma_start3A_56, %dma_start3A_57] : memref<1048576x16xf32, #tpu.memory_space<hbm>> -> memref<1048576x16xf32, #tpu.memory_space<hbm>>
      tpu.enqueue_indirect_dma source(%dma_start3A_58 : memref<1048576x16xf32, #tpu.memory_space<hbm>>) target(%dma_start3A_52 : memref<128x16xf32, #tpu.memory_space<vmem>>) offsets(%dma_start3A_55 : memref<128xi32, #tpu.memory_space<vmem>>) semaphore(%arg10 : memref<!tpu.dma_semaphore, #tpu.memory_space<semaphore_mem>>)
      %mul3A_59 = arith.constant 8 : i32
      %mul3A_60 = arith.muli %scan3A_20, %mul3A_59 : i32
      %add3A_61 = arith.constant 2 : i32
      %add3A_62 = arith.addi %mul3A_60, %add3A_61 : i32
      %add3A_63 = arith.constant 256 : i32
      %add3A_64 = arith.addi %mul3A_31, %add3A_63 : i32
      %dma_start3A_65 = arith.constant 0 : i32
      %dma_start3A_66 = tpu.memref_slice %arg7[%add3A_64, %dma_start3A_65] : memref<2048x16xf32, #tpu.memory_space<vmem>> -> memref<128x16xf32, #tpu.memory_space<vmem>>
      %dma_start3A_67 = arith.constant 0 : i32
      %dma_start3A_68 = tpu.memref_slice %arg6[%add3A_62, %dma_start3A_67] : memref<512x128xi32, #tpu.memory_space<vmem>> -> memref<1x128xi32, #tpu.memory_space<vmem>>
      %dma_start3A_69 = tpu.memref_squeeze %dma_start3A_68 : memref<1x128xi32, #tpu.memory_space<vmem>> -> memref<128xi32, #tpu.memory_space<vmem>>
      %dma_start3A_70 = arith.constant 0 : i32
      %dma_start3A_71 = arith.constant 0 : i32
      %dma_start3A_72 = tpu.memref_slice %arg2[%dma_start3A_70, %dma_start3A_71] : memref<1048576x16xf32, #tpu.memory_space<hbm>> -> memref<1048576x16xf32, #tpu.memory_space<hbm>>
      tpu.enqueue_indirect_dma source(%dma_start3A_72 : memref<1048576x16xf32, #tpu.memory_space<hbm>>) target(%dma_start3A_66 : memref<128x16xf32, #tpu.memory_space<vmem>>) offsets(%dma_start3A_69 : memref<128xi32, #tpu.memory_space<vmem>>) semaphore(%arg10 : memref<!tpu.dma_semaphore, #tpu.memory_space<semaphore_mem>>)
      %mul3A_73 = arith.constant 8 : i32
      %mul3A_74 = arith.muli %scan3A_20, %mul3A_73 : i32
      %add3A_75 = arith.constant 3 : i32
      %add3A_76 = arith.addi %mul3A_74, %add3A_75 : i32
      %add3A_77 = arith.constant 384 : i32
      %add3A_78 = arith.addi %mul3A_31, %add3A_77 : i32
      %dma_start3A_79 = arith.constant 0 : i32
      %dma_start3A_80 = tpu.memref_slice %arg7[%add3A_78, %dma_start3A_79] : memref<2048x16xf32, #tpu.memory_space<vmem>> -> memref<128x16xf32, #tpu.memory_space<vmem>>
      %dma_start3A_81 = arith.constant 0 : i32
      %dma_start3A_82 = tpu.memref_slice %arg6[%add3A_76, %dma_start3A_81] : memref<512x128xi32, #tpu.memory_space<vmem>> -> memref<1x128xi32, #tpu.memory_space<vmem>>
      %dma_start3A_83 = tpu.memref_squeeze %dma_start3A_82 : memref<1x128xi32, #tpu.memory_space<vmem>> -> memref<128xi32, #tpu.memory_space<vmem>>
      %dma_start3A_84 = arith.constant 0 : i32
      %dma_start3A_85 = arith.constant 0 : i32
      %dma_start3A_86 = tpu.memref_slice %arg2[%dma_start3A_84, %dma_start3A_85] : memref<1048576x16xf32, #tpu.memory_space<hbm>> -> memref<1048576x16xf32, #tpu.memory_space<hbm>>
      tpu.enqueue_indirect_dma source(%dma_start3A_86 : memref<1048576x16xf32, #tpu.memory_space<hbm>>) target(%dma_start3A_80 : memref<128x16xf32, #tpu.memory_space<vmem>>) offsets(%dma_start3A_83 : memref<128xi32, #tpu.memory_space<vmem>>) semaphore(%arg10 : memref<!tpu.dma_semaphore, #tpu.memory_space<semaphore_mem>>)
      %mul3A_87 = arith.constant 8 : i32
      %mul3A_88 = arith.muli %scan3A_20, %mul3A_87 : i32
      %add3A_89 = arith.constant 4 : i32
      %add3A_90 = arith.addi %mul3A_88, %add3A_89 : i32
      %add3A_91 = arith.constant 512 : i32
      %add3A_92 = arith.addi %mul3A_31, %add3A_91 : i32
      %dma_start3A_93 = arith.constant 0 : i32
      %dma_start3A_94 = tpu.memref_slice %arg7[%add3A_92, %dma_start3A_93] : memref<2048x16xf32, #tpu.memory_space<vmem>> -> memref<128x16xf32, #tpu.memory_space<vmem>>
      %dma_start3A_95 = arith.constant 0 : i32
      %dma_start3A_96 = tpu.memref_slice %arg6[%add3A_90, %dma_start3A_95] : memref<512x128xi32, #tpu.memory_space<vmem>> -> memref<1x128xi32, #tpu.memory_space<vmem>>
      %dma_start3A_97 = tpu.memref_squeeze %dma_start3A_96 : memref<1x128xi32, #tpu.memory_space<vmem>> -> memref<128xi32, #tpu.memory_space<vmem>>
      %dma_start3A_98 = arith.constant 0 : i32
      %dma_start3A_99 = arith.constant 0 : i32
      %dma_start3A_100 = tpu.memref_slice %arg2[%dma_start3A_98, %dma_start3A_99] : memref<1048576x16xf32, #tpu.memory_space<hbm>> -> memref<1048576x16xf32, #tpu.memory_space<hbm>>
      tpu.enqueue_indirect_dma source(%dma_start3A_100 : memref<1048576x16xf32, #tpu.memory_space<hbm>>) target(%dma_start3A_94 : memref<128x16xf32, #tpu.memory_space<vmem>>) offsets(%dma_start3A_97 : memref<128xi32, #tpu.memory_space<vmem>>) semaphore(%arg10 : memref<!tpu.dma_semaphore, #tpu.memory_space<semaphore_mem>>)
      %mul3A_101 = arith.constant 8 : i32
      %mul3A_102 = arith.muli %scan3A_20, %mul3A_101 : i32
      %add3A_103 = arith.constant 5 : i32
      %add3A_104 = arith.addi %mul3A_102, %add3A_103 : i32
      %add3A_105 = arith.constant 640 : i32
      %add3A_106 = arith.addi %mul3A_31, %add3A_105 : i32
      %dma_start3A_107 = arith.constant 0 : i32
      %dma_start3A_108 = tpu.memref_slice %arg7[%add3A_106, %dma_start3A_107] : memref<2048x16xf32, #tpu.memory_space<vmem>> -> memref<128x16xf32, #tpu.memory_space<vmem>>
      %dma_start3A_109 = arith.constant 0 : i32
      %dma_start3A_110 = tpu.memref_slice %arg6[%add3A_104, %dma_start3A_109] : memref<512x128xi32, #tpu.memory_space<vmem>> -> memref<1x128xi32, #tpu.memory_space<vmem>>
      %dma_start3A_111 = tpu.memref_squeeze %dma_start3A_110 : memref<1x128xi32, #tpu.memory_space<vmem>> -> memref<128xi32, #tpu.memory_space<vmem>>
      %dma_start3A_112 = arith.constant 0 : i32
      %dma_start3A_113 = arith.constant 0 : i32
      %dma_start3A_114 = tpu.memref_slice %arg2[%dma_start3A_112, %dma_start3A_113] : memref<1048576x16xf32, #tpu.memory_space<hbm>> -> memref<1048576x16xf32, #tpu.memory_space<hbm>>
      tpu.enqueue_indirect_dma source(%dma_start3A_114 : memref<1048576x16xf32, #tpu.memory_space<hbm>>) target(%dma_start3A_108 : memref<128x16xf32, #tpu.memory_space<vmem>>) offsets(%dma_start3A_111 : memref<128xi32, #tpu.memory_space<vmem>>) semaphore(%arg10 : memref<!tpu.dma_semaphore, #tpu.memory_space<semaphore_mem>>)
      %mul3A_115 = arith.constant 8 : i32
      %mul3A_116 = arith.muli %scan3A_20, %mul3A_115 : i32
      %add3A_117 = arith.constant 6 : i32
      %add3A_118 = arith.addi %mul3A_116, %add3A_117 : i32
      %add3A_119 = arith.constant 768 : i32
      %add3A_120 = arith.addi %mul3A_31, %add3A_119 : i32
      %dma_start3A_121 = arith.constant 0 : i32
      %dma_start3A_122 = tpu.memref_slice %arg7[%add3A_120, %dma_start3A_121] : memref<2048x16xf32, #tpu.memory_space<vmem>> -> memref<128x16xf32, #tpu.memory_space<vmem>>
      %dma_start3A_123 = arith.constant 0 : i32
      %dma_start3A_124 = tpu.memref_slice %arg6[%add3A_118, %dma_start3A_123] : memref<512x128xi32, #tpu.memory_space<vmem>> -> memref<1x128xi32, #tpu.memory_space<vmem>>
      %dma_start3A_125 = tpu.memref_squeeze %dma_start3A_124 : memref<1x128xi32, #tpu.memory_space<vmem>> -> memref<128xi32, #tpu.memory_space<vmem>>
      %dma_start3A_126 = arith.constant 0 : i32
      %dma_start3A_127 = arith.constant 0 : i32
      %dma_start3A_128 = tpu.memref_slice %arg2[%dma_start3A_126, %dma_start3A_127] : memref<1048576x16xf32, #tpu.memory_space<hbm>> -> memref<1048576x16xf32, #tpu.memory_space<hbm>>
      tpu.enqueue_indirect_dma source(%dma_start3A_128 : memref<1048576x16xf32, #tpu.memory_space<hbm>>) target(%dma_start3A_122 : memref<128x16xf32, #tpu.memory_space<vmem>>) offsets(%dma_start3A_125 : memref<128xi32, #tpu.memory_space<vmem>>) semaphore(%arg10 : memref<!tpu.dma_semaphore, #tpu.memory_space<semaphore_mem>>)
      %mul3A_129 = arith.constant 8 : i32
      %mul3A_130 = arith.muli %scan3A_20, %mul3A_129 : i32
      %add3A_131 = arith.constant 7 : i32
      %add3A_132 = arith.addi %mul3A_130, %add3A_131 : i32
      %add3A_133 = arith.constant 896 : i32
      %add3A_134 = arith.addi %mul3A_31, %add3A_133 : i32
      %dma_start3A_135 = arith.constant 0 : i32
      %dma_start3A_136 = tpu.memref_slice %arg7[%add3A_134, %dma_start3A_135] : memref<2048x16xf32, #tpu.memory_space<vmem>> -> memref<128x16xf32, #tpu.memory_space<vmem>>
      %dma_start3A_137 = arith.constant 0 : i32
      %dma_start3A_138 = tpu.memref_slice %arg6[%add3A_132, %dma_start3A_137] : memref<512x128xi32, #tpu.memory_space<vmem>> -> memref<1x128xi32, #tpu.memory_space<vmem>>
      %dma_start3A_139 = tpu.memref_squeeze %dma_start3A_138 : memref<1x128xi32, #tpu.memory_space<vmem>> -> memref<128xi32, #tpu.memory_space<vmem>>
      %dma_start3A_140 = arith.constant 0 : i32
      %dma_start3A_141 = arith.constant 0 : i32
      %dma_start3A_142 = tpu.memref_slice %arg2[%dma_start3A_140, %dma_start3A_141] : memref<1048576x16xf32, #tpu.memory_space<hbm>> -> memref<1048576x16xf32, #tpu.memory_space<hbm>>
      tpu.enqueue_indirect_dma source(%dma_start3A_142 : memref<1048576x16xf32, #tpu.memory_space<hbm>>) target(%dma_start3A_136 : memref<128x16xf32, #tpu.memory_space<vmem>>) offsets(%dma_start3A_139 : memref<128xi32, #tpu.memory_space<vmem>>) semaphore(%arg10 : memref<!tpu.dma_semaphore, #tpu.memory_space<semaphore_mem>>)
      %gt3A = arith.constant 0 : i32
      %gt3A_143 = arith.cmpi sgt, %scan3A_20, %gt3A : i32
      %convert_element_type3A = arith.extui %gt3A_143 : i1 to i32
      %cond3A = arith.constant 0 : i32
      %cond3A_144 = arith.cmpi ne, %convert_element_type3A, %cond3A : i32
      scf.if %cond3A_144 {
        %sub3A = arith.constant 1 : i32
        %sub3A_208 = arith.subi %scan3A_20, %sub3A : i32
        %jit3A_209 = arith.constant 2 : i32
        %eq3A_210 = arith.constant 0 : i32
        %eq3A_211 = arith.cmpi eq, %jit3A_209, %eq3A_210 : i32
        %jit3A_212 = arith.constant 1 : i32
        %select_n3A_213 = arith.select %eq3A_211, %jit3A_212, %jit3A_209 : i32
        %rem3A_214 = arith.remsi %sub3A_208, %select_n3A_213 : i32
        %ne3A_215 = arith.constant 0 : i32
        %ne3A_216 = arith.cmpi ne, %rem3A_214, %ne3A_215 : i32
        %lt3A_217 = arith.constant 0 : i32
        %lt3A_218 = arith.cmpi slt, %rem3A_214, %lt3A_217 : i32
        %lt3A_219 = arith.constant 0 : i32
        %lt3A_220 = arith.cmpi slt, %select_n3A_213, %lt3A_219 : i32
        %ne3A_221 = arith.xori %lt3A_218, %lt3A_220 : i1
        %and3A_222 = arith.andi %ne3A_221, %ne3A_216 : i1
        %add3A_223 = arith.addi %rem3A_214, %select_n3A_213 : i32
        %select_n3A_224 = arith.select %and3A_222, %add3A_223, %rem3A_214 : i32
        %mul3A_225 = arith.constant 1024 : i32
        %mul3A_226 = arith.muli %select_n3A_224, %mul3A_225 : i32
        %mul3A_227 = arith.constant 8 : i32
        %mul3A_228 = arith.muli %sub3A_208, %mul3A_227 : i32
        %add3A_229 = arith.addi %mul3A_2, %mul3A_228 : i32
        "tpu.region"() ({
          %run_scoped3A = tpu.sem_alloc : memref<!tpu.dma_semaphore, #tpu.memory_space<semaphore_mem>>
          %dma_start3A_241 = arith.constant 0 : i32
          %dma_start3A_242 = tpu.memref_slice %arg4[%add3A_229, %dma_start3A_241] : memref<16384x128xf32, #tpu.memory_space<hbm>> -> memref<8x128xf32, #tpu.memory_space<hbm>>
          %dma_start3A_243 = arith.constant 0 : i32
          %dma_start3A_244 = tpu.memref_slice %arg4[%add3A_229, %dma_start3A_243] : memref<16384x128xf32, #tpu.memory_space<hbm>> -> memref<8x128xf32, #tpu.memory_space<hbm>>
          tpu.enqueue_dma source(%dma_start3A_244 : memref<8x128xf32, #tpu.memory_space<hbm>>) target(%arg8 : memref<8x128xf32, #tpu.memory_space<vmem>>) target_semaphore(%run_scoped3A : memref<!tpu.dma_semaphore, #tpu.memory_space<semaphore_mem>>)
          %dma_wait3A_245 = arith.constant 0 : i32
          %dma_wait3A_246 = tpu.memref_slice %arg4[%add3A_229, %dma_wait3A_245] : memref<16384x128xf32, #tpu.memory_space<hbm>> -> memref<8x128xf32, #tpu.memory_space<hbm>>
          %dma_wait3A_247 = arith.constant 0 : i32
          %dma_wait3A_248 = tpu.memref_slice %arg4[%add3A_229, %dma_wait3A_247] : memref<16384x128xf32, #tpu.memory_space<hbm>> -> memref<8x128xf32, #tpu.memory_space<hbm>>
          tpu.wait_dma2 semaphore(%run_scoped3A : memref<!tpu.dma_semaphore, #tpu.memory_space<semaphore_mem>>) src(%dma_wait3A_248 : memref<8x128xf32, #tpu.memory_space<hbm>>) dst(%arg8 : memref<8x128xf32, #tpu.memory_space<vmem>>)
          tpu.yield
        }) : () -> ()
        %scan3A_230 = arith.constant 0 : i32
        %scan3A_231 = arith.constant 0 : i32
        %scan3A_232 = arith.constant 64 : i32
        %scan3A_233 = arith.addi %scan3A_231, %scan3A_232 : i32
        %scan3A_234 = arith.constant 1 : i32
        scf.for %scan3A_241 = %scan3A_231 to %scan3A_233 step %scan3A_234  : i32 {
          %jit3A_242 = arith.constant 8 : i32
          %div3A = arith.divsi %scan3A_241, %jit3A_242 : i32
          %sign3A = arith.constant 0 : i32
          %sign3A_243 = arith.cmpi sgt, %scan3A_241, %sign3A : i32
          %sign3A_244 = arith.extui %sign3A_243 : i1 to i32
          %sign3A_245 = arith.constant 0 : i32
          %sign3A_246 = arith.cmpi slt, %scan3A_241, %sign3A_245 : i32
          %sign3A_247 = arith.extui %sign3A_246 : i1 to i32
          %sign3A_248 = arith.subi %sign3A_244, %sign3A_247 : i32
          %sign3A_249 = arith.constant 0 : i32
          %sign3A_250 = arith.cmpi sgt, %jit3A_242, %sign3A_249 : i32
          %sign3A_251 = arith.extui %sign3A_250 : i1 to i32
          %sign3A_252 = arith.constant 0 : i32
          %sign3A_253 = arith.cmpi slt, %jit3A_242, %sign3A_252 : i32
          %sign3A_254 = arith.extui %sign3A_253 : i1 to i32
          %sign3A_255 = arith.subi %sign3A_251, %sign3A_254 : i32
          %ne3A_256 = arith.cmpi ne, %sign3A_248, %sign3A_255 : i32
          %rem3A_257 = arith.remsi %scan3A_241, %jit3A_242 : i32
          %ne3A_258 = arith.constant 0 : i32
          %ne3A_259 = arith.cmpi ne, %rem3A_257, %ne3A_258 : i32
          %and3A_260 = arith.andi %ne3A_256, %ne3A_259 : i1
          %sub3A_261 = arith.constant 1 : i32
          %sub3A_262 = arith.subi %div3A, %sub3A_261 : i32
          %select_n3A_263 = arith.select %and3A_260, %sub3A_262, %div3A : i32
          %jit3A_264 = arith.constant 8 : i32
          %eq3A_265 = arith.constant 0 : i32
          %eq3A_266 = arith.cmpi eq, %jit3A_264, %eq3A_265 : i32
          %jit3A_267 = arith.constant 1 : i32
          %select_n3A_268 = arith.select %eq3A_266, %jit3A_267, %jit3A_264 : i32
          %rem3A_269 = arith.remsi %scan3A_241, %select_n3A_268 : i32
          %ne3A_270 = arith.constant 0 : i32
          %ne3A_271 = arith.cmpi ne, %rem3A_269, %ne3A_270 : i32
          %lt3A_272 = arith.constant 0 : i32
          %lt3A_273 = arith.cmpi slt, %rem3A_269, %lt3A_272 : i32
          %lt3A_274 = arith.constant 0 : i32
          %lt3A_275 = arith.cmpi slt, %select_n3A_268, %lt3A_274 : i32
          %ne3A_276 = arith.xori %lt3A_273, %lt3A_275 : i1
          %and3A_277 = arith.andi %ne3A_276, %ne3A_271 : i1
          %add3A_278 = arith.addi %rem3A_269, %select_n3A_268 : i32
          %select_n3A_279 = arith.select %and3A_277, %add3A_278, %rem3A_269 : i32
          %mul3A_280 = arith.constant 16 : i32
          %mul3A_281 = arith.muli %select_n3A_279, %mul3A_280 : i32
          %get3A = arith.index_cast %select_n3A_263 : i32 to index
          %get3A_282 = arith.index_cast %mul3A_281 : i32 to index
          %get3A_283 = tpu.vector_load %arg8[%get3A, %get3A_282] {strides = array<i32>} : memref<8x128xf32, #tpu.memory_space<vmem>>, vector<1x16xf32>,
          %get3A_284 = vector.shape_cast %get3A_283 : vector<1x16xf32> to vector<16xf32>
          %mul3A_285 = arith.constant 16 : i32
          %mul3A_286 = arith.muli %scan3A_241, %mul3A_285 : i32
          %add3A_287 = arith.addi %mul3A_226, %mul3A_286 : i32
          %slice3A = vector.extract_strided_slice %get3A_284 {offsets = [0], sizes = [1], strides = [1]} : vector<16xf32> to vector<1xf32>
          %squeeze3A = vector.extract %slice3A[0] : f32 from vector<1xf32>
          %get3A_288 = arith.index_cast %add3A_287 : i32 to index
          %get3A_289 = arith.constant 0 : index
          %get3A_290 = tpu.vector_load %arg7[%get3A_288, %get3A_289] {strides = array<i32>} : memref<2048x16xf32, #tpu.memory_space<vmem>>, vector<1x16xf32>,
          %get3A_291 = vector.shape_cast %get3A_290 : vector<1x16xf32> to vector<16xf32>
          %mul3A_292 = vector.broadcast %squeeze3A : f32 to vector<16xf32>
          %mul3A_293 = arith.mulf %mul3A_292, %get3A_291 : vector<16xf32>
          %slice3A_294 = vector.extract_strided_slice %get3A_284 {offsets = [1], sizes = [1], strides = [1]} : vector<16xf32> to vector<1xf32>
          %squeeze3A_295 = vector.extract %slice3A_294[0] : f32 from vector<1xf32>
          %add3A_296 = arith.constant 1 : i32
          %add3A_297 = arith.addi %add3A_287, %add3A_296 : i32
          %get3A_298 = arith.index_cast %add3A_297 : i32 to index
          %get3A_299 = arith.constant 0 : index
          %get3A_300 = tpu.vector_load %arg7[%get3A_298, %get3A_299] {strides = array<i32>} : memref<2048x16xf32, #tpu.memory_space<vmem>>, vector<1x16xf32>,
          %get3A_301 = vector.shape_cast %get3A_300 : vector<1x16xf32> to vector<16xf32>
          %mul3A_302 = vector.broadcast %squeeze3A_295 : f32 to vector<16xf32>
          %mul3A_303 = arith.mulf %mul3A_302, %get3A_301 : vector<16xf32>
          %add3A_304 = arith.addf %mul3A_293, %mul3A_303 : vector<16xf32>
          %slice3A_305 = vector.extract_strided_slice %get3A_284 {offsets = [2], sizes = [1], strides = [1]} : vector<16xf32> to vector<1xf32>
          %squeeze3A_306 = vector.extract %slice3A_305[0] : f32 from vector<1xf32>
          %add3A_307 = arith.constant 2 : i32
          %add3A_308 = arith.addi %add3A_287, %add3A_307 : i32
          %get3A_309 = arith.index_cast %add3A_308 : i32 to index
          %get3A_310 = arith.constant 0 : index
          %get3A_311 = tpu.vector_load %arg7[%get3A_309, %get3A_310] {strides = array<i32>} : memref<2048x16xf32, #tpu.memory_space<vmem>>, vector<1x16xf32>,
          %get3A_312 = vector.shape_cast %get3A_311 : vector<1x16xf32> to vector<16xf32>
          %mul3A_313 = vector.broadcast %squeeze3A_306 : f32 to vector<16xf32>
          %mul3A_314 = arith.mulf %mul3A_313, %get3A_312 : vector<16xf32>
          %add3A_315 = arith.addf %add3A_304, %mul3A_314 : vector<16xf32>
          %slice3A_316 = vector.extract_strided_slice %get3A_284 {offsets = [3], sizes = [1], strides = [1]} : vector<16xf32> to vector<1xf32>
          %squeeze3A_317 = vector.extract %slice3A_316[0] : f32 from vector<1xf32>
          %add3A_318 = arith.constant 3 : i32
          %add3A_319 = arith.addi %add3A_287, %add3A_318 : i32
          %get3A_320 = arith.index_cast %add3A_319 : i32 to index
          %get3A_321 = arith.constant 0 : index
          %get3A_322 = tpu.vector_load %arg7[%get3A_320, %get3A_321] {strides = array<i32>} : memref<2048x16xf32, #tpu.memory_space<vmem>>, vector<1x16xf32>,
          %get3A_323 = vector.shape_cast %get3A_322 : vector<1x16xf32> to vector<16xf32>
          %mul3A_324 = vector.broadcast %squeeze3A_317 : f32 to vector<16xf32>
          %mul3A_325 = arith.mulf %mul3A_324, %get3A_323 : vector<16xf32>
          %add3A_326 = arith.addf %add3A_315, %mul3A_325 : vector<16xf32>
          %slice3A_327 = vector.extract_strided_slice %get3A_284 {offsets = [4], sizes = [1], strides = [1]} : vector<16xf32> to vector<1xf32>
          %squeeze3A_328 = vector.extract %slice3A_327[0] : f32 from vector<1xf32>
          %add3A_329 = arith.constant 4 : i32
          %add3A_330 = arith.addi %add3A_287, %add3A_329 : i32
          %get3A_331 = arith.index_cast %add3A_330 : i32 to index
          %get3A_332 = arith.constant 0 : index
          %get3A_333 = tpu.vector_load %arg7[%get3A_331, %get3A_332] {strides = array<i32>} : memref<2048x16xf32, #tpu.memory_space<vmem>>, vector<1x16xf32>,
          %get3A_334 = vector.shape_cast %get3A_333 : vector<1x16xf32> to vector<16xf32>
          %mul3A_335 = vector.broadcast %squeeze3A_328 : f32 to vector<16xf32>
          %mul3A_336 = arith.mulf %mul3A_335, %get3A_334 : vector<16xf32>
          %add3A_337 = arith.addf %add3A_326, %mul3A_336 : vector<16xf32>
          %slice3A_338 = vector.extract_strided_slice %get3A_284 {offsets = [5], sizes = [1], strides = [1]} : vector<16xf32> to vector<1xf32>
          %squeeze3A_339 = vector.extract %slice3A_338[0] : f32 from vector<1xf32>
          %add3A_340 = arith.constant 5 : i32
          %add3A_341 = arith.addi %add3A_287, %add3A_340 : i32
          %get3A_342 = arith.index_cast %add3A_341 : i32 to index
          %get3A_343 = arith.constant 0 : index
          %get3A_344 = tpu.vector_load %arg7[%get3A_342, %get3A_343] {strides = array<i32>} : memref<2048x16xf32, #tpu.memory_space<vmem>>, vector<1x16xf32>,
          %get3A_345 = vector.shape_cast %get3A_344 : vector<1x16xf32> to vector<16xf32>
          %mul3A_346 = vector.broadcast %squeeze3A_339 : f32 to vector<16xf32>
          %mul3A_347 = arith.mulf %mul3A_346, %get3A_345 : vector<16xf32>
          %add3A_348 = arith.addf %add3A_337, %mul3A_347 : vector<16xf32>
          %slice3A_349 = vector.extract_strided_slice %get3A_284 {offsets = [6], sizes = [1], strides = [1]} : vector<16xf32> to vector<1xf32>
          %squeeze3A_350 = vector.extract %slice3A_349[0] : f32 from vector<1xf32>
          %add3A_351 = arith.constant 6 : i32
          %add3A_352 = arith.addi %add3A_287, %add3A_351 : i32
          %get3A_353 = arith.index_cast %add3A_352 : i32 to index
          %get3A_354 = arith.constant 0 : index
          %get3A_355 = tpu.vector_load %arg7[%get3A_353, %get3A_354] {strides = array<i32>} : memref<2048x16xf32, #tpu.memory_space<vmem>>, vector<1x16xf32>,
          %get3A_356 = vector.shape_cast %get3A_355 : vector<1x16xf32> to vector<16xf32>
          %mul3A_357 = vector.broadcast %squeeze3A_350 : f32 to vector<16xf32>
          %mul3A_358 = arith.mulf %mul3A_357, %get3A_356 : vector<16xf32>
          %add3A_359 = arith.addf %add3A_348, %mul3A_358 : vector<16xf32>
          %slice3A_360 = vector.extract_strided_slice %get3A_284 {offsets = [7], sizes = [1], strides = [1]} : vector<16xf32> to vector<1xf32>
          %squeeze3A_361 = vector.extract %slice3A_360[0] : f32 from vector<1xf32>
          %add3A_362 = arith.constant 7 : i32
          %add3A_363 = arith.addi %add3A_287, %add3A_362 : i32
          %get3A_364 = arith.index_cast %add3A_363 : i32 to index
          %get3A_365 = arith.constant 0 : index
          %get3A_366 = tpu.vector_load %arg7[%get3A_364, %get3A_365] {strides = array<i32>} : memref<2048x16xf32, #tpu.memory_space<vmem>>, vector<1x16xf32>,
          %get3A_367 = vector.shape_cast %get3A_366 : vector<1x16xf32> to vector<16xf32>
          %mul3A_368 = vector.broadcast %squeeze3A_361 : f32 to vector<16xf32>
          %mul3A_369 = arith.mulf %mul3A_368, %get3A_367 : vector<16xf32>
          %add3A_370 = arith.addf %add3A_359, %mul3A_369 : vector<16xf32>
          %slice3A_371 = vector.extract_strided_slice %get3A_284 {offsets = [8], sizes = [1], strides = [1]} : vector<16xf32> to vector<1xf32>
          %squeeze3A_372 = vector.extract %slice3A_371[0] : f32 from vector<1xf32>
          %add3A_373 = arith.constant 8 : i32
          %add3A_374 = arith.addi %add3A_287, %add3A_373 : i32
          %get3A_375 = arith.index_cast %add3A_374 : i32 to index
          %get3A_376 = arith.constant 0 : index
          %get3A_377 = tpu.vector_load %arg7[%get3A_375, %get3A_376] {strides = array<i32>} : memref<2048x16xf32, #tpu.memory_space<vmem>>, vector<1x16xf32>,
          %get3A_378 = vector.shape_cast %get3A_377 : vector<1x16xf32> to vector<16xf32>
          %mul3A_379 = vector.broadcast %squeeze3A_372 : f32 to vector<16xf32>
          %mul3A_380 = arith.mulf %mul3A_379, %get3A_378 : vector<16xf32>
          %add3A_381 = arith.addf %add3A_370, %mul3A_380 : vector<16xf32>
          %slice3A_382 = vector.extract_strided_slice %get3A_284 {offsets = [9], sizes = [1], strides = [1]} : vector<16xf32> to vector<1xf32>
          %squeeze3A_383 = vector.extract %slice3A_382[0] : f32 from vector<1xf32>
          %add3A_384 = arith.constant 9 : i32
          %add3A_385 = arith.addi %add3A_287, %add3A_384 : i32
          %get3A_386 = arith.index_cast %add3A_385 : i32 to index
          %get3A_387 = arith.constant 0 : index
          %get3A_388 = tpu.vector_load %arg7[%get3A_386, %get3A_387] {strides = array<i32>} : memref<2048x16xf32, #tpu.memory_space<vmem>>, vector<1x16xf32>,
          %get3A_389 = vector.shape_cast %get3A_388 : vector<1x16xf32> to vector<16xf32>
          %mul3A_390 = vector.broadcast %squeeze3A_383 : f32 to vector<16xf32>
          %mul3A_391 = arith.mulf %mul3A_390, %get3A_389 : vector<16xf32>
          %add3A_392 = arith.addf %add3A_381, %mul3A_391 : vector<16xf32>
          %slice3A_393 = vector.extract_strided_slice %get3A_284 {offsets = [10], sizes = [1], strides = [1]} : vector<16xf32> to vector<1xf32>
          %squeeze3A_394 = vector.extract %slice3A_393[0] : f32 from vector<1xf32>
          %add3A_395 = arith.constant 10 : i32
          %add3A_396 = arith.addi %add3A_287, %add3A_395 : i32
          %get3A_397 = arith.index_cast %add3A_396 : i32 to index
          %get3A_398 = arith.constant 0 : index
          %get3A_399 = tpu.vector_load %arg7[%get3A_397, %get3A_398] {strides = array<i32>} : memref<2048x16xf32, #tpu.memory_space<vmem>>, vector<1x16xf32>,
          %get3A_400 = vector.shape_cast %get3A_399 : vector<1x16xf32> to vector<16xf32>
          %mul3A_401 = vector.broadcast %squeeze3A_394 : f32 to vector<16xf32>
          %mul3A_402 = arith.mulf %mul3A_401, %get3A_400 : vector<16xf32>
          %add3A_403 = arith.addf %add3A_392, %mul3A_402 : vector<16xf32>
          %slice3A_404 = vector.extract_strided_slice %get3A_284 {offsets = [11], sizes = [1], strides = [1]} : vector<16xf32> to vector<1xf32>
          %squeeze3A_405 = vector.extract %slice3A_404[0] : f32 from vector<1xf32>
          %add3A_406 = arith.constant 11 : i32
          %add3A_407 = arith.addi %add3A_287, %add3A_406 : i32
          %get3A_408 = arith.index_cast %add3A_407 : i32 to index
          %get3A_409 = arith.constant 0 : index
          %get3A_410 = tpu.vector_load %arg7[%get3A_408, %get3A_409] {strides = array<i32>} : memref<2048x16xf32, #tpu.memory_space<vmem>>, vector<1x16xf32>,
          %get3A_411 = vector.shape_cast %get3A_410 : vector<1x16xf32> to vector<16xf32>
          %mul3A_412 = vector.broadcast %squeeze3A_405 : f32 to vector<16xf32>
          %mul3A_413 = arith.mulf %mul3A_412, %get3A_411 : vector<16xf32>
          %add3A_414 = arith.addf %add3A_403, %mul3A_413 : vector<16xf32>
          %slice3A_415 = vector.extract_strided_slice %get3A_284 {offsets = [12], sizes = [1], strides = [1]} : vector<16xf32> to vector<1xf32>
          %squeeze3A_416 = vector.extract %slice3A_415[0] : f32 from vector<1xf32>
          %add3A_417 = arith.constant 12 : i32
          %add3A_418 = arith.addi %add3A_287, %add3A_417 : i32
          %get3A_419 = arith.index_cast %add3A_418 : i32 to index
          %get3A_420 = arith.constant 0 : index
          %get3A_421 = tpu.vector_load %arg7[%get3A_419, %get3A_420] {strides = array<i32>} : memref<2048x16xf32, #tpu.memory_space<vmem>>, vector<1x16xf32>,
          %get3A_422 = vector.shape_cast %get3A_421 : vector<1x16xf32> to vector<16xf32>
          %mul3A_423 = vector.broadcast %squeeze3A_416 : f32 to vector<16xf32>
          %mul3A_424 = arith.mulf %mul3A_423, %get3A_422 : vector<16xf32>
          %add3A_425 = arith.addf %add3A_414, %mul3A_424 : vector<16xf32>
          %slice3A_426 = vector.extract_strided_slice %get3A_284 {offsets = [13], sizes = [1], strides = [1]} : vector<16xf32> to vector<1xf32>
          %squeeze3A_427 = vector.extract %slice3A_426[0] : f32 from vector<1xf32>
          %add3A_428 = arith.constant 13 : i32
          %add3A_429 = arith.addi %add3A_287, %add3A_428 : i32
          %get3A_430 = arith.index_cast %add3A_429 : i32 to index
          %get3A_431 = arith.constant 0 : index
          %get3A_432 = tpu.vector_load %arg7[%get3A_430, %get3A_431] {strides = array<i32>} : memref<2048x16xf32, #tpu.memory_space<vmem>>, vector<1x16xf32>,
          %get3A_433 = vector.shape_cast %get3A_432 : vector<1x16xf32> to vector<16xf32>
          %mul3A_434 = vector.broadcast %squeeze3A_427 : f32 to vector<16xf32>
          %mul3A_435 = arith.mulf %mul3A_434, %get3A_433 : vector<16xf32>
          %add3A_436 = arith.addf %add3A_425, %mul3A_435 : vector<16xf32>
          %slice3A_437 = vector.extract_strided_slice %get3A_284 {offsets = [14], sizes = [1], strides = [1]} : vector<16xf32> to vector<1xf32>
          %squeeze3A_438 = vector.extract %slice3A_437[0] : f32 from vector<1xf32>
          %add3A_439 = arith.constant 14 : i32
          %add3A_440 = arith.addi %add3A_287, %add3A_439 : i32
          %get3A_441 = arith.index_cast %add3A_440 : i32 to index
          %get3A_442 = arith.constant 0 : index
          %get3A_443 = tpu.vector_load %arg7[%get3A_441, %get3A_442] {strides = array<i32>} : memref<2048x16xf32, #tpu.memory_space<vmem>>, vector<1x16xf32>,
          %get3A_444 = vector.shape_cast %get3A_443 : vector<1x16xf32> to vector<16xf32>
          %mul3A_445 = vector.broadcast %squeeze3A_438 : f32 to vector<16xf32>
          %mul3A_446 = arith.mulf %mul3A_445, %get3A_444 : vector<16xf32>
          %add3A_447 = arith.addf %add3A_436, %mul3A_446 : vector<16xf32>
          %slice3A_448 = vector.extract_strided_slice %get3A_284 {offsets = [15], sizes = [1], strides = [1]} : vector<16xf32> to vector<1xf32>
          %squeeze3A_449 = vector.extract %slice3A_448[0] : f32 from vector<1xf32>
          %add3A_450 = arith.constant 15 : i32
          %add3A_451 = arith.addi %add3A_287, %add3A_450 : i32
          %get3A_452 = arith.index_cast %add3A_451 : i32 to index
          %get3A_453 = arith.constant 0 : index
          %get3A_454 = tpu.vector_load %arg7[%get3A_452, %get3A_453] {strides = array<i32>} : memref<2048x16xf32, #tpu.memory_space<vmem>>, vector<1x16xf32>,
          %get3A_455 = vector.shape_cast %get3A_454 : vector<1x16xf32> to vector<16xf32>
          %mul3A_456 = vector.broadcast %squeeze3A_449 : f32 to vector<16xf32>
          %mul3A_457 = arith.mulf %mul3A_456, %get3A_455 : vector<16xf32>
          %add3A_458 = arith.addf %add3A_447, %mul3A_457 : vector<16xf32>
          %swap3A = arith.index_cast %scan3A_241 : i32 to index
          %swap3A_459 = arith.constant 0 : index
          %swap3A_460 = tpu.vector_load %arg9[%swap3A, %swap3A_459] {strides = array<i32>} : memref<64x16xf32, #tpu.memory_space<vmem>>, vector<1x16xf32>,
          %swap3A_461 = vector.shape_cast %swap3A_460 : vector<1x16xf32> to vector<16xf32>
          %swap3A_462 = vector.shape_cast %add3A_458 : vector<16xf32> to vector<1x16xf32>
          tpu.vector_store %arg9[%swap3A, %swap3A_459], %swap3A_462 {strides = array<i32>} : memref<64x16xf32, #tpu.memory_space<vmem>>, vector<1x16xf32>,
        }
        %scan3A_235 = arith.constant 64 : i32
        %mul3A_236 = arith.constant 4096 : i32
        %mul3A_237 = arith.muli %add3A, %mul3A_236 : i32
        %mul3A_238 = arith.constant 64 : i32
        %mul3A_239 = arith.muli %sub3A_208, %mul3A_238 : i32
        %add3A_240 = arith.addi %mul3A_237, %mul3A_239 : i32
        "tpu.region"() ({
          %run_scoped3A = tpu.sem_alloc : memref<!tpu.dma_semaphore, #tpu.memory_space<semaphore_mem>>
          %dma_start3A_241 = arith.constant 0 : i32
          %dma_start3A_242 = tpu.memref_slice %arg5[%add3A_240, %dma_start3A_241] : memref<131072x128xf32, #tpu.memory_space<hbm>> -> memref<64x16xf32, #tpu.memory_space<hbm>>
          %dma_start3A_243 = arith.constant 0 : i32
          %dma_start3A_244 = tpu.memref_slice %arg5[%add3A_240, %dma_start3A_243] : memref<131072x128xf32, #tpu.memory_space<hbm>> -> memref<64x16xf32, #tpu.memory_space<hbm>>
          tpu.enqueue_dma source(%arg9 : memref<64x16xf32, #tpu.memory_space<vmem>>) target(%dma_start3A_244 : memref<64x16xf32, #tpu.memory_space<hbm>>) target_semaphore(%run_scoped3A : memref<!tpu.dma_semaphore, #tpu.memory_space<semaphore_mem>>)
          %dma_wait3A_245 = arith.constant 0 : i32
          %dma_wait3A_246 = tpu.memref_slice %arg5[%add3A_240, %dma_wait3A_245] : memref<131072x128xf32, #tpu.memory_space<hbm>> -> memref<64x16xf32, #tpu.memory_space<hbm>>
          %dma_wait3A_247 = arith.constant 0 : i32
          %dma_wait3A_248 = tpu.memref_slice %arg5[%add3A_240, %dma_wait3A_247] : memref<131072x128xf32, #tpu.memory_space<hbm>> -> memref<64x16xf32, #tpu.memory_space<hbm>>
          tpu.wait_dma2 semaphore(%run_scoped3A : memref<!tpu.dma_semaphore, #tpu.memory_space<semaphore_mem>>) src(%arg9 : memref<64x16xf32, #tpu.memory_space<vmem>>) dst(%dma_wait3A_248 : memref<64x16xf32, #tpu.memory_space<hbm>>)
          tpu.yield
        }) : () -> ()
      } else {
      }
      %dma_wait3A = arith.constant 0 : i32
      %dma_wait3A_145 = tpu.memref_slice %arg7[%add3A_37, %dma_wait3A] : memref<2048x16xf32, #tpu.memory_space<vmem>> -> memref<128x16xf32, #tpu.memory_space<vmem>>
      %dma_wait3A_146 = arith.constant 0 : i32
      %dma_wait3A_147 = tpu.memref_slice %arg6[%add3A_35, %dma_wait3A_146] : memref<512x128xi32, #tpu.memory_space<vmem>> -> memref<1x128xi32, #tpu.memory_space<vmem>>
      %dma_wait3A_148 = tpu.memref_squeeze %dma_wait3A_147 : memref<1x128xi32, #tpu.memory_space<vmem>> -> memref<128xi32, #tpu.memory_space<vmem>>
      %dma_wait3A_149 = arith.constant 0 : i32
      %dma_wait3A_150 = arith.constant 0 : i32
      %dma_wait3A_151 = tpu.memref_slice %arg2[%dma_wait3A_149, %dma_wait3A_150] : memref<1048576x16xf32, #tpu.memory_space<hbm>> -> memref<1048576x16xf32, #tpu.memory_space<hbm>>
      tpu.wait_indirect_dma semaphore(%arg10 : memref<!tpu.dma_semaphore, #tpu.memory_space<semaphore_mem>>) src(%dma_wait3A_151 : memref<1048576x16xf32, #tpu.memory_space<hbm>>) dst(%dma_wait3A_145 : memref<128x16xf32, #tpu.memory_space<vmem>>)
      %dma_wait3A_152 = arith.constant 0 : i32
      %dma_wait3A_153 = tpu.memref_slice %arg7[%add3A_50, %dma_wait3A_152] : memref<2048x16xf32, #tpu.memory_space<vmem>> -> memref<128x16xf32, #tpu.memory_space<vmem>>
      %dma_wait3A_154 = arith.constant 0 : i32
      %dma_wait3A_155 = tpu.memref_slice %arg6[%add3A_48, %dma_wait3A_154] : memref<512x128xi32, #tpu.memory_space<vmem>> -> memref<1x128xi32, #tpu.memory_space<vmem>>
      %dma_wait3A_156 = tpu.memref_squeeze %dma_wait3A_155 : memref<1x128xi32, #tpu.memory_space<vmem>> -> memref<128xi32, #tpu.memory_space<vmem>>
      %dma_wait3A_157 = arith.constant 0 : i32
      %dma_wait3A_158 = arith.constant 0 : i32
      %dma_wait3A_159 = tpu.memref_slice %arg2[%dma_wait3A_157, %dma_wait3A_158] : memref<1048576x16xf32, #tpu.memory_space<hbm>> -> memref<1048576x16xf32, #tpu.memory_space<hbm>>
      tpu.wait_indirect_dma semaphore(%arg10 : memref<!tpu.dma_semaphore, #tpu.memory_space<semaphore_mem>>) src(%dma_wait3A_159 : memref<1048576x16xf32, #tpu.memory_space<hbm>>) dst(%dma_wait3A_153 : memref<128x16xf32, #tpu.memory_space<vmem>>)
      %dma_wait3A_160 = arith.constant 0 : i32
      %dma_wait3A_161 = tpu.memref_slice %arg7[%add3A_64, %dma_wait3A_160] : memref<2048x16xf32, #tpu.memory_space<vmem>> -> memref<128x16xf32, #tpu.memory_space<vmem>>
      %dma_wait3A_162 = arith.constant 0 : i32
      %dma_wait3A_163 = tpu.memref_slice %arg6[%add3A_62, %dma_wait3A_162] : memref<512x128xi32, #tpu.memory_space<vmem>> -> memref<1x128xi32, #tpu.memory_space<vmem>>
      %dma_wait3A_164 = tpu.memref_squeeze %dma_wait3A_163 : memref<1x128xi32, #tpu.memory_space<vmem>> -> memref<128xi32, #tpu.memory_space<vmem>>
      %dma_wait3A_165 = arith.constant 0 : i32
      %dma_wait3A_166 = arith.constant 0 : i32
      %dma_wait3A_167 = tpu.memref_slice %arg2[%dma_wait3A_165, %dma_wait3A_166] : memref<1048576x16xf32, #tpu.memory_space<hbm>> -> memref<1048576x16xf32, #tpu.memory_space<hbm>>
      tpu.wait_indirect_dma semaphore(%arg10 : memref<!tpu.dma_semaphore, #tpu.memory_space<semaphore_mem>>) src(%dma_wait3A_167 : memref<1048576x16xf32, #tpu.memory_space<hbm>>) dst(%dma_wait3A_161 : memref<128x16xf32, #tpu.memory_space<vmem>>)
      %dma_wait3A_168 = arith.constant 0 : i32
      %dma_wait3A_169 = tpu.memref_slice %arg7[%add3A_78, %dma_wait3A_168] : memref<2048x16xf32, #tpu.memory_space<vmem>> -> memref<128x16xf32, #tpu.memory_space<vmem>>
      %dma_wait3A_170 = arith.constant 0 : i32
      %dma_wait3A_171 = tpu.memref_slice %arg6[%add3A_76, %dma_wait3A_170] : memref<512x128xi32, #tpu.memory_space<vmem>> -> memref<1x128xi32, #tpu.memory_space<vmem>>
      %dma_wait3A_172 = tpu.memref_squeeze %dma_wait3A_171 : memref<1x128xi32, #tpu.memory_space<vmem>> -> memref<128xi32, #tpu.memory_space<vmem>>
      %dma_wait3A_173 = arith.constant 0 : i32
      %dma_wait3A_174 = arith.constant 0 : i32
      %dma_wait3A_175 = tpu.memref_slice %arg2[%dma_wait3A_173, %dma_wait3A_174] : memref<1048576x16xf32, #tpu.memory_space<hbm>> -> memref<1048576x16xf32, #tpu.memory_space<hbm>>
      tpu.wait_indirect_dma semaphore(%arg10 : memref<!tpu.dma_semaphore, #tpu.memory_space<semaphore_mem>>) src(%dma_wait3A_175 : memref<1048576x16xf32, #tpu.memory_space<hbm>>) dst(%dma_wait3A_169 : memref<128x16xf32, #tpu.memory_space<vmem>>)
      %dma_wait3A_176 = arith.constant 0 : i32
      %dma_wait3A_177 = tpu.memref_slice %arg7[%add3A_92, %dma_wait3A_176] : memref<2048x16xf32, #tpu.memory_space<vmem>> -> memref<128x16xf32, #tpu.memory_space<vmem>>
      %dma_wait3A_178 = arith.constant 0 : i32
      %dma_wait3A_179 = tpu.memref_slice %arg6[%add3A_90, %dma_wait3A_178] : memref<512x128xi32, #tpu.memory_space<vmem>> -> memref<1x128xi32, #tpu.memory_space<vmem>>
      %dma_wait3A_180 = tpu.memref_squeeze %dma_wait3A_179 : memref<1x128xi32, #tpu.memory_space<vmem>> -> memref<128xi32, #tpu.memory_space<vmem>>
      %dma_wait3A_181 = arith.constant 0 : i32
      %dma_wait3A_182 = arith.constant 0 : i32
      %dma_wait3A_183 = tpu.memref_slice %arg2[%dma_wait3A_181, %dma_wait3A_182] : memref<1048576x16xf32, #tpu.memory_space<hbm>> -> memref<1048576x16xf32, #tpu.memory_space<hbm>>
      tpu.wait_indirect_dma semaphore(%arg10 : memref<!tpu.dma_semaphore, #tpu.memory_space<semaphore_mem>>) src(%dma_wait3A_183 : memref<1048576x16xf32, #tpu.memory_space<hbm>>) dst(%dma_wait3A_177 : memref<128x16xf32, #tpu.memory_space<vmem>>)
      %dma_wait3A_184 = arith.constant 0 : i32
      %dma_wait3A_185 = tpu.memref_slice %arg7[%add3A_106, %dma_wait3A_184] : memref<2048x16xf32, #tpu.memory_space<vmem>> -> memref<128x16xf32, #tpu.memory_space<vmem>>
      %dma_wait3A_186 = arith.constant 0 : i32
      %dma_wait3A_187 = tpu.memref_slice %arg6[%add3A_104, %dma_wait3A_186] : memref<512x128xi32, #tpu.memory_space<vmem>> -> memref<1x128xi32, #tpu.memory_space<vmem>>
      %dma_wait3A_188 = tpu.memref_squeeze %dma_wait3A_187 : memref<1x128xi32, #tpu.memory_space<vmem>> -> memref<128xi32, #tpu.memory_space<vmem>>
      %dma_wait3A_189 = arith.constant 0 : i32
      %dma_wait3A_190 = arith.constant 0 : i32
      %dma_wait3A_191 = tpu.memref_slice %arg2[%dma_wait3A_189, %dma_wait3A_190] : memref<1048576x16xf32, #tpu.memory_space<hbm>> -> memref<1048576x16xf32, #tpu.memory_space<hbm>>
      tpu.wait_indirect_dma semaphore(%arg10 : memref<!tpu.dma_semaphore, #tpu.memory_space<semaphore_mem>>) src(%dma_wait3A_191 : memref<1048576x16xf32, #tpu.memory_space<hbm>>) dst(%dma_wait3A_185 : memref<128x16xf32, #tpu.memory_space<vmem>>)
      %dma_wait3A_192 = arith.constant 0 : i32
      %dma_wait3A_193 = tpu.memref_slice %arg7[%add3A_120, %dma_wait3A_192] : memref<2048x16xf32, #tpu.memory_space<vmem>> -> memref<128x16xf32, #tpu.memory_space<vmem>>
      %dma_wait3A_194 = arith.constant 0 : i32
      %dma_wait3A_195 = tpu.memref_slice %arg6[%add3A_118, %dma_wait3A_194] : memref<512x128xi32, #tpu.memory_space<vmem>> -> memref<1x128xi32, #tpu.memory_space<vmem>>
      %dma_wait3A_196 = tpu.memref_squeeze %dma_wait3A_195 : memref<1x128xi32, #tpu.memory_space<vmem>> -> memref<128xi32, #tpu.memory_space<vmem>>
      %dma_wait3A_197 = arith.constant 0 : i32
      %dma_wait3A_198 = arith.constant 0 : i32
      %dma_wait3A_199 = tpu.memref_slice %arg2[%dma_wait3A_197, %dma_wait3A_198] : memref<1048576x16xf32, #tpu.memory_space<hbm>> -> memref<1048576x16xf32, #tpu.memory_space<hbm>>
      tpu.wait_indirect_dma semaphore(%arg10 : memref<!tpu.dma_semaphore, #tpu.memory_space<semaphore_mem>>) src(%dma_wait3A_199 : memref<1048576x16xf32, #tpu.memory_space<hbm>>) dst(%dma_wait3A_193 : memref<128x16xf32, #tpu.memory_space<vmem>>)
      %dma_wait3A_200 = arith.constant 0 : i32
      %dma_wait3A_201 = tpu.memref_slice %arg7[%add3A_134, %dma_wait3A_200] : memref<2048x16xf32, #tpu.memory_space<vmem>> -> memref<128x16xf32, #tpu.memory_space<vmem>>
      %dma_wait3A_202 = arith.constant 0 : i32
      %dma_wait3A_203 = tpu.memref_slice %arg6[%add3A_132, %dma_wait3A_202] : memref<512x128xi32, #tpu.memory_space<vmem>> -> memref<1x128xi32, #tpu.memory_space<vmem>>
      %dma_wait3A_204 = tpu.memref_squeeze %dma_wait3A_203 : memref<1x128xi32, #tpu.memory_space<vmem>> -> memref<128xi32, #tpu.memory_space<vmem>>
      %dma_wait3A_205 = arith.constant 0 : i32
      %dma_wait3A_206 = arith.constant 0 : i32
      %dma_wait3A_207 = tpu.memref_slice %arg2[%dma_wait3A_205, %dma_wait3A_206] : memref<1048576x16xf32, #tpu.memory_space<hbm>> -> memref<1048576x16xf32, #tpu.memory_space<hbm>>
      tpu.wait_indirect_dma semaphore(%arg10 : memref<!tpu.dma_semaphore, #tpu.memory_space<semaphore_mem>>) src(%dma_wait3A_207 : memref<1048576x16xf32, #tpu.memory_space<hbm>>) dst(%dma_wait3A_201 : memref<128x16xf32, #tpu.memory_space<vmem>>)
    }
    %scan3A_7 = arith.constant 64 : i32
    %add3A_8 = arith.constant 504 : i32
    %add3A_9 = arith.addi %mul3A_2, %add3A_8 : i32
    "tpu.region"() ({
      %run_scoped3A = tpu.sem_alloc : memref<!tpu.dma_semaphore, #tpu.memory_space<semaphore_mem>>
      %dma_start3A = arith.constant 0 : i32
      %dma_start3A_20 = tpu.memref_slice %arg4[%add3A_9, %dma_start3A] : memref<16384x128xf32, #tpu.memory_space<hbm>> -> memref<8x128xf32, #tpu.memory_space<hbm>>
      %dma_start3A_21 = arith.constant 0 : i32
      %dma_start3A_22 = tpu.memref_slice %arg4[%add3A_9, %dma_start3A_21] : memref<16384x128xf32, #tpu.memory_space<hbm>> -> memref<8x128xf32, #tpu.memory_space<hbm>>
      tpu.enqueue_dma source(%dma_start3A_22 : memref<8x128xf32, #tpu.memory_space<hbm>>) target(%arg8 : memref<8x128xf32, #tpu.memory_space<vmem>>) target_semaphore(%run_scoped3A : memref<!tpu.dma_semaphore, #tpu.memory_space<semaphore_mem>>)
      %dma_wait3A = arith.constant 0 : i32
      %dma_wait3A_23 = tpu.memref_slice %arg4[%add3A_9, %dma_wait3A] : memref<16384x128xf32, #tpu.memory_space<hbm>> -> memref<8x128xf32, #tpu.memory_space<hbm>>
      %dma_wait3A_24 = arith.constant 0 : i32
      %dma_wait3A_25 = tpu.memref_slice %arg4[%add3A_9, %dma_wait3A_24] : memref<16384x128xf32, #tpu.memory_space<hbm>> -> memref<8x128xf32, #tpu.memory_space<hbm>>
      tpu.wait_dma2 semaphore(%run_scoped3A : memref<!tpu.dma_semaphore, #tpu.memory_space<semaphore_mem>>) src(%dma_wait3A_25 : memref<8x128xf32, #tpu.memory_space<hbm>>) dst(%arg8 : memref<8x128xf32, #tpu.memory_space<vmem>>)
      tpu.yield
    }) : () -> ()
    %scan3A_10 = arith.constant 0 : i32
    %scan3A_11 = arith.constant 0 : i32
    %scan3A_12 = arith.constant 64 : i32
    %scan3A_13 = arith.addi %scan3A_11, %scan3A_12 : i32
    %scan3A_14 = arith.constant 1 : i32
    scf.for %scan3A_20 = %scan3A_11 to %scan3A_13 step %scan3A_14  : i32 {
      %jit3A = arith.constant 8 : i32
      %div3A = arith.divsi %scan3A_20, %jit3A : i32
      %sign3A = arith.constant 0 : i32
      %sign3A_21 = arith.cmpi sgt, %scan3A_20, %sign3A : i32
      %sign3A_22 = arith.extui %sign3A_21 : i1 to i32
      %sign3A_23 = arith.constant 0 : i32
      %sign3A_24 = arith.cmpi slt, %scan3A_20, %sign3A_23 : i32
      %sign3A_25 = arith.extui %sign3A_24 : i1 to i32
      %sign3A_26 = arith.subi %sign3A_22, %sign3A_25 : i32
      %sign3A_27 = arith.constant 0 : i32
      %sign3A_28 = arith.cmpi sgt, %jit3A, %sign3A_27 : i32
      %sign3A_29 = arith.extui %sign3A_28 : i1 to i32
      %sign3A_30 = arith.constant 0 : i32
      %sign3A_31 = arith.cmpi slt, %jit3A, %sign3A_30 : i32
      %sign3A_32 = arith.extui %sign3A_31 : i1 to i32
      %sign3A_33 = arith.subi %sign3A_29, %sign3A_32 : i32
      %ne3A = arith.cmpi ne, %sign3A_26, %sign3A_33 : i32
      %rem3A = arith.remsi %scan3A_20, %jit3A : i32
      %ne3A_34 = arith.constant 0 : i32
      %ne3A_35 = arith.cmpi ne, %rem3A, %ne3A_34 : i32
      %and3A = arith.andi %ne3A, %ne3A_35 : i1
      %sub3A = arith.constant 1 : i32
      %sub3A_36 = arith.subi %div3A, %sub3A : i32
      %select_n3A = arith.select %and3A, %sub3A_36, %div3A : i32
      %jit3A_37 = arith.constant 8 : i32
      %eq3A = arith.constant 0 : i32
      %eq3A_38 = arith.cmpi eq, %jit3A_37, %eq3A : i32
      %jit3A_39 = arith.constant 1 : i32
      %select_n3A_40 = arith.select %eq3A_38, %jit3A_39, %jit3A_37 : i32
      %rem3A_41 = arith.remsi %scan3A_20, %select_n3A_40 : i32
      %ne3A_42 = arith.constant 0 : i32
      %ne3A_43 = arith.cmpi ne, %rem3A_41, %ne3A_42 : i32
      %lt3A = arith.constant 0 : i32
      %lt3A_44 = arith.cmpi slt, %rem3A_41, %lt3A : i32
      %lt3A_45 = arith.constant 0 : i32
      %lt3A_46 = arith.cmpi slt, %select_n3A_40, %lt3A_45 : i32
      %ne3A_47 = arith.xori %lt3A_44, %lt3A_46 : i1
      %and3A_48 = arith.andi %ne3A_47, %ne3A_43 : i1
      %add3A_49 = arith.addi %rem3A_41, %select_n3A_40 : i32
      %select_n3A_50 = arith.select %and3A_48, %add3A_49, %rem3A_41 : i32
      %mul3A_51 = arith.constant 16 : i32
      %mul3A_52 = arith.muli %select_n3A_50, %mul3A_51 : i32
      %get3A = arith.index_cast %select_n3A : i32 to index
      %get3A_53 = arith.index_cast %mul3A_52 : i32 to index
      %get3A_54 = tpu.vector_load %arg8[%get3A, %get3A_53] {strides = array<i32>} : memref<8x128xf32, #tpu.memory_space<vmem>>, vector<1x16xf32>,
      %get3A_55 = vector.shape_cast %get3A_54 : vector<1x16xf32> to vector<16xf32>
      %mul3A_56 = arith.constant 16 : i32
      %mul3A_57 = arith.muli %scan3A_20, %mul3A_56 : i32
      %add3A_58 = arith.constant 1024 : i32
      %add3A_59 = arith.addi %add3A_58, %mul3A_57 : i32
      %slice3A = vector.extract_strided_slice %get3A_55 {offsets = [0], sizes = [1], strides = [1]} : vector<16xf32> to vector<1xf32>
      %squeeze3A = vector.extract %slice3A[0] : f32 from vector<1xf32>
      %get3A_60 = arith.index_cast %add3A_59 : i32 to index
      %get3A_61 = arith.constant 0 : index
      %get3A_62 = tpu.vector_load %arg7[%get3A_60, %get3A_61] {strides = array<i32>} : memref<2048x16xf32, #tpu.memory_space<vmem>>, vector<1x16xf32>,
      %get3A_63 = vector.shape_cast %get3A_62 : vector<1x16xf32> to vector<16xf32>
      %mul3A_64 = vector.broadcast %squeeze3A : f32 to vector<16xf32>
      %mul3A_65 = arith.mulf %mul3A_64, %get3A_63 : vector<16xf32>
      %slice3A_66 = vector.extract_strided_slice %get3A_55 {offsets = [1], sizes = [1], strides = [1]} : vector<16xf32> to vector<1xf32>
      %squeeze3A_67 = vector.extract %slice3A_66[0] : f32 from vector<1xf32>
      %add3A_68 = arith.constant 1 : i32
      %add3A_69 = arith.addi %add3A_59, %add3A_68 : i32
      %get3A_70 = arith.index_cast %add3A_69 : i32 to index
      %get3A_71 = arith.constant 0 : index
      %get3A_72 = tpu.vector_load %arg7[%get3A_70, %get3A_71] {strides = array<i32>} : memref<2048x16xf32, #tpu.memory_space<vmem>>, vector<1x16xf32>,
      %get3A_73 = vector.shape_cast %get3A_72 : vector<1x16xf32> to vector<16xf32>
      %mul3A_74 = vector.broadcast %squeeze3A_67 : f32 to vector<16xf32>
      %mul3A_75 = arith.mulf %mul3A_74, %get3A_73 : vector<16xf32>
      %add3A_76 = arith.addf %mul3A_65, %mul3A_75 : vector<16xf32>
      %slice3A_77 = vector.extract_strided_slice %get3A_55 {offsets = [2], sizes = [1], strides = [1]} : vector<16xf32> to vector<1xf32>
      %squeeze3A_78 = vector.extract %slice3A_77[0] : f32 from vector<1xf32>
      %add3A_79 = arith.constant 2 : i32
      %add3A_80 = arith.addi %add3A_59, %add3A_79 : i32
      %get3A_81 = arith.index_cast %add3A_80 : i32 to index
      %get3A_82 = arith.constant 0 : index
      %get3A_83 = tpu.vector_load %arg7[%get3A_81, %get3A_82] {strides = array<i32>} : memref<2048x16xf32, #tpu.memory_space<vmem>>, vector<1x16xf32>,
      %get3A_84 = vector.shape_cast %get3A_83 : vector<1x16xf32> to vector<16xf32>
      %mul3A_85 = vector.broadcast %squeeze3A_78 : f32 to vector<16xf32>
      %mul3A_86 = arith.mulf %mul3A_85, %get3A_84 : vector<16xf32>
      %add3A_87 = arith.addf %add3A_76, %mul3A_86 : vector<16xf32>
      %slice3A_88 = vector.extract_strided_slice %get3A_55 {offsets = [3], sizes = [1], strides = [1]} : vector<16xf32> to vector<1xf32>
      %squeeze3A_89 = vector.extract %slice3A_88[0] : f32 from vector<1xf32>
      %add3A_90 = arith.constant 3 : i32
      %add3A_91 = arith.addi %add3A_59, %add3A_90 : i32
      %get3A_92 = arith.index_cast %add3A_91 : i32 to index
      %get3A_93 = arith.constant 0 : index
      %get3A_94 = tpu.vector_load %arg7[%get3A_92, %get3A_93] {strides = array<i32>} : memref<2048x16xf32, #tpu.memory_space<vmem>>, vector<1x16xf32>,
      %get3A_95 = vector.shape_cast %get3A_94 : vector<1x16xf32> to vector<16xf32>
      %mul3A_96 = vector.broadcast %squeeze3A_89 : f32 to vector<16xf32>
      %mul3A_97 = arith.mulf %mul3A_96, %get3A_95 : vector<16xf32>
      %add3A_98 = arith.addf %add3A_87, %mul3A_97 : vector<16xf32>
      %slice3A_99 = vector.extract_strided_slice %get3A_55 {offsets = [4], sizes = [1], strides = [1]} : vector<16xf32> to vector<1xf32>
      %squeeze3A_100 = vector.extract %slice3A_99[0] : f32 from vector<1xf32>
      %add3A_101 = arith.constant 4 : i32
      %add3A_102 = arith.addi %add3A_59, %add3A_101 : i32
      %get3A_103 = arith.index_cast %add3A_102 : i32 to index
      %get3A_104 = arith.constant 0 : index
      %get3A_105 = tpu.vector_load %arg7[%get3A_103, %get3A_104] {strides = array<i32>} : memref<2048x16xf32, #tpu.memory_space<vmem>>, vector<1x16xf32>,
      %get3A_106 = vector.shape_cast %get3A_105 : vector<1x16xf32> to vector<16xf32>
      %mul3A_107 = vector.broadcast %squeeze3A_100 : f32 to vector<16xf32>
      %mul3A_108 = arith.mulf %mul3A_107, %get3A_106 : vector<16xf32>
      %add3A_109 = arith.addf %add3A_98, %mul3A_108 : vector<16xf32>
      %slice3A_110 = vector.extract_strided_slice %get3A_55 {offsets = [5], sizes = [1], strides = [1]} : vector<16xf32> to vector<1xf32>
      %squeeze3A_111 = vector.extract %slice3A_110[0] : f32 from vector<1xf32>
      %add3A_112 = arith.constant 5 : i32
      %add3A_113 = arith.addi %add3A_59, %add3A_112 : i32
      %get3A_114 = arith.index_cast %add3A_113 : i32 to index
      %get3A_115 = arith.constant 0 : index
      %get3A_116 = tpu.vector_load %arg7[%get3A_114, %get3A_115] {strides = array<i32>} : memref<2048x16xf32, #tpu.memory_space<vmem>>, vector<1x16xf32>,
      %get3A_117 = vector.shape_cast %get3A_116 : vector<1x16xf32> to vector<16xf32>
      %mul3A_118 = vector.broadcast %squeeze3A_111 : f32 to vector<16xf32>
      %mul3A_119 = arith.mulf %mul3A_118, %get3A_117 : vector<16xf32>
      %add3A_120 = arith.addf %add3A_109, %mul3A_119 : vector<16xf32>
      %slice3A_121 = vector.extract_strided_slice %get3A_55 {offsets = [6], sizes = [1], strides = [1]} : vector<16xf32> to vector<1xf32>
      %squeeze3A_122 = vector.extract %slice3A_121[0] : f32 from vector<1xf32>
      %add3A_123 = arith.constant 6 : i32
      %add3A_124 = arith.addi %add3A_59, %add3A_123 : i32
      %get3A_125 = arith.index_cast %add3A_124 : i32 to index
      %get3A_126 = arith.constant 0 : index
      %get3A_127 = tpu.vector_load %arg7[%get3A_125, %get3A_126] {strides = array<i32>} : memref<2048x16xf32, #tpu.memory_space<vmem>>, vector<1x16xf32>,
      %get3A_128 = vector.shape_cast %get3A_127 : vector<1x16xf32> to vector<16xf32>
      %mul3A_129 = vector.broadcast %squeeze3A_122 : f32 to vector<16xf32>
      %mul3A_130 = arith.mulf %mul3A_129, %get3A_128 : vector<16xf32>
      %add3A_131 = arith.addf %add3A_120, %mul3A_130 : vector<16xf32>
      %slice3A_132 = vector.extract_strided_slice %get3A_55 {offsets = [7], sizes = [1], strides = [1]} : vector<16xf32> to vector<1xf32>
      %squeeze3A_133 = vector.extract %slice3A_132[0] : f32 from vector<1xf32>
      %add3A_134 = arith.constant 7 : i32
      %add3A_135 = arith.addi %add3A_59, %add3A_134 : i32
      %get3A_136 = arith.index_cast %add3A_135 : i32 to index
      %get3A_137 = arith.constant 0 : index
      %get3A_138 = tpu.vector_load %arg7[%get3A_136, %get3A_137] {strides = array<i32>} : memref<2048x16xf32, #tpu.memory_space<vmem>>, vector<1x16xf32>,
      %get3A_139 = vector.shape_cast %get3A_138 : vector<1x16xf32> to vector<16xf32>
      %mul3A_140 = vector.broadcast %squeeze3A_133 : f32 to vector<16xf32>
      %mul3A_141 = arith.mulf %mul3A_140, %get3A_139 : vector<16xf32>
      %add3A_142 = arith.addf %add3A_131, %mul3A_141 : vector<16xf32>
      %slice3A_143 = vector.extract_strided_slice %get3A_55 {offsets = [8], sizes = [1], strides = [1]} : vector<16xf32> to vector<1xf32>
      %squeeze3A_144 = vector.extract %slice3A_143[0] : f32 from vector<1xf32>
      %add3A_145 = arith.constant 8 : i32
      %add3A_146 = arith.addi %add3A_59, %add3A_145 : i32
      %get3A_147 = arith.index_cast %add3A_146 : i32 to index
      %get3A_148 = arith.constant 0 : index
      %get3A_149 = tpu.vector_load %arg7[%get3A_147, %get3A_148] {strides = array<i32>} : memref<2048x16xf32, #tpu.memory_space<vmem>>, vector<1x16xf32>,
      %get3A_150 = vector.shape_cast %get3A_149 : vector<1x16xf32> to vector<16xf32>
      %mul3A_151 = vector.broadcast %squeeze3A_144 : f32 to vector<16xf32>
      %mul3A_152 = arith.mulf %mul3A_151, %get3A_150 : vector<16xf32>
      %add3A_153 = arith.addf %add3A_142, %mul3A_152 : vector<16xf32>
      %slice3A_154 = vector.extract_strided_slice %get3A_55 {offsets = [9], sizes = [1], strides = [1]} : vector<16xf32> to vector<1xf32>
      %squeeze3A_155 = vector.extract %slice3A_154[0] : f32 from vector<1xf32>
      %add3A_156 = arith.constant 9 : i32
      %add3A_157 = arith.addi %add3A_59, %add3A_156 : i32
      %get3A_158 = arith.index_cast %add3A_157 : i32 to index
      %get3A_159 = arith.constant 0 : index
      %get3A_160 = tpu.vector_load %arg7[%get3A_158, %get3A_159] {strides = array<i32>} : memref<2048x16xf32, #tpu.memory_space<vmem>>, vector<1x16xf32>,
      %get3A_161 = vector.shape_cast %get3A_160 : vector<1x16xf32> to vector<16xf32>
      %mul3A_162 = vector.broadcast %squeeze3A_155 : f32 to vector<16xf32>
      %mul3A_163 = arith.mulf %mul3A_162, %get3A_161 : vector<16xf32>
      %add3A_164 = arith.addf %add3A_153, %mul3A_163 : vector<16xf32>
      %slice3A_165 = vector.extract_strided_slice %get3A_55 {offsets = [10], sizes = [1], strides = [1]} : vector<16xf32> to vector<1xf32>
      %squeeze3A_166 = vector.extract %slice3A_165[0] : f32 from vector<1xf32>
      %add3A_167 = arith.constant 10 : i32
      %add3A_168 = arith.addi %add3A_59, %add3A_167 : i32
      %get3A_169 = arith.index_cast %add3A_168 : i32 to index
      %get3A_170 = arith.constant 0 : index
      %get3A_171 = tpu.vector_load %arg7[%get3A_169, %get3A_170] {strides = array<i32>} : memref<2048x16xf32, #tpu.memory_space<vmem>>, vector<1x16xf32>,
      %get3A_172 = vector.shape_cast %get3A_171 : vector<1x16xf32> to vector<16xf32>
      %mul3A_173 = vector.broadcast %squeeze3A_166 : f32 to vector<16xf32>
      %mul3A_174 = arith.mulf %mul3A_173, %get3A_172 : vector<16xf32>
      %add3A_175 = arith.addf %add3A_164, %mul3A_174 : vector<16xf32>
      %slice3A_176 = vector.extract_strided_slice %get3A_55 {offsets = [11], sizes = [1], strides = [1]} : vector<16xf32> to vector<1xf32>
      %squeeze3A_177 = vector.extract %slice3A_176[0] : f32 from vector<1xf32>
      %add3A_178 = arith.constant 11 : i32
      %add3A_179 = arith.addi %add3A_59, %add3A_178 : i32
      %get3A_180 = arith.index_cast %add3A_179 : i32 to index
      %get3A_181 = arith.constant 0 : index
      %get3A_182 = tpu.vector_load %arg7[%get3A_180, %get3A_181] {strides = array<i32>} : memref<2048x16xf32, #tpu.memory_space<vmem>>, vector<1x16xf32>,
      %get3A_183 = vector.shape_cast %get3A_182 : vector<1x16xf32> to vector<16xf32>
      %mul3A_184 = vector.broadcast %squeeze3A_177 : f32 to vector<16xf32>
      %mul3A_185 = arith.mulf %mul3A_184, %get3A_183 : vector<16xf32>
      %add3A_186 = arith.addf %add3A_175, %mul3A_185 : vector<16xf32>
      %slice3A_187 = vector.extract_strided_slice %get3A_55 {offsets = [12], sizes = [1], strides = [1]} : vector<16xf32> to vector<1xf32>
      %squeeze3A_188 = vector.extract %slice3A_187[0] : f32 from vector<1xf32>
      %add3A_189 = arith.constant 12 : i32
      %add3A_190 = arith.addi %add3A_59, %add3A_189 : i32
      %get3A_191 = arith.index_cast %add3A_190 : i32 to index
      %get3A_192 = arith.constant 0 : index
      %get3A_193 = tpu.vector_load %arg7[%get3A_191, %get3A_192] {strides = array<i32>} : memref<2048x16xf32, #tpu.memory_space<vmem>>, vector<1x16xf32>,
      %get3A_194 = vector.shape_cast %get3A_193 : vector<1x16xf32> to vector<16xf32>
      %mul3A_195 = vector.broadcast %squeeze3A_188 : f32 to vector<16xf32>
      %mul3A_196 = arith.mulf %mul3A_195, %get3A_194 : vector<16xf32>
      %add3A_197 = arith.addf %add3A_186, %mul3A_196 : vector<16xf32>
      %slice3A_198 = vector.extract_strided_slice %get3A_55 {offsets = [13], sizes = [1], strides = [1]} : vector<16xf32> to vector<1xf32>
      %squeeze3A_199 = vector.extract %slice3A_198[0] : f32 from vector<1xf32>
      %add3A_200 = arith.constant 13 : i32
      %add3A_201 = arith.addi %add3A_59, %add3A_200 : i32
      %get3A_202 = arith.index_cast %add3A_201 : i32 to index
      %get3A_203 = arith.constant 0 : index
      %get3A_204 = tpu.vector_load %arg7[%get3A_202, %get3A_203] {strides = array<i32>} : memref<2048x16xf32, #tpu.memory_space<vmem>>, vector<1x16xf32>,
      %get3A_205 = vector.shape_cast %get3A_204 : vector<1x16xf32> to vector<16xf32>
      %mul3A_206 = vector.broadcast %squeeze3A_199 : f32 to vector<16xf32>
      %mul3A_207 = arith.mulf %mul3A_206, %get3A_205 : vector<16xf32>
      %add3A_208 = arith.addf %add3A_197, %mul3A_207 : vector<16xf32>
      %slice3A_209 = vector.extract_strided_slice %get3A_55 {offsets = [14], sizes = [1], strides = [1]} : vector<16xf32> to vector<1xf32>
      %squeeze3A_210 = vector.extract %slice3A_209[0] : f32 from vector<1xf32>
      %add3A_211 = arith.constant 14 : i32
      %add3A_212 = arith.addi %add3A_59, %add3A_211 : i32
      %get3A_213 = arith.index_cast %add3A_212 : i32 to index
      %get3A_214 = arith.constant 0 : index
      %get3A_215 = tpu.vector_load %arg7[%get3A_213, %get3A_214] {strides = array<i32>} : memref<2048x16xf32, #tpu.memory_space<vmem>>, vector<1x16xf32>,
      %get3A_216 = vector.shape_cast %get3A_215 : vector<1x16xf32> to vector<16xf32>
      %mul3A_217 = vector.broadcast %squeeze3A_210 : f32 to vector<16xf32>
      %mul3A_218 = arith.mulf %mul3A_217, %get3A_216 : vector<16xf32>
      %add3A_219 = arith.addf %add3A_208, %mul3A_218 : vector<16xf32>
      %slice3A_220 = vector.extract_strided_slice %get3A_55 {offsets = [15], sizes = [1], strides = [1]} : vector<16xf32> to vector<1xf32>
      %squeeze3A_221 = vector.extract %slice3A_220[0] : f32 from vector<1xf32>
      %add3A_222 = arith.constant 15 : i32
      %add3A_223 = arith.addi %add3A_59, %add3A_222 : i32
      %get3A_224 = arith.index_cast %add3A_223 : i32 to index
      %get3A_225 = arith.constant 0 : index
      %get3A_226 = tpu.vector_load %arg7[%get3A_224, %get3A_225] {strides = array<i32>} : memref<2048x16xf32, #tpu.memory_space<vmem>>, vector<1x16xf32>,
      %get3A_227 = vector.shape_cast %get3A_226 : vector<1x16xf32> to vector<16xf32>
      %mul3A_228 = vector.broadcast %squeeze3A_221 : f32 to vector<16xf32>
      %mul3A_229 = arith.mulf %mul3A_228, %get3A_227 : vector<16xf32>
      %add3A_230 = arith.addf %add3A_219, %mul3A_229 : vector<16xf32>
      %swap3A = arith.index_cast %scan3A_20 : i32 to index
      %swap3A_231 = arith.constant 0 : index
      %swap3A_232 = tpu.vector_load %arg9[%swap3A, %swap3A_231] {strides = array<i32>} : memref<64x16xf32, #tpu.memory_space<vmem>>, vector<1x16xf32>,
      %swap3A_233 = vector.shape_cast %swap3A_232 : vector<1x16xf32> to vector<16xf32>
      %swap3A_234 = vector.shape_cast %add3A_230 : vector<16xf32> to vector<1x16xf32>
      tpu.vector_store %arg9[%swap3A, %swap3A_231], %swap3A_234 {strides = array<i32>} : memref<64x16xf32, #tpu.memory_space<vmem>>, vector<1x16xf32>,
    }
    %scan3A_15 = arith.constant 64 : i32
    %mul3A_16 = arith.constant 4096 : i32
    %mul3A_17 = arith.muli %add3A, %mul3A_16 : i32
    %add3A_18 = arith.constant 4032 : i32
    %add3A_19 = arith.addi %mul3A_17, %add3A_18 : i32
    "tpu.region"() ({
      %run_scoped3A = tpu.sem_alloc : memref<!tpu.dma_semaphore, #tpu.memory_space<semaphore_mem>>
      %dma_start3A = arith.constant 0 : i32
      %dma_start3A_20 = tpu.memref_slice %arg5[%add3A_19, %dma_start3A] : memref<131072x128xf32, #tpu.memory_space<hbm>> -> memref<64x16xf32, #tpu.memory_space<hbm>>
      %dma_start3A_21 = arith.constant 0 : i32
      %dma_start3A_22 = tpu.memref_slice %arg5[%add3A_19, %dma_start3A_21] : memref<131072x128xf32, #tpu.memory_space<hbm>> -> memref<64x16xf32, #tpu.memory_space<hbm>>
      tpu.enqueue_dma source(%arg9 : memref<64x16xf32, #tpu.memory_space<vmem>>) target(%dma_start3A_22 : memref<64x16xf32, #tpu.memory_space<hbm>>) target_semaphore(%run_scoped3A : memref<!tpu.dma_semaphore, #tpu.memory_space<semaphore_mem>>)
      %dma_wait3A = arith.constant 0 : i32
      %dma_wait3A_23 = tpu.memref_slice %arg5[%add3A_19, %dma_wait3A] : memref<131072x128xf32, #tpu.memory_space<hbm>> -> memref<64x16xf32, #tpu.memory_space<hbm>>
      %dma_wait3A_24 = arith.constant 0 : i32
      %dma_wait3A_25 = tpu.memref_slice %arg5[%add3A_19, %dma_wait3A_24] : memref<131072x128xf32, #tpu.memory_space<hbm>> -> memref<64x16xf32, #tpu.memory_space<hbm>>
      tpu.wait_dma2 semaphore(%run_scoped3A : memref<!tpu.dma_semaphore, #tpu.memory_space<semaphore_mem>>) src(%arg9 : memref<64x16xf32, #tpu.memory_space<vmem>>) dst(%dma_wait3A_25 : memref<64x16xf32, #tpu.memory_space<hbm>>)
      tpu.yield
    }) : () -> ()
    return
  }
}

#map = affine_map<(d0, d1) -> (0)>
#map1 = affine_map<(d0, d1) -> (0, 0)>
module attributes {stable_mosaic.version = 14 : i64} {
  func.func @k(%arg0: i32, %arg1: i32, %arg2: memref<16777216xf32, #tpu.memory_space<hbm>>, %arg3: memref<8192x128xi32, #tpu.memory_space<hbm>>, %arg4: memref<8192x128xf32, #tpu.memory_space<hbm>>, %arg5: memref<256x128xi32, #tpu.memory_space<vmem>>, %arg6: memref<256x128xf32, #tpu.memory_space<vmem>>, %arg7: memref<!tpu.dma_semaphore, #tpu.memory_space<semaphore_mem>>) attributes {dimension_semantics = [#tpu.dimension_semantics<core_parallel>, #tpu.dimension_semantics<subcore_parallel>], iteration_bounds = array<i64: 2, 16>, scalar_prefetch = 0 : i64, scratch_operands = 3 : i64, tpu.core_type = #tpu.core_type<sc_vector_subcore>, window_params = [{transform_indices = #map}, {transform_indices = #map1}, {transform_indices = #map1}]} {
    %mul3A = arith.constant 2 : i32
    %mul3A_0 = arith.muli %arg1, %mul3A : i32
    %add3A = arith.addi %mul3A_0, %arg0 : i32
    %mul3A_1 = arith.constant 256 : i32
    %mul3A_2 = arith.muli %add3A, %mul3A_1 : i32
    "tpu.region"() ({
      %run_scoped3A = tpu.sem_alloc : memref<!tpu.dma_semaphore, #tpu.memory_space<semaphore_mem>>
      %dma_start3A_167 = arith.constant 0 : i32
      %dma_start3A_168 = tpu.memref_slice %arg3[%mul3A_2, %dma_start3A_167] : memref<8192x128xi32, #tpu.memory_space<hbm>> -> memref<256x128xi32, #tpu.memory_space<hbm>>
      %dma_start3A_169 = arith.constant 0 : i32
      %dma_start3A_170 = tpu.memref_slice %arg3[%mul3A_2, %dma_start3A_169] : memref<8192x128xi32, #tpu.memory_space<hbm>> -> memref<256x128xi32, #tpu.memory_space<hbm>>
      tpu.enqueue_dma source(%dma_start3A_170 : memref<256x128xi32, #tpu.memory_space<hbm>>) target(%arg5 : memref<256x128xi32, #tpu.memory_space<vmem>>) target_semaphore(%run_scoped3A : memref<!tpu.dma_semaphore, #tpu.memory_space<semaphore_mem>>)
      %dma_wait3A = arith.constant 0 : i32
      %dma_wait3A_171 = tpu.memref_slice %arg3[%mul3A_2, %dma_wait3A] : memref<8192x128xi32, #tpu.memory_space<hbm>> -> memref<256x128xi32, #tpu.memory_space<hbm>>
      %dma_wait3A_172 = arith.constant 0 : i32
      %dma_wait3A_173 = tpu.memref_slice %arg3[%mul3A_2, %dma_wait3A_172] : memref<8192x128xi32, #tpu.memory_space<hbm>> -> memref<256x128xi32, #tpu.memory_space<hbm>>
      tpu.wait_dma2 semaphore(%run_scoped3A : memref<!tpu.dma_semaphore, #tpu.memory_space<semaphore_mem>>) src(%dma_wait3A_173 : memref<256x128xi32, #tpu.memory_space<hbm>>) dst(%arg5 : memref<256x128xi32, #tpu.memory_space<vmem>>)
      tpu.yield
    }) : () -> ()
    %dma_start3A = arith.constant 0 : i32
    %dma_start3A_3 = arith.constant 0 : i32
    %dma_start3A_4 = arith.constant 0 : i32
    %dma_start3A_5 = tpu.memref_slice %arg6[%dma_start3A_3, %dma_start3A_4] : memref<256x128xf32, #tpu.memory_space<vmem>> -> memref<1x128xf32, #tpu.memory_space<vmem>>
    %dma_start3A_6 = tpu.memref_squeeze %dma_start3A_5 : memref<1x128xf32, #tpu.memory_space<vmem>> -> memref<128xf32, #tpu.memory_space<vmem>>
    %dma_start3A_7 = arith.constant 0 : i32
    %dma_start3A_8 = tpu.memref_slice %arg5[%dma_start3A, %dma_start3A_7] : memref<256x128xi32, #tpu.memory_space<vmem>> -> memref<1x128xi32, #tpu.memory_space<vmem>>
    %dma_start3A_9 = tpu.memref_squeeze %dma_start3A_8 : memref<1x128xi32, #tpu.memory_space<vmem>> -> memref<128xi32, #tpu.memory_space<vmem>>
    %dma_start3A_10 = arith.constant 0 : i32
    %dma_start3A_11 = tpu.memref_slice %arg2[%dma_start3A_10] : memref<16777216xf32, #tpu.memory_space<hbm>> -> memref<16777216xf32, #tpu.memory_space<hbm>>
    tpu.enqueue_indirect_dma source(%dma_start3A_11 : memref<16777216xf32, #tpu.memory_space<hbm>>) target(%dma_start3A_6 : memref<128xf32, #tpu.memory_space<vmem>>) offsets(%dma_start3A_9 : memref<128xi32, #tpu.memory_space<vmem>>) semaphore(%arg7 : memref<!tpu.dma_semaphore, #tpu.memory_space<semaphore_mem>>)
    %dma_start3A_12 = arith.constant 1 : i32
    %dma_start3A_13 = arith.constant 1 : i32
    %dma_start3A_14 = arith.constant 0 : i32
    %dma_start3A_15 = tpu.memref_slice %arg6[%dma_start3A_13, %dma_start3A_14] : memref<256x128xf32, #tpu.memory_space<vmem>> -> memref<1x128xf32, #tpu.memory_space<vmem>>
    %dma_start3A_16 = tpu.memref_squeeze %dma_start3A_15 : memref<1x128xf32, #tpu.memory_space<vmem>> -> memref<128xf32, #tpu.memory_space<vmem>>
    %dma_start3A_17 = arith.constant 0 : i32
    %dma_start3A_18 = tpu.memref_slice %arg5[%dma_start3A_12, %dma_start3A_17] : memref<256x128xi32, #tpu.memory_space<vmem>> -> memref<1x128xi32, #tpu.memory_space<vmem>>
    %dma_start3A_19 = tpu.memref_squeeze %dma_start3A_18 : memref<1x128xi32, #tpu.memory_space<vmem>> -> memref<128xi32, #tpu.memory_space<vmem>>
    %dma_start3A_20 = arith.constant 0 : i32
    %dma_start3A_21 = tpu.memref_slice %arg2[%dma_start3A_20] : memref<16777216xf32, #tpu.memory_space<hbm>> -> memref<16777216xf32, #tpu.memory_space<hbm>>
    tpu.enqueue_indirect_dma source(%dma_start3A_21 : memref<16777216xf32, #tpu.memory_space<hbm>>) target(%dma_start3A_16 : memref<128xf32, #tpu.memory_space<vmem>>) offsets(%dma_start3A_19 : memref<128xi32, #tpu.memory_space<vmem>>) semaphore(%arg7 : memref<!tpu.dma_semaphore, #tpu.memory_space<semaphore_mem>>)
    %dma_start3A_22 = arith.constant 2 : i32
    %dma_start3A_23 = arith.constant 2 : i32
    %dma_start3A_24 = arith.constant 0 : i32
    %dma_start3A_25 = tpu.memref_slice %arg6[%dma_start3A_23, %dma_start3A_24] : memref<256x128xf32, #tpu.memory_space<vmem>> -> memref<1x128xf32, #tpu.memory_space<vmem>>
    %dma_start3A_26 = tpu.memref_squeeze %dma_start3A_25 : memref<1x128xf32, #tpu.memory_space<vmem>> -> memref<128xf32, #tpu.memory_space<vmem>>
    %dma_start3A_27 = arith.constant 0 : i32
    %dma_start3A_28 = tpu.memref_slice %arg5[%dma_start3A_22, %dma_start3A_27] : memref<256x128xi32, #tpu.memory_space<vmem>> -> memref<1x128xi32, #tpu.memory_space<vmem>>
    %dma_start3A_29 = tpu.memref_squeeze %dma_start3A_28 : memref<1x128xi32, #tpu.memory_space<vmem>> -> memref<128xi32, #tpu.memory_space<vmem>>
    %dma_start3A_30 = arith.constant 0 : i32
    %dma_start3A_31 = tpu.memref_slice %arg2[%dma_start3A_30] : memref<16777216xf32, #tpu.memory_space<hbm>> -> memref<16777216xf32, #tpu.memory_space<hbm>>
    tpu.enqueue_indirect_dma source(%dma_start3A_31 : memref<16777216xf32, #tpu.memory_space<hbm>>) target(%dma_start3A_26 : memref<128xf32, #tpu.memory_space<vmem>>) offsets(%dma_start3A_29 : memref<128xi32, #tpu.memory_space<vmem>>) semaphore(%arg7 : memref<!tpu.dma_semaphore, #tpu.memory_space<semaphore_mem>>)
    %dma_start3A_32 = arith.constant 3 : i32
    %dma_start3A_33 = arith.constant 3 : i32
    %dma_start3A_34 = arith.constant 0 : i32
    %dma_start3A_35 = tpu.memref_slice %arg6[%dma_start3A_33, %dma_start3A_34] : memref<256x128xf32, #tpu.memory_space<vmem>> -> memref<1x128xf32, #tpu.memory_space<vmem>>
    %dma_start3A_36 = tpu.memref_squeeze %dma_start3A_35 : memref<1x128xf32, #tpu.memory_space<vmem>> -> memref<128xf32, #tpu.memory_space<vmem>>
    %dma_start3A_37 = arith.constant 0 : i32
    %dma_start3A_38 = tpu.memref_slice %arg5[%dma_start3A_32, %dma_start3A_37] : memref<256x128xi32, #tpu.memory_space<vmem>> -> memref<1x128xi32, #tpu.memory_space<vmem>>
    %dma_start3A_39 = tpu.memref_squeeze %dma_start3A_38 : memref<1x128xi32, #tpu.memory_space<vmem>> -> memref<128xi32, #tpu.memory_space<vmem>>
    %dma_start3A_40 = arith.constant 0 : i32
    %dma_start3A_41 = tpu.memref_slice %arg2[%dma_start3A_40] : memref<16777216xf32, #tpu.memory_space<hbm>> -> memref<16777216xf32, #tpu.memory_space<hbm>>
    tpu.enqueue_indirect_dma source(%dma_start3A_41 : memref<16777216xf32, #tpu.memory_space<hbm>>) target(%dma_start3A_36 : memref<128xf32, #tpu.memory_space<vmem>>) offsets(%dma_start3A_39 : memref<128xi32, #tpu.memory_space<vmem>>) semaphore(%arg7 : memref<!tpu.dma_semaphore, #tpu.memory_space<semaphore_mem>>)
    %dma_start3A_42 = arith.constant 4 : i32
    %dma_start3A_43 = arith.constant 4 : i32
    %dma_start3A_44 = arith.constant 0 : i32
    %dma_start3A_45 = tpu.memref_slice %arg6[%dma_start3A_43, %dma_start3A_44] : memref<256x128xf32, #tpu.memory_space<vmem>> -> memref<1x128xf32, #tpu.memory_space<vmem>>
    %dma_start3A_46 = tpu.memref_squeeze %dma_start3A_45 : memref<1x128xf32, #tpu.memory_space<vmem>> -> memref<128xf32, #tpu.memory_space<vmem>>
    %dma_start3A_47 = arith.constant 0 : i32
    %dma_start3A_48 = tpu.memref_slice %arg5[%dma_start3A_42, %dma_start3A_47] : memref<256x128xi32, #tpu.memory_space<vmem>> -> memref<1x128xi32, #tpu.memory_space<vmem>>
    %dma_start3A_49 = tpu.memref_squeeze %dma_start3A_48 : memref<1x128xi32, #tpu.memory_space<vmem>> -> memref<128xi32, #tpu.memory_space<vmem>>
    %dma_start3A_50 = arith.constant 0 : i32
    %dma_start3A_51 = tpu.memref_slice %arg2[%dma_start3A_50] : memref<16777216xf32, #tpu.memory_space<hbm>> -> memref<16777216xf32, #tpu.memory_space<hbm>>
    tpu.enqueue_indirect_dma source(%dma_start3A_51 : memref<16777216xf32, #tpu.memory_space<hbm>>) target(%dma_start3A_46 : memref<128xf32, #tpu.memory_space<vmem>>) offsets(%dma_start3A_49 : memref<128xi32, #tpu.memory_space<vmem>>) semaphore(%arg7 : memref<!tpu.dma_semaphore, #tpu.memory_space<semaphore_mem>>)
    %dma_start3A_52 = arith.constant 5 : i32
    %dma_start3A_53 = arith.constant 5 : i32
    %dma_start3A_54 = arith.constant 0 : i32
    %dma_start3A_55 = tpu.memref_slice %arg6[%dma_start3A_53, %dma_start3A_54] : memref<256x128xf32, #tpu.memory_space<vmem>> -> memref<1x128xf32, #tpu.memory_space<vmem>>
    %dma_start3A_56 = tpu.memref_squeeze %dma_start3A_55 : memref<1x128xf32, #tpu.memory_space<vmem>> -> memref<128xf32, #tpu.memory_space<vmem>>
    %dma_start3A_57 = arith.constant 0 : i32
    %dma_start3A_58 = tpu.memref_slice %arg5[%dma_start3A_52, %dma_start3A_57] : memref<256x128xi32, #tpu.memory_space<vmem>> -> memref<1x128xi32, #tpu.memory_space<vmem>>
    %dma_start3A_59 = tpu.memref_squeeze %dma_start3A_58 : memref<1x128xi32, #tpu.memory_space<vmem>> -> memref<128xi32, #tpu.memory_space<vmem>>
    %dma_start3A_60 = arith.constant 0 : i32
    %dma_start3A_61 = tpu.memref_slice %arg2[%dma_start3A_60] : memref<16777216xf32, #tpu.memory_space<hbm>> -> memref<16777216xf32, #tpu.memory_space<hbm>>
    tpu.enqueue_indirect_dma source(%dma_start3A_61 : memref<16777216xf32, #tpu.memory_space<hbm>>) target(%dma_start3A_56 : memref<128xf32, #tpu.memory_space<vmem>>) offsets(%dma_start3A_59 : memref<128xi32, #tpu.memory_space<vmem>>) semaphore(%arg7 : memref<!tpu.dma_semaphore, #tpu.memory_space<semaphore_mem>>)
    %dma_start3A_62 = arith.constant 6 : i32
    %dma_start3A_63 = arith.constant 6 : i32
    %dma_start3A_64 = arith.constant 0 : i32
    %dma_start3A_65 = tpu.memref_slice %arg6[%dma_start3A_63, %dma_start3A_64] : memref<256x128xf32, #tpu.memory_space<vmem>> -> memref<1x128xf32, #tpu.memory_space<vmem>>
    %dma_start3A_66 = tpu.memref_squeeze %dma_start3A_65 : memref<1x128xf32, #tpu.memory_space<vmem>> -> memref<128xf32, #tpu.memory_space<vmem>>
    %dma_start3A_67 = arith.constant 0 : i32
    %dma_start3A_68 = tpu.memref_slice %arg5[%dma_start3A_62, %dma_start3A_67] : memref<256x128xi32, #tpu.memory_space<vmem>> -> memref<1x128xi32, #tpu.memory_space<vmem>>
    %dma_start3A_69 = tpu.memref_squeeze %dma_start3A_68 : memref<1x128xi32, #tpu.memory_space<vmem>> -> memref<128xi32, #tpu.memory_space<vmem>>
    %dma_start3A_70 = arith.constant 0 : i32
    %dma_start3A_71 = tpu.memref_slice %arg2[%dma_start3A_70] : memref<16777216xf32, #tpu.memory_space<hbm>> -> memref<16777216xf32, #tpu.memory_space<hbm>>
    tpu.enqueue_indirect_dma source(%dma_start3A_71 : memref<16777216xf32, #tpu.memory_space<hbm>>) target(%dma_start3A_66 : memref<128xf32, #tpu.memory_space<vmem>>) offsets(%dma_start3A_69 : memref<128xi32, #tpu.memory_space<vmem>>) semaphore(%arg7 : memref<!tpu.dma_semaphore, #tpu.memory_space<semaphore_mem>>)
    %dma_start3A_72 = arith.constant 7 : i32
    %dma_start3A_73 = arith.constant 7 : i32
    %dma_start3A_74 = arith.constant 0 : i32
    %dma_start3A_75 = tpu.memref_slice %arg6[%dma_start3A_73, %dma_start3A_74] : memref<256x128xf32, #tpu.memory_space<vmem>> -> memref<1x128xf32, #tpu.memory_space<vmem>>
    %dma_start3A_76 = tpu.memref_squeeze %dma_start3A_75 : memref<1x128xf32, #tpu.memory_space<vmem>> -> memref<128xf32, #tpu.memory_space<vmem>>
    %dma_start3A_77 = arith.constant 0 : i32
    %dma_start3A_78 = tpu.memref_slice %arg5[%dma_start3A_72, %dma_start3A_77] : memref<256x128xi32, #tpu.memory_space<vmem>> -> memref<1x128xi32, #tpu.memory_space<vmem>>
    %dma_start3A_79 = tpu.memref_squeeze %dma_start3A_78 : memref<1x128xi32, #tpu.memory_space<vmem>> -> memref<128xi32, #tpu.memory_space<vmem>>
    %dma_start3A_80 = arith.constant 0 : i32
    %dma_start3A_81 = tpu.memref_slice %arg2[%dma_start3A_80] : memref<16777216xf32, #tpu.memory_space<hbm>> -> memref<16777216xf32, #tpu.memory_space<hbm>>
    tpu.enqueue_indirect_dma source(%dma_start3A_81 : memref<16777216xf32, #tpu.memory_space<hbm>>) target(%dma_start3A_76 : memref<128xf32, #tpu.memory_space<vmem>>) offsets(%dma_start3A_79 : memref<128xi32, #tpu.memory_space<vmem>>) semaphore(%arg7 : memref<!tpu.dma_semaphore, #tpu.memory_space<semaphore_mem>>)
    %dma_start3A_82 = arith.constant 8 : i32
    %dma_start3A_83 = arith.constant 8 : i32
    %dma_start3A_84 = arith.constant 0 : i32
    %dma_start3A_85 = tpu.memref_slice %arg6[%dma_start3A_83, %dma_start3A_84] : memref<256x128xf32, #tpu.memory_space<vmem>> -> memref<1x128xf32, #tpu.memory_space<vmem>>
    %dma_start3A_86 = tpu.memref_squeeze %dma_start3A_85 : memref<1x128xf32, #tpu.memory_space<vmem>> -> memref<128xf32, #tpu.memory_space<vmem>>
    %dma_start3A_87 = arith.constant 0 : i32
    %dma_start3A_88 = tpu.memref_slice %arg5[%dma_start3A_82, %dma_start3A_87] : memref<256x128xi32, #tpu.memory_space<vmem>> -> memref<1x128xi32, #tpu.memory_space<vmem>>
    %dma_start3A_89 = tpu.memref_squeeze %dma_start3A_88 : memref<1x128xi32, #tpu.memory_space<vmem>> -> memref<128xi32, #tpu.memory_space<vmem>>
    %dma_start3A_90 = arith.constant 0 : i32
    %dma_start3A_91 = tpu.memref_slice %arg2[%dma_start3A_90] : memref<16777216xf32, #tpu.memory_space<hbm>> -> memref<16777216xf32, #tpu.memory_space<hbm>>
    tpu.enqueue_indirect_dma source(%dma_start3A_91 : memref<16777216xf32, #tpu.memory_space<hbm>>) target(%dma_start3A_86 : memref<128xf32, #tpu.memory_space<vmem>>) offsets(%dma_start3A_89 : memref<128xi32, #tpu.memory_space<vmem>>) semaphore(%arg7 : memref<!tpu.dma_semaphore, #tpu.memory_space<semaphore_mem>>)
    %dma_start3A_92 = arith.constant 9 : i32
    %dma_start3A_93 = arith.constant 9 : i32
    %dma_start3A_94 = arith.constant 0 : i32
    %dma_start3A_95 = tpu.memref_slice %arg6[%dma_start3A_93, %dma_start3A_94] : memref<256x128xf32, #tpu.memory_space<vmem>> -> memref<1x128xf32, #tpu.memory_space<vmem>>
    %dma_start3A_96 = tpu.memref_squeeze %dma_start3A_95 : memref<1x128xf32, #tpu.memory_space<vmem>> -> memref<128xf32, #tpu.memory_space<vmem>>
    %dma_start3A_97 = arith.constant 0 : i32
    %dma_start3A_98 = tpu.memref_slice %arg5[%dma_start3A_92, %dma_start3A_97] : memref<256x128xi32, #tpu.memory_space<vmem>> -> memref<1x128xi32, #tpu.memory_space<vmem>>
    %dma_start3A_99 = tpu.memref_squeeze %dma_start3A_98 : memref<1x128xi32, #tpu.memory_space<vmem>> -> memref<128xi32, #tpu.memory_space<vmem>>
    %dma_start3A_100 = arith.constant 0 : i32
    %dma_start3A_101 = tpu.memref_slice %arg2[%dma_start3A_100] : memref<16777216xf32, #tpu.memory_space<hbm>> -> memref<16777216xf32, #tpu.memory_space<hbm>>
    tpu.enqueue_indirect_dma source(%dma_start3A_101 : memref<16777216xf32, #tpu.memory_space<hbm>>) target(%dma_start3A_96 : memref<128xf32, #tpu.memory_space<vmem>>) offsets(%dma_start3A_99 : memref<128xi32, #tpu.memory_space<vmem>>) semaphore(%arg7 : memref<!tpu.dma_semaphore, #tpu.memory_space<semaphore_mem>>)
    %dma_start3A_102 = arith.constant 10 : i32
    %dma_start3A_103 = arith.constant 10 : i32
    %dma_start3A_104 = arith.constant 0 : i32
    %dma_start3A_105 = tpu.memref_slice %arg6[%dma_start3A_103, %dma_start3A_104] : memref<256x128xf32, #tpu.memory_space<vmem>> -> memref<1x128xf32, #tpu.memory_space<vmem>>
    %dma_start3A_106 = tpu.memref_squeeze %dma_start3A_105 : memref<1x128xf32, #tpu.memory_space<vmem>> -> memref<128xf32, #tpu.memory_space<vmem>>
    %dma_start3A_107 = arith.constant 0 : i32
    %dma_start3A_108 = tpu.memref_slice %arg5[%dma_start3A_102, %dma_start3A_107] : memref<256x128xi32, #tpu.memory_space<vmem>> -> memref<1x128xi32, #tpu.memory_space<vmem>>
    %dma_start3A_109 = tpu.memref_squeeze %dma_start3A_108 : memref<1x128xi32, #tpu.memory_space<vmem>> -> memref<128xi32, #tpu.memory_space<vmem>>
    %dma_start3A_110 = arith.constant 0 : i32
    %dma_start3A_111 = tpu.memref_slice %arg2[%dma_start3A_110] : memref<16777216xf32, #tpu.memory_space<hbm>> -> memref<16777216xf32, #tpu.memory_space<hbm>>
    tpu.enqueue_indirect_dma source(%dma_start3A_111 : memref<16777216xf32, #tpu.memory_space<hbm>>) target(%dma_start3A_106 : memref<128xf32, #tpu.memory_space<vmem>>) offsets(%dma_start3A_109 : memref<128xi32, #tpu.memory_space<vmem>>) semaphore(%arg7 : memref<!tpu.dma_semaphore, #tpu.memory_space<semaphore_mem>>)
    %dma_start3A_112 = arith.constant 11 : i32
    %dma_start3A_113 = arith.constant 11 : i32
    %dma_start3A_114 = arith.constant 0 : i32
    %dma_start3A_115 = tpu.memref_slice %arg6[%dma_start3A_113, %dma_start3A_114] : memref<256x128xf32, #tpu.memory_space<vmem>> -> memref<1x128xf32, #tpu.memory_space<vmem>>
    %dma_start3A_116 = tpu.memref_squeeze %dma_start3A_115 : memref<1x128xf32, #tpu.memory_space<vmem>> -> memref<128xf32, #tpu.memory_space<vmem>>
    %dma_start3A_117 = arith.constant 0 : i32
    %dma_start3A_118 = tpu.memref_slice %arg5[%dma_start3A_112, %dma_start3A_117] : memref<256x128xi32, #tpu.memory_space<vmem>> -> memref<1x128xi32, #tpu.memory_space<vmem>>
    %dma_start3A_119 = tpu.memref_squeeze %dma_start3A_118 : memref<1x128xi32, #tpu.memory_space<vmem>> -> memref<128xi32, #tpu.memory_space<vmem>>
    %dma_start3A_120 = arith.constant 0 : i32
    %dma_start3A_121 = tpu.memref_slice %arg2[%dma_start3A_120] : memref<16777216xf32, #tpu.memory_space<hbm>> -> memref<16777216xf32, #tpu.memory_space<hbm>>
    tpu.enqueue_indirect_dma source(%dma_start3A_121 : memref<16777216xf32, #tpu.memory_space<hbm>>) target(%dma_start3A_116 : memref<128xf32, #tpu.memory_space<vmem>>) offsets(%dma_start3A_119 : memref<128xi32, #tpu.memory_space<vmem>>) semaphore(%arg7 : memref<!tpu.dma_semaphore, #tpu.memory_space<semaphore_mem>>)
    %dma_start3A_122 = arith.constant 12 : i32
    %dma_start3A_123 = arith.constant 12 : i32
    %dma_start3A_124 = arith.constant 0 : i32
    %dma_start3A_125 = tpu.memref_slice %arg6[%dma_start3A_123, %dma_start3A_124] : memref<256x128xf32, #tpu.memory_space<vmem>> -> memref<1x128xf32, #tpu.memory_space<vmem>>
    %dma_start3A_126 = tpu.memref_squeeze %dma_start3A_125 : memref<1x128xf32, #tpu.memory_space<vmem>> -> memref<128xf32, #tpu.memory_space<vmem>>
    %dma_start3A_127 = arith.constant 0 : i32
    %dma_start3A_128 = tpu.memref_slice %arg5[%dma_start3A_122, %dma_start3A_127] : memref<256x128xi32, #tpu.memory_space<vmem>> -> memref<1x128xi32, #tpu.memory_space<vmem>>
    %dma_start3A_129 = tpu.memref_squeeze %dma_start3A_128 : memref<1x128xi32, #tpu.memory_space<vmem>> -> memref<128xi32, #tpu.memory_space<vmem>>
    %dma_start3A_130 = arith.constant 0 : i32
    %dma_start3A_131 = tpu.memref_slice %arg2[%dma_start3A_130] : memref<16777216xf32, #tpu.memory_space<hbm>> -> memref<16777216xf32, #tpu.memory_space<hbm>>
    tpu.enqueue_indirect_dma source(%dma_start3A_131 : memref<16777216xf32, #tpu.memory_space<hbm>>) target(%dma_start3A_126 : memref<128xf32, #tpu.memory_space<vmem>>) offsets(%dma_start3A_129 : memref<128xi32, #tpu.memory_space<vmem>>) semaphore(%arg7 : memref<!tpu.dma_semaphore, #tpu.memory_space<semaphore_mem>>)
    %dma_start3A_132 = arith.constant 13 : i32
    %dma_start3A_133 = arith.constant 13 : i32
    %dma_start3A_134 = arith.constant 0 : i32
    %dma_start3A_135 = tpu.memref_slice %arg6[%dma_start3A_133, %dma_start3A_134] : memref<256x128xf32, #tpu.memory_space<vmem>> -> memref<1x128xf32, #tpu.memory_space<vmem>>
    %dma_start3A_136 = tpu.memref_squeeze %dma_start3A_135 : memref<1x128xf32, #tpu.memory_space<vmem>> -> memref<128xf32, #tpu.memory_space<vmem>>
    %dma_start3A_137 = arith.constant 0 : i32
    %dma_start3A_138 = tpu.memref_slice %arg5[%dma_start3A_132, %dma_start3A_137] : memref<256x128xi32, #tpu.memory_space<vmem>> -> memref<1x128xi32, #tpu.memory_space<vmem>>
    %dma_start3A_139 = tpu.memref_squeeze %dma_start3A_138 : memref<1x128xi32, #tpu.memory_space<vmem>> -> memref<128xi32, #tpu.memory_space<vmem>>
    %dma_start3A_140 = arith.constant 0 : i32
    %dma_start3A_141 = tpu.memref_slice %arg2[%dma_start3A_140] : memref<16777216xf32, #tpu.memory_space<hbm>> -> memref<16777216xf32, #tpu.memory_space<hbm>>
    tpu.enqueue_indirect_dma source(%dma_start3A_141 : memref<16777216xf32, #tpu.memory_space<hbm>>) target(%dma_start3A_136 : memref<128xf32, #tpu.memory_space<vmem>>) offsets(%dma_start3A_139 : memref<128xi32, #tpu.memory_space<vmem>>) semaphore(%arg7 : memref<!tpu.dma_semaphore, #tpu.memory_space<semaphore_mem>>)
    %dma_start3A_142 = arith.constant 14 : i32
    %dma_start3A_143 = arith.constant 14 : i32
    %dma_start3A_144 = arith.constant 0 : i32
    %dma_start3A_145 = tpu.memref_slice %arg6[%dma_start3A_143, %dma_start3A_144] : memref<256x128xf32, #tpu.memory_space<vmem>> -> memref<1x128xf32, #tpu.memory_space<vmem>>
    %dma_start3A_146 = tpu.memref_squeeze %dma_start3A_145 : memref<1x128xf32, #tpu.memory_space<vmem>> -> memref<128xf32, #tpu.memory_space<vmem>>
    %dma_start3A_147 = arith.constant 0 : i32
    %dma_start3A_148 = tpu.memref_slice %arg5[%dma_start3A_142, %dma_start3A_147] : memref<256x128xi32, #tpu.memory_space<vmem>> -> memref<1x128xi32, #tpu.memory_space<vmem>>
    %dma_start3A_149 = tpu.memref_squeeze %dma_start3A_148 : memref<1x128xi32, #tpu.memory_space<vmem>> -> memref<128xi32, #tpu.memory_space<vmem>>
    %dma_start3A_150 = arith.constant 0 : i32
    %dma_start3A_151 = tpu.memref_slice %arg2[%dma_start3A_150] : memref<16777216xf32, #tpu.memory_space<hbm>> -> memref<16777216xf32, #tpu.memory_space<hbm>>
    tpu.enqueue_indirect_dma source(%dma_start3A_151 : memref<16777216xf32, #tpu.memory_space<hbm>>) target(%dma_start3A_146 : memref<128xf32, #tpu.memory_space<vmem>>) offsets(%dma_start3A_149 : memref<128xi32, #tpu.memory_space<vmem>>) semaphore(%arg7 : memref<!tpu.dma_semaphore, #tpu.memory_space<semaphore_mem>>)
    %dma_start3A_152 = arith.constant 15 : i32
    %dma_start3A_153 = arith.constant 15 : i32
    %dma_start3A_154 = arith.constant 0 : i32
    %dma_start3A_155 = tpu.memref_slice %arg6[%dma_start3A_153, %dma_start3A_154] : memref<256x128xf32, #tpu.memory_space<vmem>> -> memref<1x128xf32, #tpu.memory_space<vmem>>
    %dma_start3A_156 = tpu.memref_squeeze %dma_start3A_155 : memref<1x128xf32, #tpu.memory_space<vmem>> -> memref<128xf32, #tpu.memory_space<vmem>>
    %dma_start3A_157 = arith.constant 0 : i32
    %dma_start3A_158 = tpu.memref_slice %arg5[%dma_start3A_152, %dma_start3A_157] : memref<256x128xi32, #tpu.memory_space<vmem>> -> memref<1x128xi32, #tpu.memory_space<vmem>>
    %dma_start3A_159 = tpu.memref_squeeze %dma_start3A_158 : memref<1x128xi32, #tpu.memory_space<vmem>> -> memref<128xi32, #tpu.memory_space<vmem>>
    %dma_start3A_160 = arith.constant 0 : i32
    %dma_start3A_161 = tpu.memref_slice %arg2[%dma_start3A_160] : memref<16777216xf32, #tpu.memory_space<hbm>> -> memref<16777216xf32, #tpu.memory_space<hbm>>
    tpu.enqueue_indirect_dma source(%dma_start3A_161 : memref<16777216xf32, #tpu.memory_space<hbm>>) target(%dma_start3A_156 : memref<128xf32, #tpu.memory_space<vmem>>) offsets(%dma_start3A_159 : memref<128xi32, #tpu.memory_space<vmem>>) semaphore(%arg7 : memref<!tpu.dma_semaphore, #tpu.memory_space<semaphore_mem>>)
    %scan3A = arith.constant 0 : i32
    %scan3A_162 = arith.constant 0 : i32
    %scan3A_163 = arith.constant 16 : i32
    %scan3A_164 = arith.addi %scan3A_162, %scan3A_163 : i32
    %scan3A_165 = arith.constant 1 : i32
    scf.for %scan3A_167 = %scan3A_162 to %scan3A_164 step %scan3A_165  : i32 {
      %add3A_168 = arith.constant 1 : i32
      %add3A_169 = arith.addi %scan3A_167, %add3A_168 : i32
      %lt3A = arith.constant 16 : i32
      %lt3A_170 = arith.cmpi slt, %add3A_169, %lt3A : i32
      %convert_element_type3A = arith.extui %lt3A_170 : i1 to i32
      %cond3A = arith.constant 0 : i32
      %cond3A_171 = arith.cmpi ne, %convert_element_type3A, %cond3A : i32
      scf.if %cond3A_171 {
        %add3A_183 = arith.constant 1 : i32
        %add3A_184 = arith.addi %scan3A_167, %add3A_183 : i32
        %mul3A_185 = arith.constant 16 : i32
        %mul3A_186 = arith.muli %add3A_184, %mul3A_185 : i32
        %add3A_187 = arith.constant 0 : i32
        %add3A_188 = arith.addi %mul3A_186, %add3A_187 : i32
        %dma_start3A_189 = arith.constant 0 : i32
        %dma_start3A_190 = tpu.memref_slice %arg6[%add3A_188, %dma_start3A_189] : memref<256x128xf32, #tpu.memory_space<vmem>> -> memref<1x128xf32, #tpu.memory_space<vmem>>
        %dma_start3A_191 = tpu.memref_squeeze %dma_start3A_190 : memref<1x128xf32, #tpu.memory_space<vmem>> -> memref<128xf32, #tpu.memory_space<vmem>>
        %dma_start3A_192 = arith.constant 0 : i32
        %dma_start3A_193 = tpu.memref_slice %arg5[%add3A_188, %dma_start3A_192] : memref<256x128xi32, #tpu.memory_space<vmem>> -> memref<1x128xi32, #tpu.memory_space<vmem>>
        %dma_start3A_194 = tpu.memref_squeeze %dma_start3A_193 : memref<1x128xi32, #tpu.memory_space<vmem>> -> memref<128xi32, #tpu.memory_space<vmem>>
        %dma_start3A_195 = arith.constant 0 : i32
        %dma_start3A_196 = tpu.memref_slice %arg2[%dma_start3A_195] : memref<16777216xf32, #tpu.memory_space<hbm>> -> memref<16777216xf32, #tpu.memory_space<hbm>>
        tpu.enqueue_indirect_dma source(%dma_start3A_196 : memref<16777216xf32, #tpu.memory_space<hbm>>) target(%dma_start3A_191 : memref<128xf32, #tpu.memory_space<vmem>>) offsets(%dma_start3A_194 : memref<128xi32, #tpu.memory_space<vmem>>) semaphore(%arg7 : memref<!tpu.dma_semaphore, #tpu.memory_space<semaphore_mem>>)
        %add3A_197 = arith.constant 1 : i32
        %add3A_198 = arith.addi %scan3A_167, %add3A_197 : i32
        %mul3A_199 = arith.constant 16 : i32
        %mul3A_200 = arith.muli %add3A_198, %mul3A_199 : i32
        %add3A_201 = arith.constant 1 : i32
        %add3A_202 = arith.addi %mul3A_200, %add3A_201 : i32
        %dma_start3A_203 = arith.constant 0 : i32
        %dma_start3A_204 = tpu.memref_slice %arg6[%add3A_202, %dma_start3A_203] : memref<256x128xf32, #tpu.memory_space<vmem>> -> memref<1x128xf32, #tpu.memory_space<vmem>>
        %dma_start3A_205 = tpu.memref_squeeze %dma_start3A_204 : memref<1x128xf32, #tpu.memory_space<vmem>> -> memref<128xf32, #tpu.memory_space<vmem>>
        %dma_start3A_206 = arith.constant 0 : i32
        %dma_start3A_207 = tpu.memref_slice %arg5[%add3A_202, %dma_start3A_206] : memref<256x128xi32, #tpu.memory_space<vmem>> -> memref<1x128xi32, #tpu.memory_space<vmem>>
        %dma_start3A_208 = tpu.memref_squeeze %dma_start3A_207 : memref<1x128xi32, #tpu.memory_space<vmem>> -> memref<128xi32, #tpu.memory_space<vmem>>
        %dma_start3A_209 = arith.constant 0 : i32
        %dma_start3A_210 = tpu.memref_slice %arg2[%dma_start3A_209] : memref<16777216xf32, #tpu.memory_space<hbm>> -> memref<16777216xf32, #tpu.memory_space<hbm>>
        tpu.enqueue_indirect_dma source(%dma_start3A_210 : memref<16777216xf32, #tpu.memory_space<hbm>>) target(%dma_start3A_205 : memref<128xf32, #tpu.memory_space<vmem>>) offsets(%dma_start3A_208 : memref<128xi32, #tpu.memory_space<vmem>>) semaphore(%arg7 : memref<!tpu.dma_semaphore, #tpu.memory_space<semaphore_mem>>)
        %add3A_211 = arith.constant 1 : i32
        %add3A_212 = arith.addi %scan3A_167, %add3A_211 : i32
        %mul3A_213 = arith.constant 16 : i32
        %mul3A_214 = arith.muli %add3A_212, %mul3A_213 : i32
        %add3A_215 = arith.constant 2 : i32
        %add3A_216 = arith.addi %mul3A_214, %add3A_215 : i32
        %dma_start3A_217 = arith.constant 0 : i32
        %dma_start3A_218 = tpu.memref_slice %arg6[%add3A_216, %dma_start3A_217] : memref<256x128xf32, #tpu.memory_space<vmem>> -> memref<1x128xf32, #tpu.memory_space<vmem>>
        %dma_start3A_219 = tpu.memref_squeeze %dma_start3A_218 : memref<1x128xf32, #tpu.memory_space<vmem>> -> memref<128xf32, #tpu.memory_space<vmem>>
        %dma_start3A_220 = arith.constant 0 : i32
        %dma_start3A_221 = tpu.memref_slice %arg5[%add3A_216, %dma_start3A_220] : memref<256x128xi32, #tpu.memory_space<vmem>> -> memref<1x128xi32, #tpu.memory_space<vmem>>
        %dma_start3A_222 = tpu.memref_squeeze %dma_start3A_221 : memref<1x128xi32, #tpu.memory_space<vmem>> -> memref<128xi32, #tpu.memory_space<vmem>>
        %dma_start3A_223 = arith.constant 0 : i32
        %dma_start3A_224 = tpu.memref_slice %arg2[%dma_start3A_223] : memref<16777216xf32, #tpu.memory_space<hbm>> -> memref<16777216xf32, #tpu.memory_space<hbm>>
        tpu.enqueue_indirect_dma source(%dma_start3A_224 : memref<16777216xf32, #tpu.memory_space<hbm>>) target(%dma_start3A_219 : memref<128xf32, #tpu.memory_space<vmem>>) offsets(%dma_start3A_222 : memref<128xi32, #tpu.memory_space<vmem>>) semaphore(%arg7 : memref<!tpu.dma_semaphore, #tpu.memory_space<semaphore_mem>>)
        %add3A_225 = arith.constant 1 : i32
        %add3A_226 = arith.addi %scan3A_167, %add3A_225 : i32
        %mul3A_227 = arith.constant 16 : i32
        %mul3A_228 = arith.muli %add3A_226, %mul3A_227 : i32
        %add3A_229 = arith.constant 3 : i32
        %add3A_230 = arith.addi %mul3A_228, %add3A_229 : i32
        %dma_start3A_231 = arith.constant 0 : i32
        %dma_start3A_232 = tpu.memref_slice %arg6[%add3A_230, %dma_start3A_231] : memref<256x128xf32, #tpu.memory_space<vmem>> -> memref<1x128xf32, #tpu.memory_space<vmem>>
        %dma_start3A_233 = tpu.memref_squeeze %dma_start3A_232 : memref<1x128xf32, #tpu.memory_space<vmem>> -> memref<128xf32, #tpu.memory_space<vmem>>
        %dma_start3A_234 = arith.constant 0 : i32
        %dma_start3A_235 = tpu.memref_slice %arg5[%add3A_230, %dma_start3A_234] : memref<256x128xi32, #tpu.memory_space<vmem>> -> memref<1x128xi32, #tpu.memory_space<vmem>>
        %dma_start3A_236 = tpu.memref_squeeze %dma_start3A_235 : memref<1x128xi32, #tpu.memory_space<vmem>> -> memref<128xi32, #tpu.memory_space<vmem>>
        %dma_start3A_237 = arith.constant 0 : i32
        %dma_start3A_238 = tpu.memref_slice %arg2[%dma_start3A_237] : memref<16777216xf32, #tpu.memory_space<hbm>> -> memref<16777216xf32, #tpu.memory_space<hbm>>
        tpu.enqueue_indirect_dma source(%dma_start3A_238 : memref<16777216xf32, #tpu.memory_space<hbm>>) target(%dma_start3A_233 : memref<128xf32, #tpu.memory_space<vmem>>) offsets(%dma_start3A_236 : memref<128xi32, #tpu.memory_space<vmem>>) semaphore(%arg7 : memref<!tpu.dma_semaphore, #tpu.memory_space<semaphore_mem>>)
        %add3A_239 = arith.constant 1 : i32
        %add3A_240 = arith.addi %scan3A_167, %add3A_239 : i32
        %mul3A_241 = arith.constant 16 : i32
        %mul3A_242 = arith.muli %add3A_240, %mul3A_241 : i32
        %add3A_243 = arith.constant 4 : i32
        %add3A_244 = arith.addi %mul3A_242, %add3A_243 : i32
        %dma_start3A_245 = arith.constant 0 : i32
        %dma_start3A_246 = tpu.memref_slice %arg6[%add3A_244, %dma_start3A_245] : memref<256x128xf32, #tpu.memory_space<vmem>> -> memref<1x128xf32, #tpu.memory_space<vmem>>
        %dma_start3A_247 = tpu.memref_squeeze %dma_start3A_246 : memref<1x128xf32, #tpu.memory_space<vmem>> -> memref<128xf32, #tpu.memory_space<vmem>>
        %dma_start3A_248 = arith.constant 0 : i32
        %dma_start3A_249 = tpu.memref_slice %arg5[%add3A_244, %dma_start3A_248] : memref<256x128xi32, #tpu.memory_space<vmem>> -> memref<1x128xi32, #tpu.memory_space<vmem>>
        %dma_start3A_250 = tpu.memref_squeeze %dma_start3A_249 : memref<1x128xi32, #tpu.memory_space<vmem>> -> memref<128xi32, #tpu.memory_space<vmem>>
        %dma_start3A_251 = arith.constant 0 : i32
        %dma_start3A_252 = tpu.memref_slice %arg2[%dma_start3A_251] : memref<16777216xf32, #tpu.memory_space<hbm>> -> memref<16777216xf32, #tpu.memory_space<hbm>>
        tpu.enqueue_indirect_dma source(%dma_start3A_252 : memref<16777216xf32, #tpu.memory_space<hbm>>) target(%dma_start3A_247 : memref<128xf32, #tpu.memory_space<vmem>>) offsets(%dma_start3A_250 : memref<128xi32, #tpu.memory_space<vmem>>) semaphore(%arg7 : memref<!tpu.dma_semaphore, #tpu.memory_space<semaphore_mem>>)
        %add3A_253 = arith.constant 1 : i32
        %add3A_254 = arith.addi %scan3A_167, %add3A_253 : i32
        %mul3A_255 = arith.constant 16 : i32
        %mul3A_256 = arith.muli %add3A_254, %mul3A_255 : i32
        %add3A_257 = arith.constant 5 : i32
        %add3A_258 = arith.addi %mul3A_256, %add3A_257 : i32
        %dma_start3A_259 = arith.constant 0 : i32
        %dma_start3A_260 = tpu.memref_slice %arg6[%add3A_258, %dma_start3A_259] : memref<256x128xf32, #tpu.memory_space<vmem>> -> memref<1x128xf32, #tpu.memory_space<vmem>>
        %dma_start3A_261 = tpu.memref_squeeze %dma_start3A_260 : memref<1x128xf32, #tpu.memory_space<vmem>> -> memref<128xf32, #tpu.memory_space<vmem>>
        %dma_start3A_262 = arith.constant 0 : i32
        %dma_start3A_263 = tpu.memref_slice %arg5[%add3A_258, %dma_start3A_262] : memref<256x128xi32, #tpu.memory_space<vmem>> -> memref<1x128xi32, #tpu.memory_space<vmem>>
        %dma_start3A_264 = tpu.memref_squeeze %dma_start3A_263 : memref<1x128xi32, #tpu.memory_space<vmem>> -> memref<128xi32, #tpu.memory_space<vmem>>
        %dma_start3A_265 = arith.constant 0 : i32
        %dma_start3A_266 = tpu.memref_slice %arg2[%dma_start3A_265] : memref<16777216xf32, #tpu.memory_space<hbm>> -> memref<16777216xf32, #tpu.memory_space<hbm>>
        tpu.enqueue_indirect_dma source(%dma_start3A_266 : memref<16777216xf32, #tpu.memory_space<hbm>>) target(%dma_start3A_261 : memref<128xf32, #tpu.memory_space<vmem>>) offsets(%dma_start3A_264 : memref<128xi32, #tpu.memory_space<vmem>>) semaphore(%arg7 : memref<!tpu.dma_semaphore, #tpu.memory_space<semaphore_mem>>)
        %add3A_267 = arith.constant 1 : i32
        %add3A_268 = arith.addi %scan3A_167, %add3A_267 : i32
        %mul3A_269 = arith.constant 16 : i32
        %mul3A_270 = arith.muli %add3A_268, %mul3A_269 : i32
        %add3A_271 = arith.constant 6 : i32
        %add3A_272 = arith.addi %mul3A_270, %add3A_271 : i32
        %dma_start3A_273 = arith.constant 0 : i32
        %dma_start3A_274 = tpu.memref_slice %arg6[%add3A_272, %dma_start3A_273] : memref<256x128xf32, #tpu.memory_space<vmem>> -> memref<1x128xf32, #tpu.memory_space<vmem>>
        %dma_start3A_275 = tpu.memref_squeeze %dma_start3A_274 : memref<1x128xf32, #tpu.memory_space<vmem>> -> memref<128xf32, #tpu.memory_space<vmem>>
        %dma_start3A_276 = arith.constant 0 : i32
        %dma_start3A_277 = tpu.memref_slice %arg5[%add3A_272, %dma_start3A_276] : memref<256x128xi32, #tpu.memory_space<vmem>> -> memref<1x128xi32, #tpu.memory_space<vmem>>
        %dma_start3A_278 = tpu.memref_squeeze %dma_start3A_277 : memref<1x128xi32, #tpu.memory_space<vmem>> -> memref<128xi32, #tpu.memory_space<vmem>>
        %dma_start3A_279 = arith.constant 0 : i32
        %dma_start3A_280 = tpu.memref_slice %arg2[%dma_start3A_279] : memref<16777216xf32, #tpu.memory_space<hbm>> -> memref<16777216xf32, #tpu.memory_space<hbm>>
        tpu.enqueue_indirect_dma source(%dma_start3A_280 : memref<16777216xf32, #tpu.memory_space<hbm>>) target(%dma_start3A_275 : memref<128xf32, #tpu.memory_space<vmem>>) offsets(%dma_start3A_278 : memref<128xi32, #tpu.memory_space<vmem>>) semaphore(%arg7 : memref<!tpu.dma_semaphore, #tpu.memory_space<semaphore_mem>>)
        %add3A_281 = arith.constant 1 : i32
        %add3A_282 = arith.addi %scan3A_167, %add3A_281 : i32
        %mul3A_283 = arith.constant 16 : i32
        %mul3A_284 = arith.muli %add3A_282, %mul3A_283 : i32
        %add3A_285 = arith.constant 7 : i32
        %add3A_286 = arith.addi %mul3A_284, %add3A_285 : i32
        %dma_start3A_287 = arith.constant 0 : i32
        %dma_start3A_288 = tpu.memref_slice %arg6[%add3A_286, %dma_start3A_287] : memref<256x128xf32, #tpu.memory_space<vmem>> -> memref<1x128xf32, #tpu.memory_space<vmem>>
        %dma_start3A_289 = tpu.memref_squeeze %dma_start3A_288 : memref<1x128xf32, #tpu.memory_space<vmem>> -> memref<128xf32, #tpu.memory_space<vmem>>
        %dma_start3A_290 = arith.constant 0 : i32
        %dma_start3A_291 = tpu.memref_slice %arg5[%add3A_286, %dma_start3A_290] : memref<256x128xi32, #tpu.memory_space<vmem>> -> memref<1x128xi32, #tpu.memory_space<vmem>>
        %dma_start3A_292 = tpu.memref_squeeze %dma_start3A_291 : memref<1x128xi32, #tpu.memory_space<vmem>> -> memref<128xi32, #tpu.memory_space<vmem>>
        %dma_start3A_293 = arith.constant 0 : i32
        %dma_start3A_294 = tpu.memref_slice %arg2[%dma_start3A_293] : memref<16777216xf32, #tpu.memory_space<hbm>> -> memref<16777216xf32, #tpu.memory_space<hbm>>
        tpu.enqueue_indirect_dma source(%dma_start3A_294 : memref<16777216xf32, #tpu.memory_space<hbm>>) target(%dma_start3A_289 : memref<128xf32, #tpu.memory_space<vmem>>) offsets(%dma_start3A_292 : memref<128xi32, #tpu.memory_space<vmem>>) semaphore(%arg7 : memref<!tpu.dma_semaphore, #tpu.memory_space<semaphore_mem>>)
        %add3A_295 = arith.constant 1 : i32
        %add3A_296 = arith.addi %scan3A_167, %add3A_295 : i32
        %mul3A_297 = arith.constant 16 : i32
        %mul3A_298 = arith.muli %add3A_296, %mul3A_297 : i32
        %add3A_299 = arith.constant 8 : i32
        %add3A_300 = arith.addi %mul3A_298, %add3A_299 : i32
        %dma_start3A_301 = arith.constant 0 : i32
        %dma_start3A_302 = tpu.memref_slice %arg6[%add3A_300, %dma_start3A_301] : memref<256x128xf32, #tpu.memory_space<vmem>> -> memref<1x128xf32, #tpu.memory_space<vmem>>
        %dma_start3A_303 = tpu.memref_squeeze %dma_start3A_302 : memref<1x128xf32, #tpu.memory_space<vmem>> -> memref<128xf32, #tpu.memory_space<vmem>>
        %dma_start3A_304 = arith.constant 0 : i32
        %dma_start3A_305 = tpu.memref_slice %arg5[%add3A_300, %dma_start3A_304] : memref<256x128xi32, #tpu.memory_space<vmem>> -> memref<1x128xi32, #tpu.memory_space<vmem>>
        %dma_start3A_306 = tpu.memref_squeeze %dma_start3A_305 : memref<1x128xi32, #tpu.memory_space<vmem>> -> memref<128xi32, #tpu.memory_space<vmem>>
        %dma_start3A_307 = arith.constant 0 : i32
        %dma_start3A_308 = tpu.memref_slice %arg2[%dma_start3A_307] : memref<16777216xf32, #tpu.memory_space<hbm>> -> memref<16777216xf32, #tpu.memory_space<hbm>>
        tpu.enqueue_indirect_dma source(%dma_start3A_308 : memref<16777216xf32, #tpu.memory_space<hbm>>) target(%dma_start3A_303 : memref<128xf32, #tpu.memory_space<vmem>>) offsets(%dma_start3A_306 : memref<128xi32, #tpu.memory_space<vmem>>) semaphore(%arg7 : memref<!tpu.dma_semaphore, #tpu.memory_space<semaphore_mem>>)
        %add3A_309 = arith.constant 1 : i32
        %add3A_310 = arith.addi %scan3A_167, %add3A_309 : i32
        %mul3A_311 = arith.constant 16 : i32
        %mul3A_312 = arith.muli %add3A_310, %mul3A_311 : i32
        %add3A_313 = arith.constant 9 : i32
        %add3A_314 = arith.addi %mul3A_312, %add3A_313 : i32
        %dma_start3A_315 = arith.constant 0 : i32
        %dma_start3A_316 = tpu.memref_slice %arg6[%add3A_314, %dma_start3A_315] : memref<256x128xf32, #tpu.memory_space<vmem>> -> memref<1x128xf32, #tpu.memory_space<vmem>>
        %dma_start3A_317 = tpu.memref_squeeze %dma_start3A_316 : memref<1x128xf32, #tpu.memory_space<vmem>> -> memref<128xf32, #tpu.memory_space<vmem>>
        %dma_start3A_318 = arith.constant 0 : i32
        %dma_start3A_319 = tpu.memref_slice %arg5[%add3A_314, %dma_start3A_318] : memref<256x128xi32, #tpu.memory_space<vmem>> -> memref<1x128xi32, #tpu.memory_space<vmem>>
        %dma_start3A_320 = tpu.memref_squeeze %dma_start3A_319 : memref<1x128xi32, #tpu.memory_space<vmem>> -> memref<128xi32, #tpu.memory_space<vmem>>
        %dma_start3A_321 = arith.constant 0 : i32
        %dma_start3A_322 = tpu.memref_slice %arg2[%dma_start3A_321] : memref<16777216xf32, #tpu.memory_space<hbm>> -> memref<16777216xf32, #tpu.memory_space<hbm>>
        tpu.enqueue_indirect_dma source(%dma_start3A_322 : memref<16777216xf32, #tpu.memory_space<hbm>>) target(%dma_start3A_317 : memref<128xf32, #tpu.memory_space<vmem>>) offsets(%dma_start3A_320 : memref<128xi32, #tpu.memory_space<vmem>>) semaphore(%arg7 : memref<!tpu.dma_semaphore, #tpu.memory_space<semaphore_mem>>)
        %add3A_323 = arith.constant 1 : i32
        %add3A_324 = arith.addi %scan3A_167, %add3A_323 : i32
        %mul3A_325 = arith.constant 16 : i32
        %mul3A_326 = arith.muli %add3A_324, %mul3A_325 : i32
        %add3A_327 = arith.constant 10 : i32
        %add3A_328 = arith.addi %mul3A_326, %add3A_327 : i32
        %dma_start3A_329 = arith.constant 0 : i32
        %dma_start3A_330 = tpu.memref_slice %arg6[%add3A_328, %dma_start3A_329] : memref<256x128xf32, #tpu.memory_space<vmem>> -> memref<1x128xf32, #tpu.memory_space<vmem>>
        %dma_start3A_331 = tpu.memref_squeeze %dma_start3A_330 : memref<1x128xf32, #tpu.memory_space<vmem>> -> memref<128xf32, #tpu.memory_space<vmem>>
        %dma_start3A_332 = arith.constant 0 : i32
        %dma_start3A_333 = tpu.memref_slice %arg5[%add3A_328, %dma_start3A_332] : memref<256x128xi32, #tpu.memory_space<vmem>> -> memref<1x128xi32, #tpu.memory_space<vmem>>
        %dma_start3A_334 = tpu.memref_squeeze %dma_start3A_333 : memref<1x128xi32, #tpu.memory_space<vmem>> -> memref<128xi32, #tpu.memory_space<vmem>>
        %dma_start3A_335 = arith.constant 0 : i32
        %dma_start3A_336 = tpu.memref_slice %arg2[%dma_start3A_335] : memref<16777216xf32, #tpu.memory_space<hbm>> -> memref<16777216xf32, #tpu.memory_space<hbm>>
        tpu.enqueue_indirect_dma source(%dma_start3A_336 : memref<16777216xf32, #tpu.memory_space<hbm>>) target(%dma_start3A_331 : memref<128xf32, #tpu.memory_space<vmem>>) offsets(%dma_start3A_334 : memref<128xi32, #tpu.memory_space<vmem>>) semaphore(%arg7 : memref<!tpu.dma_semaphore, #tpu.memory_space<semaphore_mem>>)
        %add3A_337 = arith.constant 1 : i32
        %add3A_338 = arith.addi %scan3A_167, %add3A_337 : i32
        %mul3A_339 = arith.constant 16 : i32
        %mul3A_340 = arith.muli %add3A_338, %mul3A_339 : i32
        %add3A_341 = arith.constant 11 : i32
        %add3A_342 = arith.addi %mul3A_340, %add3A_341 : i32
        %dma_start3A_343 = arith.constant 0 : i32
        %dma_start3A_344 = tpu.memref_slice %arg6[%add3A_342, %dma_start3A_343] : memref<256x128xf32, #tpu.memory_space<vmem>> -> memref<1x128xf32, #tpu.memory_space<vmem>>
        %dma_start3A_345 = tpu.memref_squeeze %dma_start3A_344 : memref<1x128xf32, #tpu.memory_space<vmem>> -> memref<128xf32, #tpu.memory_space<vmem>>
        %dma_start3A_346 = arith.constant 0 : i32
        %dma_start3A_347 = tpu.memref_slice %arg5[%add3A_342, %dma_start3A_346] : memref<256x128xi32, #tpu.memory_space<vmem>> -> memref<1x128xi32, #tpu.memory_space<vmem>>
        %dma_start3A_348 = tpu.memref_squeeze %dma_start3A_347 : memref<1x128xi32, #tpu.memory_space<vmem>> -> memref<128xi32, #tpu.memory_space<vmem>>
        %dma_start3A_349 = arith.constant 0 : i32
        %dma_start3A_350 = tpu.memref_slice %arg2[%dma_start3A_349] : memref<16777216xf32, #tpu.memory_space<hbm>> -> memref<16777216xf32, #tpu.memory_space<hbm>>
        tpu.enqueue_indirect_dma source(%dma_start3A_350 : memref<16777216xf32, #tpu.memory_space<hbm>>) target(%dma_start3A_345 : memref<128xf32, #tpu.memory_space<vmem>>) offsets(%dma_start3A_348 : memref<128xi32, #tpu.memory_space<vmem>>) semaphore(%arg7 : memref<!tpu.dma_semaphore, #tpu.memory_space<semaphore_mem>>)
        %add3A_351 = arith.constant 1 : i32
        %add3A_352 = arith.addi %scan3A_167, %add3A_351 : i32
        %mul3A_353 = arith.constant 16 : i32
        %mul3A_354 = arith.muli %add3A_352, %mul3A_353 : i32
        %add3A_355 = arith.constant 12 : i32
        %add3A_356 = arith.addi %mul3A_354, %add3A_355 : i32
        %dma_start3A_357 = arith.constant 0 : i32
        %dma_start3A_358 = tpu.memref_slice %arg6[%add3A_356, %dma_start3A_357] : memref<256x128xf32, #tpu.memory_space<vmem>> -> memref<1x128xf32, #tpu.memory_space<vmem>>
        %dma_start3A_359 = tpu.memref_squeeze %dma_start3A_358 : memref<1x128xf32, #tpu.memory_space<vmem>> -> memref<128xf32, #tpu.memory_space<vmem>>
        %dma_start3A_360 = arith.constant 0 : i32
        %dma_start3A_361 = tpu.memref_slice %arg5[%add3A_356, %dma_start3A_360] : memref<256x128xi32, #tpu.memory_space<vmem>> -> memref<1x128xi32, #tpu.memory_space<vmem>>
        %dma_start3A_362 = tpu.memref_squeeze %dma_start3A_361 : memref<1x128xi32, #tpu.memory_space<vmem>> -> memref<128xi32, #tpu.memory_space<vmem>>
        %dma_start3A_363 = arith.constant 0 : i32
        %dma_start3A_364 = tpu.memref_slice %arg2[%dma_start3A_363] : memref<16777216xf32, #tpu.memory_space<hbm>> -> memref<16777216xf32, #tpu.memory_space<hbm>>
        tpu.enqueue_indirect_dma source(%dma_start3A_364 : memref<16777216xf32, #tpu.memory_space<hbm>>) target(%dma_start3A_359 : memref<128xf32, #tpu.memory_space<vmem>>) offsets(%dma_start3A_362 : memref<128xi32, #tpu.memory_space<vmem>>) semaphore(%arg7 : memref<!tpu.dma_semaphore, #tpu.memory_space<semaphore_mem>>)
        %add3A_365 = arith.constant 1 : i32
        %add3A_366 = arith.addi %scan3A_167, %add3A_365 : i32
        %mul3A_367 = arith.constant 16 : i32
        %mul3A_368 = arith.muli %add3A_366, %mul3A_367 : i32
        %add3A_369 = arith.constant 13 : i32
        %add3A_370 = arith.addi %mul3A_368, %add3A_369 : i32
        %dma_start3A_371 = arith.constant 0 : i32
        %dma_start3A_372 = tpu.memref_slice %arg6[%add3A_370, %dma_start3A_371] : memref<256x128xf32, #tpu.memory_space<vmem>> -> memref<1x128xf32, #tpu.memory_space<vmem>>
        %dma_start3A_373 = tpu.memref_squeeze %dma_start3A_372 : memref<1x128xf32, #tpu.memory_space<vmem>> -> memref<128xf32, #tpu.memory_space<vmem>>
        %dma_start3A_374 = arith.constant 0 : i32
        %dma_start3A_375 = tpu.memref_slice %arg5[%add3A_370, %dma_start3A_374] : memref<256x128xi32, #tpu.memory_space<vmem>> -> memref<1x128xi32, #tpu.memory_space<vmem>>
        %dma_start3A_376 = tpu.memref_squeeze %dma_start3A_375 : memref<1x128xi32, #tpu.memory_space<vmem>> -> memref<128xi32, #tpu.memory_space<vmem>>
        %dma_start3A_377 = arith.constant 0 : i32
        %dma_start3A_378 = tpu.memref_slice %arg2[%dma_start3A_377] : memref<16777216xf32, #tpu.memory_space<hbm>> -> memref<16777216xf32, #tpu.memory_space<hbm>>
        tpu.enqueue_indirect_dma source(%dma_start3A_378 : memref<16777216xf32, #tpu.memory_space<hbm>>) target(%dma_start3A_373 : memref<128xf32, #tpu.memory_space<vmem>>) offsets(%dma_start3A_376 : memref<128xi32, #tpu.memory_space<vmem>>) semaphore(%arg7 : memref<!tpu.dma_semaphore, #tpu.memory_space<semaphore_mem>>)
        %add3A_379 = arith.constant 1 : i32
        %add3A_380 = arith.addi %scan3A_167, %add3A_379 : i32
        %mul3A_381 = arith.constant 16 : i32
        %mul3A_382 = arith.muli %add3A_380, %mul3A_381 : i32
        %add3A_383 = arith.constant 14 : i32
        %add3A_384 = arith.addi %mul3A_382, %add3A_383 : i32
        %dma_start3A_385 = arith.constant 0 : i32
        %dma_start3A_386 = tpu.memref_slice %arg6[%add3A_384, %dma_start3A_385] : memref<256x128xf32, #tpu.memory_space<vmem>> -> memref<1x128xf32, #tpu.memory_space<vmem>>
        %dma_start3A_387 = tpu.memref_squeeze %dma_start3A_386 : memref<1x128xf32, #tpu.memory_space<vmem>> -> memref<128xf32, #tpu.memory_space<vmem>>
        %dma_start3A_388 = arith.constant 0 : i32
        %dma_start3A_389 = tpu.memref_slice %arg5[%add3A_384, %dma_start3A_388] : memref<256x128xi32, #tpu.memory_space<vmem>> -> memref<1x128xi32, #tpu.memory_space<vmem>>
        %dma_start3A_390 = tpu.memref_squeeze %dma_start3A_389 : memref<1x128xi32, #tpu.memory_space<vmem>> -> memref<128xi32, #tpu.memory_space<vmem>>
        %dma_start3A_391 = arith.constant 0 : i32
        %dma_start3A_392 = tpu.memref_slice %arg2[%dma_start3A_391] : memref<16777216xf32, #tpu.memory_space<hbm>> -> memref<16777216xf32, #tpu.memory_space<hbm>>
        tpu.enqueue_indirect_dma source(%dma_start3A_392 : memref<16777216xf32, #tpu.memory_space<hbm>>) target(%dma_start3A_387 : memref<128xf32, #tpu.memory_space<vmem>>) offsets(%dma_start3A_390 : memref<128xi32, #tpu.memory_space<vmem>>) semaphore(%arg7 : memref<!tpu.dma_semaphore, #tpu.memory_space<semaphore_mem>>)
        %add3A_393 = arith.constant 1 : i32
        %add3A_394 = arith.addi %scan3A_167, %add3A_393 : i32
        %mul3A_395 = arith.constant 16 : i32
        %mul3A_396 = arith.muli %add3A_394, %mul3A_395 : i32
        %add3A_397 = arith.constant 15 : i32
        %add3A_398 = arith.addi %mul3A_396, %add3A_397 : i32
        %dma_start3A_399 = arith.constant 0 : i32
        %dma_start3A_400 = tpu.memref_slice %arg6[%add3A_398, %dma_start3A_399] : memref<256x128xf32, #tpu.memory_space<vmem>> -> memref<1x128xf32, #tpu.memory_space<vmem>>
        %dma_start3A_401 = tpu.memref_squeeze %dma_start3A_400 : memref<1x128xf32, #tpu.memory_space<vmem>> -> memref<128xf32, #tpu.memory_space<vmem>>
        %dma_start3A_402 = arith.constant 0 : i32
        %dma_start3A_403 = tpu.memref_slice %arg5[%add3A_398, %dma_start3A_402] : memref<256x128xi32, #tpu.memory_space<vmem>> -> memref<1x128xi32, #tpu.memory_space<vmem>>
        %dma_start3A_404 = tpu.memref_squeeze %dma_start3A_403 : memref<1x128xi32, #tpu.memory_space<vmem>> -> memref<128xi32, #tpu.memory_space<vmem>>
        %dma_start3A_405 = arith.constant 0 : i32
        %dma_start3A_406 = tpu.memref_slice %arg2[%dma_start3A_405] : memref<16777216xf32, #tpu.memory_space<hbm>> -> memref<16777216xf32, #tpu.memory_space<hbm>>
        tpu.enqueue_indirect_dma source(%dma_start3A_406 : memref<16777216xf32, #tpu.memory_space<hbm>>) target(%dma_start3A_401 : memref<128xf32, #tpu.memory_space<vmem>>) offsets(%dma_start3A_404 : memref<128xi32, #tpu.memory_space<vmem>>) semaphore(%arg7 : memref<!tpu.dma_semaphore, #tpu.memory_space<semaphore_mem>>)
      } else {
      }
      %mul3A_172 = arith.constant 16 : i32
      %mul3A_173 = arith.muli %scan3A_167, %mul3A_172 : i32
      %dma_wait3A = arith.constant 0 : i32
      %dma_wait3A_174 = tpu.memref_slice %arg6[%mul3A_173, %dma_wait3A] : memref<256x128xf32, #tpu.memory_space<vmem>> -> memref<16x128xf32, #tpu.memory_space<vmem>>
      %dma_wait3A_175 = arith.constant 0 : i32
      %dma_wait3A_176 = arith.constant 0 : i32
      %dma_wait3A_177 = tpu.memref_slice %arg4[%dma_wait3A_175, %dma_wait3A_176] : memref<8192x128xf32, #tpu.memory_space<hbm>> -> memref<16x128xf32, #tpu.memory_space<hbm>>
      %dma_wait3A_178 = arith.constant 0 : i32
      %dma_wait3A_179 = tpu.memref_slice %arg6[%mul3A_173, %dma_wait3A_178] : memref<256x128xf32, #tpu.memory_space<vmem>> -> memref<16x128xf32, #tpu.memory_space<vmem>>
      %dma_wait3A_180 = arith.constant 0 : i32
      %dma_wait3A_181 = arith.constant 0 : i32
      %dma_wait3A_182 = tpu.memref_slice %arg4[%dma_wait3A_180, %dma_wait3A_181] : memref<8192x128xf32, #tpu.memory_space<hbm>> -> memref<16x128xf32, #tpu.memory_space<hbm>>
      tpu.wait_dma2 semaphore(%arg7 : memref<!tpu.dma_semaphore, #tpu.memory_space<semaphore_mem>>) src(%dma_wait3A_182 : memref<16x128xf32, #tpu.memory_space<hbm>>) dst(%dma_wait3A_179 : memref<16x128xf32, #tpu.memory_space<vmem>>)
    }
    %scan3A_166 = arith.constant 16 : i32
    "tpu.region"() ({
      %run_scoped3A = tpu.sem_alloc : memref<!tpu.dma_semaphore, #tpu.memory_space<semaphore_mem>>
      %dma_start3A_167 = arith.constant 0 : i32
      %dma_start3A_168 = tpu.memref_slice %arg4[%mul3A_2, %dma_start3A_167] : memref<8192x128xf32, #tpu.memory_space<hbm>> -> memref<256x128xf32, #tpu.memory_space<hbm>>
      %dma_start3A_169 = arith.constant 0 : i32
      %dma_start3A_170 = tpu.memref_slice %arg4[%mul3A_2, %dma_start3A_169] : memref<8192x128xf32, #tpu.memory_space<hbm>> -> memref<256x128xf32, #tpu.memory_space<hbm>>
      tpu.enqueue_dma source(%arg6 : memref<256x128xf32, #tpu.memory_space<vmem>>) target(%dma_start3A_170 : memref<256x128xf32, #tpu.memory_space<hbm>>) target_semaphore(%run_scoped3A : memref<!tpu.dma_semaphore, #tpu.memory_space<semaphore_mem>>)
      %dma_wait3A = arith.constant 0 : i32
      %dma_wait3A_171 = tpu.memref_slice %arg4[%mul3A_2, %dma_wait3A] : memref<8192x128xf32, #tpu.memory_space<hbm>> -> memref<256x128xf32, #tpu.memory_space<hbm>>
      %dma_wait3A_172 = arith.constant 0 : i32
      %dma_wait3A_173 = tpu.memref_slice %arg4[%mul3A_2, %dma_wait3A_172] : memref<8192x128xf32, #tpu.memory_space<hbm>> -> memref<256x128xf32, #tpu.memory_space<hbm>>
      tpu.wait_dma2 semaphore(%run_scoped3A : memref<!tpu.dma_semaphore, #tpu.memory_space<semaphore_mem>>) src(%arg6 : memref<256x128xf32, #tpu.memory_space<vmem>>) dst(%dma_wait3A_173 : memref<256x128xf32, #tpu.memory_space<hbm>>)
      tpu.yield
    }) : () -> ()
    return
  }
}

module attributes {stable_mosaic.version = 14 : i64} {
  func.func @_tc1_body(%arg0: i32, %arg1: memref<4096x128xf32, #tpu.memory_space<vmem>>, %arg2: memref<128x16xf32, #tpu.memory_space<vmem>>, %arg3: memref<128x32xf32, #tpu.memory_space<vmem>>, %arg4: memref<16x64xf32, #tpu.memory_space<vmem>>, %arg5: memref<64x16xf32, #tpu.memory_space<vmem>>, %arg6: memref<16x64xf32, #tpu.memory_space<vmem>>, %arg7: memref<16x64xf32, #tpu.memory_space<vmem>>, %arg8: memref<64x64xf32, #tpu.memory_space<vmem>>, %arg9: memref<64x3xf32, #tpu.memory_space<vmem>>, %arg10: memref<128x3xf32, #tpu.memory_space<vmem>>) attributes {dimension_semantics = [#tpu.dimension_semantics<arbitrary>], iteration_bounds = array<i64: 32>, scalar_prefetch = 0 : i64, scratch_operands = 0 : i64, tpu.core_type = #tpu.core_type<tc>, window_params = [{transform_indices = @transform_0, window_bounds = array<i64: 4096, 128>}, {transform_indices = @transform_1, window_bounds = array<i64: 128, 16>}, {transform_indices = @transform_2, window_bounds = array<i64: 128, 32>}, {pipeline_mode = #tpu.pipeline_mode<synchronous>, transform_indices = @transform_3, window_bounds = array<i64: 16, 64>}, {pipeline_mode = #tpu.pipeline_mode<synchronous>, transform_indices = @transform_4, window_bounds = array<i64: 64, 16>}, {pipeline_mode = #tpu.pipeline_mode<synchronous>, transform_indices = @transform_5, window_bounds = array<i64: 16, 64>}, {pipeline_mode = #tpu.pipeline_mode<synchronous>, transform_indices = @transform_6, window_bounds = array<i64: 16, 64>}, {pipeline_mode = #tpu.pipeline_mode<synchronous>, transform_indices = @transform_7, window_bounds = array<i64: 64, 64>}, {pipeline_mode = #tpu.pipeline_mode<synchronous>, transform_indices = @transform_8, window_bounds = array<i64: 64, 3>}, {transform_indices = @transform_9, window_bounds = array<i64: 128, 3>}]} {
    %get3A = arith.constant 0 : index
    %get3A_0 = arith.constant 0 : index
    %get3A_1 = vector.load %arg1[%get3A, %get3A_0] : memref<4096x128xf32, #tpu.memory_space<vmem>>, vector<4096x16xf32>
    %get3A_2 = arith.constant 0 : index
    %get3A_3 = arith.constant 0 : index
    %get3A_4 = vector.load %arg2[%get3A_2, %get3A_3] : memref<128x16xf32, #tpu.memory_space<vmem>>, vector<128x16xf32>
    %broadcast_in_dim3A = vector.shape_cast %get3A_4 : vector<128x16xf32> to vector<128x1x16xf32>
    %broadcast_in_dim3A_5 = vector.shape_cast %broadcast_in_dim3A : vector<128x1x16xf32> to vector<128x1x16xf32>
    %broadcast_in_dim3A_6 = vector.broadcast %broadcast_in_dim3A_5 : vector<128x1x16xf32> to vector<128x32x16xf32>
    %reshape3A = vector.shape_cast %broadcast_in_dim3A_6 : vector<128x32x16xf32> to vector<4096x16xf32>
    %get3A_7 = arith.constant 0 : index
    %get3A_8 = arith.constant 0 : index
    %get3A_9 = vector.load %arg4[%get3A_7, %get3A_8] : memref<16x64xf32, #tpu.memory_space<vmem>>, vector<16x64xf32>
    %dot_general3A = arith.constant dense<0.000000e+00> : vector<4096x64xf32>
    %dot_general3A_10 = tpu.matmul %get3A_1, %get3A_9, %dot_general3A {dimension_numbers = #tpu.dot_dimension_numbers<[1], [0], [0], [1], [0, 0, 1, 1], [], []>, transpose_lhs_hint = false} : vector<4096x16xf32>, vector<16x64xf32>, vector<4096x64xf32> -> vector<4096x64xf32>
    %max3A = arith.constant 0.000000e+00 : f32
    %max3A_11 = vector.broadcast %max3A : f32 to vector<4096x64xf32>
    %max3A_12 = arith.maximumf %dot_general3A_10, %max3A_11 : vector<4096x64xf32>
    %get3A_13 = arith.constant 0 : index
    %get3A_14 = arith.constant 0 : index
    %get3A_15 = vector.load %arg5[%get3A_13, %get3A_14] : memref<64x16xf32, #tpu.memory_space<vmem>>, vector<64x16xf32>
    %dot_general3A_16 = arith.constant dense<0.000000e+00> : vector<4096x16xf32>
    %dot_general3A_17 = tpu.matmul %max3A_12, %get3A_15, %dot_general3A_16 {dimension_numbers = #tpu.dot_dimension_numbers<[1], [0], [0], [1], [0, 0, 1, 1], [], []>, transpose_lhs_hint = false} : vector<4096x64xf32>, vector<64x16xf32>, vector<4096x16xf32> -> vector<4096x16xf32>
    %get3A_18 = arith.constant 0 : index
    %get3A_19 = arith.constant 0 : index
    %get3A_20 = vector.load %arg6[%get3A_18, %get3A_19] : memref<16x64xf32, #tpu.memory_space<vmem>>, vector<16x64xf32>
    %dot_general3A_21 = arith.constant dense<0.000000e+00> : vector<4096x64xf32>
    %dot_general3A_22 = tpu.matmul %reshape3A, %get3A_20, %dot_general3A_21 {dimension_numbers = #tpu.dot_dimension_numbers<[1], [0], [0], [1], [0, 0, 1, 1], [], []>, transpose_lhs_hint = false} : vector<4096x16xf32>, vector<16x64xf32>, vector<4096x64xf32> -> vector<4096x64xf32>
    %get3A_23 = arith.constant 0 : index
    %get3A_24 = arith.constant 0 : index
    %get3A_25 = vector.load %arg7[%get3A_23, %get3A_24] : memref<16x64xf32, #tpu.memory_space<vmem>>, vector<16x64xf32>
    %dot_general3A_26 = arith.constant dense<0.000000e+00> : vector<4096x64xf32>
    %dot_general3A_27 = tpu.matmul %dot_general3A_17, %get3A_25, %dot_general3A_26 {dimension_numbers = #tpu.dot_dimension_numbers<[1], [0], [0], [1], [0, 0, 1, 1], [], []>, transpose_lhs_hint = false} : vector<4096x16xf32>, vector<16x64xf32>, vector<4096x64xf32> -> vector<4096x64xf32>
    %add3A = arith.addf %dot_general3A_22, %dot_general3A_27 : vector<4096x64xf32>
    %max3A_28 = arith.constant 0.000000e+00 : f32
    %max3A_29 = vector.broadcast %max3A_28 : f32 to vector<4096x64xf32>
    %max3A_30 = arith.maximumf %add3A, %max3A_29 : vector<4096x64xf32>
    %get3A_31 = arith.constant 0 : index
    %get3A_32 = arith.constant 0 : index
    %get3A_33 = vector.load %arg8[%get3A_31, %get3A_32] : memref<64x64xf32, #tpu.memory_space<vmem>>, vector<64x64xf32>
    %dot_general3A_34 = arith.constant dense<0.000000e+00> : vector<4096x64xf32>
    %dot_general3A_35 = tpu.matmul %max3A_30, %get3A_33, %dot_general3A_34 {dimension_numbers = #tpu.dot_dimension_numbers<[1], [0], [0], [1], [0, 0, 1, 1], [], []>, transpose_lhs_hint = false} : vector<4096x64xf32>, vector<64x64xf32>, vector<4096x64xf32> -> vector<4096x64xf32>
    %max3A_36 = arith.constant 0.000000e+00 : f32
    %max3A_37 = vector.broadcast %max3A_36 : f32 to vector<4096x64xf32>
    %max3A_38 = arith.maximumf %dot_general3A_35, %max3A_37 : vector<4096x64xf32>
    %get3A_39 = arith.constant 0 : index
    %get3A_40 = arith.constant 0 : index
    %get3A_41 = vector.load %arg9[%get3A_39, %get3A_40] : memref<64x3xf32, #tpu.memory_space<vmem>>, vector<64x3xf32>
    %dot_general3A_42 = arith.constant dense<0.000000e+00> : vector<4096x3xf32>
    %dot_general3A_43 = tpu.matmul %max3A_38, %get3A_41, %dot_general3A_42 {dimension_numbers = #tpu.dot_dimension_numbers<[1], [0], [0], [1], [0, 0, 1, 1], [], []>, transpose_lhs_hint = false} : vector<4096x64xf32>, vector<64x3xf32>, vector<4096x3xf32> -> vector<4096x3xf32>
    %get3A_44 = arith.constant 0 : index
    %get3A_45 = arith.constant 0 : index
    %get3A_46 = vector.load %arg3[%get3A_44, %get3A_45] : memref<128x32xf32, #tpu.memory_space<vmem>>, vector<128x32xf32>
    %slice3A = vector.extract_strided_slice %dot_general3A_17 {offsets = [0, 0], sizes = [4096, 1], strides = [1, 1]} : vector<4096x16xf32> to vector<4096x1xf32>
    %squeeze3A = vector.shape_cast %slice3A : vector<4096x1xf32> to vector<4096xf32>
    %reshape3A_47 = vector.shape_cast %squeeze3A : vector<4096xf32> to vector<128x32xf32>
    %gt3A = arith.constant 0.000000e+00 : f32
    %gt3A_48 = vector.broadcast %gt3A : f32 to vector<128x32xf32>
    %gt3A_49 = arith.cmpf ogt, %get3A_46, %gt3A_48 : vector<128x32xf32>
    %jit3A = arith.constant 0.000000e+00 : f32
    %broadcast_in_dim3A_50 = vector.broadcast %jit3A : f32 to vector<128x32xf32>
    %select_n3A = arith.select %gt3A_49, %reshape3A_47, %broadcast_in_dim3A_50 : vector<128x32xi1>, vector<128x32xf32>
    %max3A_51 = arith.constant 0.000000e+00 : f32
    %max3A_52 = vector.broadcast %max3A_51 : f32 to vector<128x32xf32>
    %max3A_53 = arith.maximumf %select_n3A, %max3A_52 : vector<128x32xf32>
    %neg3A = arith.constant 0.000000e+00 : f32
    %neg3A_54 = vector.broadcast %neg3A : f32 to vector<128x32xf32>
    %neg3A_55 = arith.subf %neg3A_54, %max3A_53 : vector<128x32xf32>
    %mul3A = arith.constant 6.250000e-02 : f32
    %mul3A_56 = vector.broadcast %mul3A : f32 to vector<128x32xf32>
    %mul3A_57 = arith.mulf %neg3A_55, %mul3A_56 : vector<128x32xf32>
    %exp3A = math.exp %mul3A_57 : vector<128x32xf32>
    %sub3A = arith.constant 1.000000e+00 : f32
    %sub3A_58 = vector.broadcast %sub3A : f32 to vector<128x32xf32>
    %sub3A_59 = arith.subf %sub3A_58, %exp3A : vector<128x32xf32>
    %sub3A_60 = arith.constant 1.000000e+00 : f32
    %sub3A_61 = vector.broadcast %sub3A_60 : f32 to vector<128x32xf32>
    %sub3A_62 = arith.subf %sub3A_61, %sub3A_59 : vector<128x32xf32>
    %add3A_63 = arith.constant 1.000000e-10 : f32
    %add3A_64 = vector.broadcast %add3A_63 : f32 to vector<128x32xf32>
    %add3A_65 = arith.addf %sub3A_62, %add3A_64 : vector<128x32xf32>
    %log3A = math.log %add3A_65 : vector<128x32xf32>
    %iota3A = tpu.iota {dimensions = array<i32: 0>} : vector<32x32xi32>
    %iota3A_66 = tpu.iota {dimensions = array<i32: 1>} : vector<32x32xi32>
    %lt3A = arith.cmpi slt, %iota3A, %iota3A_66 : vector<32x32xi32>
    %convert_element_type3A = arith.extui %lt3A : vector<32x32xi1> to vector<32x32xi32>
    %convert_element_type3A_67 = arith.sitofp %convert_element_type3A : vector<32x32xi32> to vector<32x32xf32>
    %dot_general3A_68 = arith.constant dense<0.000000e+00> : vector<128x32xf32>
    %dot_general3A_69 = tpu.matmul %log3A, %convert_element_type3A_67, %dot_general3A_68 {dimension_numbers = #tpu.dot_dimension_numbers<[1], [0], [0], [1], [0, 0, 1, 1], [], []>, precision = #tpu.contract_precision<fp32>, transpose_lhs_hint = false} : vector<128x32xf32>, vector<32x32xf32>, vector<128x32xf32> -> vector<128x32xf32>
    %exp3A_70 = math.exp %dot_general3A_69 : vector<128x32xf32>
    %mul3A_71 = arith.mulf %sub3A_59, %exp3A_70 : vector<128x32xf32>
    %reduce_sum3A = arith.constant dense<0.000000e+00> : vector<128xf32>
    %reduce_sum3A_72 = vector.multi_reduction <add>, %mul3A_71, %reduce_sum3A [1] : vector<128x32xf32> to vector<128xf32>
    %broadcast_in_dim3A_73 = vector.shape_cast %reduce_sum3A_72 : vector<128xf32> to vector<128x1xf32>
    %sub3A_74 = arith.constant 1.000000e+00 : f32
    %sub3A_75 = vector.broadcast %sub3A_74 : f32 to vector<128x1xf32>
    %sub3A_76 = arith.subf %sub3A_75, %broadcast_in_dim3A_73 : vector<128x1xf32>
    %slice3A_77 = vector.extract_strided_slice %dot_general3A_43 {offsets = [0, 0], sizes = [4096, 1], strides = [1, 1]} : vector<4096x3xf32> to vector<4096x1xf32>
    %squeeze3A_78 = vector.shape_cast %slice3A_77 : vector<4096x1xf32> to vector<4096xf32>
    %reshape3A_79 = vector.shape_cast %squeeze3A_78 : vector<4096xf32> to vector<128x32xf32>
    %mul3A_80 = arith.mulf %reshape3A_79, %get3A_46 : vector<128x32xf32>
    %logistic3A = arith.negf %mul3A_80 : vector<128x32xf32>
    %logistic3A_81 = math.exp %logistic3A : vector<128x32xf32>
    %logistic3A_82 = arith.constant 1.000000e+00 : f32
    %logistic3A_83 = vector.broadcast %logistic3A_82 : f32 to vector<128x32xf32>
    %logistic3A_84 = arith.addf %logistic3A_83, %logistic3A_81 : vector<128x32xf32>
    %logistic3A_85 = arith.divf %logistic3A_83, %logistic3A_84 : vector<128x32xf32>
    %mul3A_86 = arith.mulf %mul3A_71, %logistic3A_85 : vector<128x32xf32>
    %reduce_sum3A_87 = arith.constant dense<0.000000e+00> : vector<128xf32>
    %reduce_sum3A_88 = vector.multi_reduction <add>, %mul3A_86, %reduce_sum3A_87 [1] : vector<128x32xf32> to vector<128xf32>
    %broadcast_in_dim3A_89 = vector.shape_cast %reduce_sum3A_88 : vector<128xf32> to vector<128x1xf32>
    %add3A_90 = arith.addf %broadcast_in_dim3A_89, %sub3A_76 : vector<128x1xf32>
    %slice3A_91 = vector.extract_strided_slice %dot_general3A_43 {offsets = [0, 1], sizes = [4096, 1], strides = [1, 1]} : vector<4096x3xf32> to vector<4096x1xf32>
    %squeeze3A_92 = vector.shape_cast %slice3A_91 : vector<4096x1xf32> to vector<4096xf32>
    %reshape3A_93 = vector.shape_cast %squeeze3A_92 : vector<4096xf32> to vector<128x32xf32>
    %mul3A_94 = arith.mulf %reshape3A_93, %get3A_46 : vector<128x32xf32>
    %logistic3A_95 = arith.negf %mul3A_94 : vector<128x32xf32>
    %logistic3A_96 = math.exp %logistic3A_95 : vector<128x32xf32>
    %logistic3A_97 = arith.constant 1.000000e+00 : f32
    %logistic3A_98 = vector.broadcast %logistic3A_97 : f32 to vector<128x32xf32>
    %logistic3A_99 = arith.addf %logistic3A_98, %logistic3A_96 : vector<128x32xf32>
    %logistic3A_100 = arith.divf %logistic3A_98, %logistic3A_99 : vector<128x32xf32>
    %mul3A_101 = arith.mulf %mul3A_71, %logistic3A_100 : vector<128x32xf32>
    %reduce_sum3A_102 = arith.constant dense<0.000000e+00> : vector<128xf32>
    %reduce_sum3A_103 = vector.multi_reduction <add>, %mul3A_101, %reduce_sum3A_102 [1] : vector<128x32xf32> to vector<128xf32>
    %broadcast_in_dim3A_104 = vector.shape_cast %reduce_sum3A_103 : vector<128xf32> to vector<128x1xf32>
    %add3A_105 = arith.addf %broadcast_in_dim3A_104, %sub3A_76 : vector<128x1xf32>
    %slice3A_106 = vector.extract_strided_slice %dot_general3A_43 {offsets = [0, 2], sizes = [4096, 1], strides = [1, 1]} : vector<4096x3xf32> to vector<4096x1xf32>
    %squeeze3A_107 = vector.shape_cast %slice3A_106 : vector<4096x1xf32> to vector<4096xf32>
    %reshape3A_108 = vector.shape_cast %squeeze3A_107 : vector<4096xf32> to vector<128x32xf32>
    %mul3A_109 = arith.mulf %reshape3A_108, %get3A_46 : vector<128x32xf32>
    %logistic3A_110 = arith.negf %mul3A_109 : vector<128x32xf32>
    %logistic3A_111 = math.exp %logistic3A_110 : vector<128x32xf32>
    %logistic3A_112 = arith.constant 1.000000e+00 : f32
    %logistic3A_113 = vector.broadcast %logistic3A_112 : f32 to vector<128x32xf32>
    %logistic3A_114 = arith.addf %logistic3A_113, %logistic3A_111 : vector<128x32xf32>
    %logistic3A_115 = arith.divf %logistic3A_113, %logistic3A_114 : vector<128x32xf32>
    %mul3A_116 = arith.mulf %mul3A_71, %logistic3A_115 : vector<128x32xf32>
    %reduce_sum3A_117 = arith.constant dense<0.000000e+00> : vector<128xf32>
    %reduce_sum3A_118 = vector.multi_reduction <add>, %mul3A_116, %reduce_sum3A_117 [1] : vector<128x32xf32> to vector<128xf32>
    %broadcast_in_dim3A_119 = vector.shape_cast %reduce_sum3A_118 : vector<128xf32> to vector<128x1xf32>
    %add3A_120 = arith.addf %broadcast_in_dim3A_119, %sub3A_76 : vector<128x1xf32>
    %concatenate3A = tpu.concatenate %add3A_90, %add3A_105, %add3A_120 in 1 : vector<128x1xf32>, vector<128x1xf32>, vector<128x1xf32> -> vector<128x3xf32>
    %swap3A = arith.constant 0 : index
    %swap3A_121 = arith.constant 0 : index
    %swap3A_122 = vector.load %arg10[%swap3A, %swap3A_121] : memref<128x3xf32, #tpu.memory_space<vmem>>, vector<128x3xf32>
    tpu.vector_store %arg10[%swap3A, %swap3A_121], %concatenate3A {strides = array<i32>} : memref<128x3xf32, #tpu.memory_space<vmem>>, vector<128x3xf32>,
    return
  }
  func.func @transform_0(%arg0: i32) -> (i32, i32) {
    %c0_i32 = arith.constant 0 : i32
    %c0_i32_0 = arith.constant 0 : i32
    return %arg0, %c0_i32 : i32, i32
  }
  func.func @transform_1(%arg0: i32) -> (i32, i32) {
    %c0_i32 = arith.constant 0 : i32
    %c0_i32_0 = arith.constant 0 : i32
    return %arg0, %c0_i32 : i32, i32
  }
  func.func @transform_2(%arg0: i32) -> (i32, i32) {
    %c0_i32 = arith.constant 0 : i32
    %c0_i32_0 = arith.constant 0 : i32
    return %arg0, %c0_i32 : i32, i32
  }
  func.func @transform_3(%arg0: i32) -> (i32, i32) {
    %c0_i32 = arith.constant 0 : i32
    %c0_i32_0 = arith.constant 0 : i32
    %c0_i32_1 = arith.constant 0 : i32
    return %c0_i32, %c0_i32_0 : i32, i32
  }
  func.func @transform_4(%arg0: i32) -> (i32, i32) {
    %c0_i32 = arith.constant 0 : i32
    %c0_i32_0 = arith.constant 0 : i32
    %c0_i32_1 = arith.constant 0 : i32
    return %c0_i32, %c0_i32_0 : i32, i32
  }
  func.func @transform_5(%arg0: i32) -> (i32, i32) {
    %c0_i32 = arith.constant 0 : i32
    %c0_i32_0 = arith.constant 0 : i32
    %c0_i32_1 = arith.constant 0 : i32
    return %c0_i32, %c0_i32_0 : i32, i32
  }
  func.func @transform_6(%arg0: i32) -> (i32, i32) {
    %c0_i32 = arith.constant 0 : i32
    %c0_i32_0 = arith.constant 0 : i32
    %c0_i32_1 = arith.constant 0 : i32
    return %c0_i32, %c0_i32_0 : i32, i32
  }
  func.func @transform_7(%arg0: i32) -> (i32, i32) {
    %c0_i32 = arith.constant 0 : i32
    %c0_i32_0 = arith.constant 0 : i32
    %c0_i32_1 = arith.constant 0 : i32
    return %c0_i32, %c0_i32_0 : i32, i32
  }
  func.func @transform_8(%arg0: i32) -> (i32, i32) {
    %c0_i32 = arith.constant 0 : i32
    %c0_i32_0 = arith.constant 0 : i32
    %c0_i32_1 = arith.constant 0 : i32
    return %c0_i32, %c0_i32_0 : i32, i32
  }
  func.func @transform_9(%arg0: i32) -> (i32, i32) {
    %c0_i32 = arith.constant 0 : i32
    %c0_i32_0 = arith.constant 0 : i32
    return %arg0, %c0_i32 : i32, i32
  }
}

</mosaic_0001>

<sc_bundles>
// kernel: kernel.5.cloned.1.call-start
scs
__scs_entry_jumppad:
0x0: {  	(pc) =	sbr.rel $0x88, $3  }
0x1: {  	(tag) =	ssettag $0x0;
	lr =	simm.s32 $0x1  }
0x2: {  	[smem:$0x3F98] =	sst lr;
	_ =	strace $0xD0000000  }
0x3: {  	_ = 	snop  }
0x4: {  	_ = 	snop  }
0x5: {  	_ = 	snop  }
0x6: {  	_ = 	snop  }
0x7: {  	_ = 	snop  }
__scs_overlays_trampoline_lowered:
0x8: {  	[smem:$0x3FA7] =	sst s0  }
0x9: {  	[smem:$0x3FA8] =	sst s1  }
0xa: {  	[smem:$0x3FA9] =	sst s2  }
0xb: {  	[smem:$0x3FAA] =	sst s3  }
0xc: {  	[smem:$0x3FAB] =	sst s4  }
0xd: {  	[smem:$0x3FAC] =	sst s5  }
0xe: {  	[smem:$0x3FAD] =	sst s6  }
0xf: {  	[smem:$0x3FAE] =	sst s7  }
0x10: {  	[smem:$0x3FAF] =	sst s8  }
0x11: {  	[smem:$0x3FB0] =	sst s9;
	s0 =	simm.s32 @!p0 $0x0  }
0x12: {  	s1 =	sld [smem:$0x3F96];
	s0 =	simm.s32 @p0 $0x1  }
0x13: {  	[smem:$0x3FB1] =	sst s0;
	s0 =	simm.s32 @!p1 $0x0  }
0x14: {  	s2 =	sld [smem:$0x3F95];
	s0 =	simm.s32 @p1 $0x1  }
0x15: {  	[smem:$0x3FB2] =	sst s0;
	s0 =	simm.s32 @!p2 $0x0  }
0x16: {  	s3 =	sld [smem:$0x3FDB];
	s0 =	simm.s32 @p2 $0x1  }
0x17: {  	s4 =	simm.s32 $0x1BF5;
	[smem:$0x3FB4] =	sst s0  }
0x18: {  	s0 =	sld [smem:$0x3F97];
	_ =	swait.ge [sflag:s4], $0x0  }
0x19: {  	s7 =	sld [smem:$0x3F98]  }
0x1a: {  	s8 =	sadd.s32 $0xFFFFE003, lr  }
0x1b: {  	s9 =	sadd.s32 $0xFFFFFEF7, lr;
	s5 =	simm.s32 $0xFFFFFFFF;
	p2 =	slt.u32 s8, $0xFFFFF086  }
0x1c: {  	p1 =	slt.u32 s9, $0xF7A;
	s5 =	simm.s32 @!p2 $0x0  }
0x1d: {  	s5 =	simm.s32 @p1 $0x1;
	p0 =	seq.s32 s7, s2  }
0x1e: {  	s7 =	smul.u32 @!p0 $0xF7A, s2;
	p2 =	seq.s32 @!p0 s5, $0x0  }
0x1f: {  	s9 =	smul.u32 $0xF7A, s1;
	s8 =	simm.s32 @!p0 $0x1BF5;
	p2 =	por !p2, p0  }
0x20: {  	[sflag:s8] =	ssyncset.s32 @!p0 $0xFFFFF086;
	s6 =	sadd.s32 @!p0 s3, s7;
	s7 =	simm.s32 @!p0 $0x108  }
0x21: {  	s3 =	sadd.s32 s3, s9;
	s6 =	sadd.s32 @!p0 $0x88, s6;
	s7 =	simm.s32 @p2 $0x1082  }
0x22: {  	[simem:s7], [sflag:s8] =	dma.local @!p0 [hbm:s6], $0xF7A  }
0x23: {  	s9 =	sor.u32 $0xD0000000, s2;
	s6 =	simm.s32 $0x108;
	_ =	swait.ge @!p0 [sflag:s8], $0x0  }
0x24: {  	s3 =	sadd.s32 $0x88, s3;
	s6 =	simm.s32 @!p1 $0x1082;
	[sflag:s4] =	ssyncset.s32 $0xFFFFF086  }
0x25: {  	[simem:s6], [sflag:s4] =	dma.local [hbm:s3], $0xF7A  }
0x26: {  	[smem:$0x3F98] =	sst s1;
	(tag) =	ssettag s2;
	_ =	strace s9  }
0x27: {  	s1 =	sld [smem:$0x3FA8]  }
0x28: {  	s2 =	sld [smem:$0x3FA9]  }
0x29: {  	s4 =	sld [smem:$0x3FAB]  }
0x2a: {  	p0 =	seq.s32 s5, $0x0;
	s5 =	sld [smem:$0x3FAC]  }
0x2b: {  	s6 =	sld [smem:$0x3FAD]  }
0x2c: {  	s7 =	sld [smem:$0x3FAE]  }
0x2d: {  	s3 =	simm.s32 $0x108;
	s8 =	sld [smem:$0x3FAF]  }
0x2e: {  	s3 =	simm.s32 @!p0 $0x1082;
	s9 =	sld [smem:$0x3FB0]  }
0x2f: {  	lr =	sadd.s32 s0, s3;
	s0 =	sld [smem:$0x3FA7]  }
0x30: {  	s3 =	sld [smem:$0x3FAA]  }
0x31: {  	[smem:$0x3FB3] =	sst s10  }
0x32: {  	s10 =	sld [smem:$0x3FB1];
	_ =	sdelay $0x3  }
0x33: {  	p0 =	seq.s32 s10, $0x1;
	s10 =	sld [smem:$0x3FB3];
	_ =	sdelay $0x3  }
0x34: {  	[smem:$0x3FB3] =	sst s10  }
0x35: {  	s10 =	sld [smem:$0x3FB2];
	_ =	sdelay $0x3  }
0x36: {  	p1 =	seq.s32 s10, $0x1;
	s10 =	sld [smem:$0x3FB3];
	_ =	sdelay $0x3  }
0x37: {  	[smem:$0x3FB3] =	sst s10  }
0x38: {  	s10 =	sld [smem:$0x3FB4]  }
0x39: {  	_ = 	snop;
	(pc) =	sbr.ind lr, $3  }
0x3a: {  	_ = 	snop  }
0x3b: {  	_ = 	snop  }
0x3c: {  	p2 =	seq.s32 s10, $0x1;
	s10 =	sld [smem:$0x3FB3]  }
0x3d: {  	_ =	shalt  }
0x3e: {  	_ =	shalt  }
0x3f: {  	_ =	shalt  }
0x40: {  	_ =	shalt  }
0x41: {  	_ =	shalt  }
0x42: {  	_ =	shalt  }
0x43: {  	_ =	shalt  }
0x44: {  	_ =	shalt  }
0x45: {  	_ =	shalt  }
0x46: {  	_ =	shalt  }
0x47: {  	_ =	shalt  }
0x48: {  	_ =	shalt  }
0x49: {  	_ =	shalt  }
0x4a: {  	_ =	shalt  }
0x4b: {  	_ =	shalt  }
0x4c: {  	_ =	shalt  }
0x4d: {  	_ =	shalt  }
0x4e: {  	_ =	shalt  }
0x4f: {  	_ =	shalt  }
0x50: {  	_ =	shalt  }
0x51: {  	_ =	shalt  }
0x52: {  	_ =	shalt  }
0x53: {  	_ =	shalt  }
0x54: {  	_ =	shalt  }
0x55: {  	_ =	shalt  }
0x56: {  	_ =	shalt  }
0x57: {  	_ =	shalt  }
0x58: {  	_ =	shalt  }
0x59: {  	_ =	shalt  }
0x5a: {  	_ =	shalt  }
0x5b: {  	_ =	shalt  }
0x5c: {  	_ =	shalt  }
0x5d: {  	_ =	shalt  }
0x5e: {  	_ =	shalt  }
0x5f: {  	_ =	shalt  }
0x60: {  	_ =	shalt  }
0x61: {  	_ =	shalt  }
0x62: {  	_ =	shalt  }
0x63: {  	_ =	shalt  }
0x64: {  	_ =	shalt  }
0x65: {  	_ =	shalt  }
0x66: {  	_ =	shalt  }
0x67: {  	_ =	shalt  }
0x68: {  	_ =	shalt  }
0x69: {  	_ =	shalt  }
0x6a: {  	_ =	shalt  }
0x6b: {  	_ =	shalt  }
0x6c: {  	_ =	shalt  }
0x6d: {  	_ =	shalt  }
0x6e: {  	_ =	shalt  }
0x6f: {  	_ =	shalt  }
0x70: {  	_ =	shalt  }
0x71: {  	_ =	shalt  }
0x72: {  	_ =	shalt  }
0x73: {  	_ =	shalt  }
0x74: {  	_ =	shalt  }
0x75: {  	_ =	shalt  }
0x76: {  	_ =	shalt  }
0x77: {  	_ =	shalt  }
0x78: {  	_ =	shalt  }
0x79: {  	_ =	shalt  }
0x7a: {  	_ =	shalt  }
0x7b: {  	_ =	shalt  }
0x7c: {  	_ =	shalt  }
0x7d: {  	_ =	shalt  }
0x7e: {  	_ =	shalt  }
0x7f: {  	_ =	shalt  }
0x80: {  	_ =	shalt  }
0x81: {  	_ =	shalt  }
0x82: {  	_ =	shalt  }
0x83: {  	_ =	shalt  }
0x84: {  	_ =	shalt  }
0x85: {  	_ =	shalt  }
0x86: {  	_ =	shalt  }
0x87: {  	_ =	shalt  }
.Lfunc_end0:
.L_simem_size_0:
called_computation_lowered:
.L_overlay_start_0:
0x88: {  	s2 =	sld [smem:$0x3FD9]  }
0x89: {  	s3 =	sld [smem:$0x3FFE];
	_ =	sdelay $0x1  }
0x8a: {  	s1 =	srdreg.scid  }
0x8b: {  	s0 =	sand.u32 $0x1, s1  }
0x8c: {  	s17 =	sshll.u32 s0, $0xA;
	s2 =	sadd.s32 s3, s2  }
0x8d: {  	s2 =	sadd.s32 s2, s17  }
0x8e: {  	[smem:$0x3FBF] =	sst s2  }
0x8f: {  	_ = 	snop  }
0x90: {  	s2 =	sld [smem:$0x3FC7];
	(tm) =	ssettm $0x1  }
0x91: {  	s18 =	sld [smem:$0x3FFB];
	_ =	sdelay $0x3  }
0x92: {  	_ =	strace s18  }
0x93: {  	s3 =	sld [smem:$0x3FFC];
	_ =	sdelay $0x3  }
0x94: {  	_ =	strace s3  }
0x95: {  	s3 =	sld [smem:$0x3FFD];
	_ =	sdelay $0x3  }
0x96: {  	_ =	strace s3  }
0x97: {  	_ =	strace $0x8FFFFFFF  }
0x98: {  	s19 =	sld [smem:$0x3FDB];
	_ =	sdelay $0x1  }
0x99: {  	s4 =	simm.s32 $_scs_section_size  }
0x9a: {  	s5 =	simm.s32 $_size__tile_overlayer_lowered;
	s6 =	simm.s32 $_tile_overlayer_lowered  }
0x9b: {  	s22 =	simm.s32 $0x1BFF;
	s21 =	sshll.u32 s6, $0x1;
	s3 =	sadd.s32 s4, s19  }
0x9c: {  	s7 =	simm.s32 $0x0;
	s20 =	sshll.u32 s5, $0x1;
	s5 =	sadd.s32 s21, s3  }
0x9d: {  	[timem:s7], [sflag:s22] =	dma.local [hbm:s5], s20  }
0x9e: {  	_ =	swait.ge [sflag:s22], s20  }
0x9f: {  	s4 =	ssub.s32 $0x0, s20;
	[sflag:s22] =	ssyncset.done $0x0  }
0xa0: {  	[sflag:s22] =	ssyncadd.s32 s4;
	_ =	sdelay $0x1  }
0xa1: {  	s23 =	simm.s32 $0x1B8B  }
0xa2: {  	_ =	swait.ge [sflag:s23], $0x1  }
0xa3: {  	[sflag:s23] =	ssyncset.done $0x0  }
0xa4: {  	s25 =	simm.s32 $0x1B8E;
	s24 =	sld [smem:$0x3FFE];
	[sflag:s23] =	ssyncadd.s32 $0xFFFFFFFF  }
0xa5: {  	s26 =	simm.s32 $execute0_lowered;
	[smem:$0x3FD2] =	sst s25  }
0xa6: {  	s5 =	sshll.u32 s26, $0x1;
	_ =	strace $0x80000046;
	[dreg:$0x1] =	wrdreg $0xFFFFFFFF  }
0xa7: {  	s28 =	simm.s32 $_size_execute0_lowered;
	s3 =	sadd.s32 s3, s5;
	[dreg:$0x0] =	wrdreg $0x0  }
0xa8: {  	s5 =	sshll.u32 s28, $0x1;
	[dreg:$0x2] =	wrdreg s3  }
0xa9: {  	[dreg:$0x3] =	wrdreg s5  }
0xaa: {  	[dreg:$0x4] =	wrdreg $0xC0  }
0xab: {  	_ =	task [dreg:s7], $0x5FFFF  }
0xac: {  	[dreg:$0x1] =	wrdreg $0xFFFFFFFF  }
0xad: {  	[dreg:$0x0] =	wrdreg $0x60  }
0xae: {  	[dreg:$0x2] =	wrdreg s2  }
0xaf: {  	[dreg:$0x3] =	wrdreg s24  }
0xb0: {  	[dreg:$0x4] =	wrdreg $0x9  }
0xb1: {  	_ =	task.clear_ibuf [dreg:s7], $0x5FFFF;
	_ =	strace $0x90000046  }
0xb2: {  	s29 =	simm.s32 $0x9;
	_ =	strace $0x80000048  }
0xb3: {  	_ =	swait.ge [sflag:s29], $0x1  }
0xb4: {  	[sflag:s29] =	ssyncadd.s32 $0xFFFFFFFF  }
0xb5: {  	_ =	strace $0x90000048  }
0xb6: {  	_ =	sfence  }
0xb7: {  	s30 =	sld [smem:$0x0];
	_ =	sdelay $0x2  }
0xb8: {  	s31 =	sshll.u32 s1, $0xD;
	s1 =	sshrl.u32 s1, $0x2  }
0xb9: {  	s3 =	sand.u32 $0x4000, s31;
	s1 =	sadd.s32 s1, s30  }
0xba: {  	s0 =	sor.u32 s3, s0;
	s1 =	sshll.u32 s1, $0x11  }
0xbb: {  	s0 =	sor.u32 s1, s0  }
0xbc: {  	s0 =	sadd.s32 $0x8F2B, s0  }
0xbd: {  	[sflag:s0] =	ssyncadd.remote.s32 $0x1  }
0xbe: {  	_ =	sfence.sel $0xFFFF  }
0xbf: {  	[dreg:$0x0] =	wrdreg $0xFFFFFFFF;
	(pc) =	sbr.abs _section_cstart, $3  }
0xc0: {  	[dreg:$0x1] =	wrdreg $0xFFFFFFFF  }
0xc1: {  	_ =	task.clear_ibuf [dreg:s7], $0x2FFFF;
	_ =	strace $0x9FFFFFFF  }
0xc2: {  	(tm) =	ssettm $0x7FFFFFFF  }
0xc3: {  	_ =	shalt  }
tec
execute0_lowered:
.L_overlay_start_1:
0x0: {  	(tag) =	ssettag $0x1  }
0x1: {  	s2 =	rddreg [dreg:$0x0]  }
0x2: {  	s0 =	srdreg.scid;
	s1 =	rddreg [dreg:$0x1]  }
0x3: {  	s3 =	stileid.u32;
	s7 =	simm.s32 $0x2;
	s8 =	simm.s32 $0x80  }
0x4: {  	s9 =	simm.s32 $0x8000;
	s23 =	simm.s32 $0x400;
	s24 =	simm.s32 $0x8400  }
0x5: {  	s25 =	simm.s32 $0x480;
	s28 =	simm.s32 $0x500;
	s29 =	simm.s32 $0x8500  }
0x6: {  	s30 =	simm.s32 $0x580;
	s31 =	simm.s32 $0x8580;
	s10 =	simm.s32 $0x680  }
0x7: {  	s11 =	simm.s32 $0x8680;
	s12 =	simm.s32 $0x700;
	s13 =	simm.s32 $0x8700  }
0x8: {  	s14 =	simm.s32 $0x780;
	s15 =	simm.s32 $0x8780;
	s16 =	simm.s32 $0x1  }
0x9: {  	s17 =	simm.s32 $0x0;
	s0 =	sand.u32 $0x1, s0;
	s4 =	sshll.u32 s3, $0xD  }
0xa: {  	s3 =	simm.s32 $0x0;
	s5 =	sshll.u32 s0, $0xC;
	s0 =	ssub.s32 $0x2, s0  }
0xb: {  	[smem:$0x7FF] =	sst s3;
	s4 =	sor.u32 s5, s4;
	s26 =	sshrl.u32 s0, $0x1  }
0xc: {  	_ =	strace $0x80000047;
	s1 =	sadd.s32 s4, s1;
	s0 =	ssub.s32 s0, s26  }
0xd: {  	s26 =	simm.s32 $0x8480;
	s4 =	sadd.s32 $0x7A00, s1;
	s5 =	sadd.s32 $0x27A00, s1  }
0xe: {  	s6 =	smax.u32 s0, $0x1;
	s0 =	simm.s32 $0x600;
	s1 =	simm.s32 $0x8600  }
.LBB2_1:
0xf: {  	[tilespmem:s3], [sflag:$0x2] =	stream.linear.gather [hbm4b:s4+s3], $0x8000, $0x38;
	[tilespmem:$0x10000] =	vst v63  }
0x10: {  	_ =	swait.ge [sflag:s7], $0x8000  }
0x11: {  	[sflag:s7] =	ssyncset.done $0x0  }
0x12: {  	[sflag:s7] =	ssyncadd.s32 $0xFFFF8000  }
0x13: {  	[tilespmem:s9], [sflag:$0x1] =	stream.indirect.gather [hbm4b:s2+s8], $0x1, s3, s8, $0xb8;
	[tilespmem:$0x10000] =	vst v63  }
0x14: {  	s18 =	simm.s32 $0x8080  }
0x15: {  	[tilespmem:s18], [sflag:$0x1] =	stream.indirect.gather [hbm4b:s2+s8], $0x1, s8, s8, $0xb8;
	[tilespmem:$0x10000] =	vst v63  }
0x16: {  	s20 =	simm.s32 $0x100;
	s19 =	simm.s32 $0x8100  }
0x17: {  	[tilespmem:s19], [sflag:$0x1] =	stream.indirect.gather [hbm4b:s2+s8], $0x1, s20, s8, $0xb8;
	[tilespmem:$0x10000] =	vst v63  }
0x18: {  	s21 =	simm.s32 $0x180;
	s22 =	simm.s32 $0x8180  }
0x19: {  	[tilespmem:s22], [sflag:$0x1] =	stream.indirect.gather [hbm4b:s2+s8], $0x1, s21, s8, $0xb8;
	[tilespmem:$0x10000] =	vst v63  }
0x1a: {  	s19 =	simm.s32 $0x200;
	s20 =	simm.s32 $0x8200  }
0x1b: {  	[tilespmem:s20], [sflag:$0x1] =	stream.indirect.gather [hbm4b:s2+s8], $0x1, s19, s8, $0xb8;
	[tilespmem:$0x10000] =	vst v63  }
0x1c: {  	s21 =	simm.s32 $0x280;
	s22 =	simm.s32 $0x8280  }
0x1d: {  	[tilespmem:s22], [sflag:$0x1] =	stream.indirect.gather [hbm4b:s2+s8], $0x1, s21, s8, $0xb8;
	[tilespmem:$0x10000] =	vst v63  }
0x1e: {  	s19 =	simm.s32 $0x300;
	s20 =	simm.s32 $0x8300  }
0x1f: {  	[tilespmem:s20], [sflag:$0x1] =	stream.indirect.gather [hbm4b:s2+s8], $0x1, s19, s8, $0xb8;
	[tilespmem:$0x10000] =	vst v63  }
0x20: {  	s21 =	simm.s32 $0x380;
	s22 =	simm.s32 $0x8380  }
0x21: {  	[tilespmem:s22], [sflag:$0x1] =	stream.indirect.gather [hbm4b:s2+s8], $0x1, s21, s8, $0xb8;
	[tilespmem:$0x10000] =	vst v63  }
0x22: {  	_ = 	snop  }
0x23: {  	[tilespmem:s24], [sflag:$0x1] =	stream.indirect.gather [hbm4b:s2+s8], $0x1, s23, s8, $0xb8;
	[tilespmem:$0x10000] =	vst v63  }
0x24: {  	_ = 	snop  }
0x25: {  	[tilespmem:s26], [sflag:$0x1] =	stream.indirect.gather [hbm4b:s2+s8], $0x1, s25, s8, $0xb8;
	[tilespmem:$0x10000] =	vst v63  }
0x26: {  	_ = 	snop  }
0x27: {  	[tilespmem:s29], [sflag:$0x1] =	stream.indirect.gather [hbm4b:s2+s8], $0x1, s28, s8, $0xb8;
	[tilespmem:$0x10000] =	vst v63  }
0x28: {  	_ = 	snop  }
0x29: {  	[tilespmem:s31], [sflag:$0x1] =	stream.indirect.gather [hbm4b:s2+s8], $0x1, s30, s8, $0xb8;
	[tilespmem:$0x10000] =	vst v63  }
0x2a: {  	_ = 	snop  }
0x2b: {  	[tilespmem:s1], [sflag:$0x1] =	stream.indirect.gather [hbm4b:s2+s8], $0x1, s0, s8, $0xb8;
	[tilespmem:$0x10000] =	vst v63  }
0x2c: {  	_ = 	snop  }
0x2d: {  	[tilespmem:s11], [sflag:$0x1] =	stream.indirect.gather [hbm4b:s2+s8], $0x1, s10, s8, $0xb8;
	[tilespmem:$0x10000] =	vst v63  }
0x2e: {  	_ = 	snop  }
0x2f: {  	[tilespmem:s13], [sflag:$0x1] =	stream.indirect.gather [hbm4b:s2+s8], $0x1, s12, s8, $0xb8;
	[tilespmem:$0x10000] =	vst v63  }
0x30: {  	_ = 	snop  }
0x31: {  	[tilespmem:s15], [sflag:$0x1] =	stream.indirect.gather [hbm4b:s2+s8], $0x1, s14, s8, $0xb8;
	[tilespmem:$0x10000] =	vst v63  }
0x32: {  	s19 =	simm.s32 $0x8800;
	s20 =	simm.s32 $0x800  }
0x33: {  	[tilespmem:s19], [sflag:$0x1] =	stream.indirect.gather [hbm4b:s2+s8], $0x1, s20, s8, $0xb8;
	[tilespmem:$0x10000] =	vst v63  }
0x34: {  	s21 =	simm.s32 $0x8880;
	s22 =	simm.s32 $0x880  }
0x35: {  	[tilespmem:s21], [sflag:$0x1] =	stream.indirect.gather [hbm4b:s2+s8], $0x1, s22, s8, $0xb8;
	[tilespmem:$0x10000] =	vst v63  }
0x36: {  	s19 =	simm.s32 $0x8900;
	s20 =	simm.s32 $0x900  }
0x37: {  	[tilespmem:s19], [sflag:$0x1] =	stream.indirect.gather [hbm4b:s2+s8], $0x1, s20, s8, $0xb8;
	[tilespmem:$0x10000] =	vst v63  }
0x38: {  	s21 =	simm.s32 $0x8980;
	s22 =	simm.s32 $0x980  }
0x39: {  	[tilespmem:s21], [sflag:$0x1] =	stream.indirect.gather [hbm4b:s2+s8], $0x1, s22, s8, $0xb8;
	[tilespmem:$0x10000] =	vst v63  }
0x3a: {  	s19 =	simm.s32 $0x8A00;
	s20 =	simm.s32 $0xA00  }
0x3b: {  	[tilespmem:s19], [sflag:$0x1] =	stream.indirect.gather [hbm4b:s2+s8], $0x1, s20, s8, $0xb8;
	[tilespmem:$0x10000] =	vst v63  }
0x3c: {  	s21 =	simm.s32 $0x8A80;
	s22 =	simm.s32 $0xA80  }
0x3d: {  	[tilespmem:s21], [sflag:$0x1] =	stream.indirect.gather [hbm4b:s2+s8], $0x1, s22, s8, $0xb8;
	[tilespmem:$0x10000] =	vst v63  }
0x3e: {  	s19 =	simm.s32 $0x8B00;
	s20 =	simm.s32 $0xB00  }
0x3f: {  	[tilespmem:s19], [sflag:$0x1] =	stream.indirect.gather [hbm4b:s2+s8], $0x1, s20, s8, $0xb8;
	[tilespmem:$0x10000] =	vst v63  }
0x40: {  	s21 =	simm.s32 $0x8B80;
	s22 =	simm.s32 $0xB80  }
0x41: {  	[tilespmem:s21], [sflag:$0x1] =	stream.indirect.gather [hbm4b:s2+s8], $0x1, s22, s8, $0xb8;
	[tilespmem:$0x10000] =	vst v63  }
0x42: {  	s19 =	simm.s32 $0x8C00;
	s20 =	simm.s32 $0xC00  }
0x43: {  	[tilespmem:s19], [sflag:$0x1] =	stream.indirect.gather [hbm4b:s2+s8], $0x1, s20, s8, $0xb8;
	[tilespmem:$0x10000] =	vst v63  }
0x44: {  	s21 =	simm.s32 $0x8C80;
	s22 =	simm.s32 $0xC80  }
0x45: {  	[tilespmem:s21], [sflag:$0x1] =	stream.indirect.gather [hbm4b:s2+s8], $0x1, s22, s8, $0xb8;
	[tilespmem:$0x10000] =	vst v63  }
0x46: {  	s19 =	simm.s32 $0x8D00;
	s20 =	simm.s32 $0xD00  }
0x47: {  	[tilespmem:s19], [sflag:$0x1] =	stream.indirect.gather [hbm4b:s2+s8], $0x1, s20, s8, $0xb8;
	[tilespmem:$0x10000] =	vst v63  }
0x48: {  	s21 =	simm.s32 $0x8D80;
	s22 =	simm.s32 $0xD80  }
0x49: {  	[tilespmem:s21], [sflag:$0x1] =	stream.indirect.gather [hbm4b:s2+s8], $0x1, s22, s8, $0xb8;
	[tilespmem:$0x10000] =	vst v63  }
0x4a: {  	s19 =	simm.s32 $0x8E00;
	s20 =	simm.s32 $0xE00  }
0x4b: {  	[tilespmem:s19], [sflag:$0x1] =	stream.indirect.gather [hbm4b:s2+s8], $0x1, s20, s8, $0xb8;
	[tilespmem:$0x10000] =	vst v63  }
0x4c: {  	s21 =	simm.s32 $0x8E80;
	s22 =	simm.s32 $0xE80  }
0x4d: {  	[tilespmem:s21], [sflag:$0x1] =	stream.indirect.gather [hbm4b:s2+s8], $0x1, s22, s8, $0xb8;
	[tilespmem:$0x10000] =	vst v63  }
0x4e: {  	s19 =	simm.s32 $0x8F00;
	s20 =	simm.s32 $0xF00  }
0x4f: {  	[tilespmem:s19], [sflag:$0x1] =	stream.indirect.gather [hbm4b:s2+s8], $0x1, s20, s8, $0xb8;
	[tilespmem:$0x10000] =	vst v63  }
0x50: {  	s21 =	simm.s32 $0x8F80;
	s22 =	simm.s32 $0xF80  }
0x51: {  	[tilespmem:s21], [sflag:$0x1] =	stream.indirect.gather [hbm4b:s2+s8], $0x1, s22, s8, $0xb8;
	[tilespmem:$0x10000] =	vst v63  }
0x52: {  	_ =	swait.ge [sflag:s16], $0x800  }
0x53: {  	s18 =	simm.s32 $0x2000;
	s19 =	simm.s32 $0x4000;
	[sflag:s16] =	ssyncset.done $0x0  }
.LBB2_2:
0x54: {  	s20 =	sshra.s32 s18, $0x2  }
0x55: {  	[sflag:s16] =	ssyncadd.s32 $0xFFFFF800;
	s18 =	smov.u32 s19;
	s21 =	sadd.s32 $0x2000, s19  }
0x56: {  	p0 =	sne.s32 s19, $0x1C000;
	s19 =	sadd.s32 $0x8800, s20;
	s22 =	sadd.s32 $0x800, s20  }
0x57: {  	[tilespmem:s19], [sflag:$0x1] =	stream.indirect.gather [hbm4b:s2+s8], $0x1, s22, s8, $0xb8;
	[tilespmem:$0x10000] =	vst v63  }
0x58: {  	s19 =	sadd.s32 $0x8880, s20;
	s22 =	sadd.s32 $0x880, s20  }
0x59: {  	[tilespmem:s19], [sflag:$0x1] =	stream.indirect.gather [hbm4b:s2+s8], $0x1, s22, s8, $0xb8;
	[tilespmem:$0x10000] =	vst v63  }
0x5a: {  	s19 =	sadd.s32 $0x8900, s20;
	s22 =	sadd.s32 $0x900, s20  }
0x5b: {  	[tilespmem:s19], [sflag:$0x1] =	stream.indirect.gather [hbm4b:s2+s8], $0x1, s22, s8, $0xb8;
	[tilespmem:$0x10000] =	vst v63  }
0x5c: {  	s19 =	sadd.s32 $0x8980, s20;
	s22 =	sadd.s32 $0x980, s20  }
0x5d: {  	[tilespmem:s19], [sflag:$0x1] =	stream.indirect.gather [hbm4b:s2+s8], $0x1, s22, s8, $0xb8;
	[tilespmem:$0x10000] =	vst v63  }
0x5e: {  	s19 =	sadd.s32 $0x8A00, s20;
	s22 =	sadd.s32 $0xA00, s20  }
0x5f: {  	[tilespmem:s19], [sflag:$0x1] =	stream.indirect.gather [hbm4b:s2+s8], $0x1, s22, s8, $0xb8;
	[tilespmem:$0x10000] =	vst v63  }
0x60: {  	s19 =	sadd.s32 $0x8A80, s20;
	s22 =	sadd.s32 $0xA80, s20  }
0x61: {  	[tilespmem:s19], [sflag:$0x1] =	stream.indirect.gather [hbm4b:s2+s8], $0x1, s22, s8, $0xb8;
	[tilespmem:$0x10000] =	vst v63  }
0x62: {  	s19 =	sadd.s32 $0x8B00, s20;
	s22 =	sadd.s32 $0xB00, s20  }
0x63: {  	[tilespmem:s19], [sflag:$0x1] =	stream.indirect.gather [hbm4b:s2+s8], $0x1, s22, s8, $0xb8;
	[tilespmem:$0x10000] =	vst v63  }
0x64: {  	s19 =	sadd.s32 $0x8B80, s20;
	s22 =	sadd.s32 $0xB80, s20  }
0x65: {  	[tilespmem:s19], [sflag:$0x1] =	stream.indirect.gather [hbm4b:s2+s8], $0x1, s22, s8, $0xb8;
	[tilespmem:$0x10000] =	vst v63  }
0x66: {  	s19 =	sadd.s32 $0x8C00, s20;
	s22 =	sadd.s32 $0xC00, s20  }
0x67: {  	[tilespmem:s19], [sflag:$0x1] =	stream.indirect.gather [hbm4b:s2+s8], $0x1, s22, s8, $0xb8;
	[tilespmem:$0x10000] =	vst v63  }
0x68: {  	s19 =	sadd.s32 $0x8C80, s20;
	s22 =	sadd.s32 $0xC80, s20  }
0x69: {  	[tilespmem:s19], [sflag:$0x1] =	stream.indirect.gather [hbm4b:s2+s8], $0x1, s22, s8, $0xb8;
	[tilespmem:$0x10000] =	vst v63  }
0x6a: {  	s19 =	sadd.s32 $0x8D00, s20;
	s22 =	sadd.s32 $0xD00, s20  }
0x6b: {  	[tilespmem:s19], [sflag:$0x1] =	stream.indirect.gather [hbm4b:s2+s8], $0x1, s22, s8, $0xb8;
	[tilespmem:$0x10000] =	vst v63  }
0x6c: {  	s19 =	sadd.s32 $0x8D80, s20;
	s22 =	sadd.s32 $0xD80, s20  }
0x6d: {  	[tilespmem:s19], [sflag:$0x1] =	stream.indirect.gather [hbm4b:s2+s8], $0x1, s22, s8, $0xb8;
	[tilespmem:$0x10000] =	vst v63  }
0x6e: {  	s19 =	sadd.s32 $0x8E00, s20;
	s22 =	sadd.s32 $0xE00, s20  }
0x6f: {  	[tilespmem:s19], [sflag:$0x1] =	stream.indirect.gather [hbm4b:s2+s8], $0x1, s22, s8, $0xb8;
	[tilespmem:$0x10000] =	vst v63  }
0x70: {  	s19 =	sadd.s32 $0x8E80, s20;
	s22 =	sadd.s32 $0xE80, s20  }
0x71: {  	[tilespmem:s19], [sflag:$0x1] =	stream.indirect.gather [hbm4b:s2+s8], $0x1, s22, s8, $0xb8;
	[tilespmem:$0x10000] =	vst v63  }
0x72: {  	s19 =	sadd.s32 $0x8F00, s20;
	s22 =	sadd.s32 $0xF00, s20  }
0x73: {  	[tilespmem:s19], [sflag:$0x1] =	stream.indirect.gather [hbm4b:s2+s8], $0x1, s22, s8, $0xb8;
	[tilespmem:$0x10000] =	vst v63  }
.Ltmp0:
0x74: {  	_ = 	snop;
	(pc) =	sbr.rel @p0 .LBB2_2-.Ltmp0, $4  }
0x75: {  	s19 =	sadd.s32 $0x8F80, s20;
	s20 =	sadd.s32 $0xF80, s20  }
0x76: {  	[tilespmem:s19], [sflag:$0x1] =	stream.indirect.gather [hbm4b:s2+s8], $0x1, s20, s8, $0xb8;
	[tilespmem:$0x10000] =	vst v63  }
0x77: {  	_ =	swait.ge [sflag:s16], $0x800  }
0x78: {  	s19 =	smov.u32 s21;
	[sflag:s16] =	ssyncset.done $0x0  }
0x79: {  	s18 =	sshra.s32 s18, $0x2  }
0x7a: {  	[sflag:s16] =	ssyncadd.s32 $0xFFFFF800;
	s19 =	sadd.s32 $0x8800, s18;
	s20 =	sadd.s32 $0x800, s18  }
0x7b: {  	[tilespmem:s19], [sflag:$0x1] =	stream.indirect.gather [hbm4b:s2+s8], $0x1, s20, s8, $0xb8;
	[tilespmem:$0x10000] =	vst v63  }
0x7c: {  	s21 =	sadd.s32 $0x8880, s18;
	s22 =	sadd.s32 $0x880, s18  }
0x7d: {  	[tilespmem:s21], [sflag:$0x1] =	stream.indirect.gather [hbm4b:s2+s8], $0x1, s22, s8, $0xb8;
	[tilespmem:$0x10000] =	vst v63  }
0x7e: {  	s21 =	sadd.s32 $0x8900, s18;
	s22 =	sadd.s32 $0x900, s18  }
0x7f: {  	[tilespmem:s21], [sflag:$0x1] =	stream.indirect.gather [hbm4b:s2+s8], $0x1, s22, s8, $0xb8;
	[tilespmem:$0x10000] =	vst v63  }
0x80: {  	s21 =	sadd.s32 $0x8980, s18;
	s22 =	sadd.s32 $0x980, s18  }
0x81: {  	[tilespmem:s21], [sflag:$0x1] =	stream.indirect.gather [hbm4b:s2+s8], $0x1, s22, s8, $0xb8;
	[tilespmem:$0x10000] =	vst v63  }
0x82: {  	s21 =	sadd.s32 $0x8A00, s18;
	s22 =	sadd.s32 $0xA00, s18  }
0x83: {  	[tilespmem:s21], [sflag:$0x1] =	stream.indirect.gather [hbm4b:s2+s8], $0x1, s22, s8, $0xb8;
	[tilespmem:$0x10000] =	vst v63  }
0x84: {  	s21 =	sadd.s32 $0x8A80, s18;
	s22 =	sadd.s32 $0xA80, s18  }
0x85: {  	[tilespmem:s21], [sflag:$0x1] =	stream.indirect.gather [hbm4b:s2+s8], $0x1, s22, s8, $0xb8;
	[tilespmem:$0x10000] =	vst v63  }
0x86: {  	s21 =	sadd.s32 $0x8B00, s18;
	s22 =	sadd.s32 $0xB00, s18  }
0x87: {  	[tilespmem:s21], [sflag:$0x1] =	stream.indirect.gather [hbm4b:s2+s8], $0x1, s22, s8, $0xb8;
	[tilespmem:$0x10000] =	vst v63  }
0x88: {  	s21 =	sadd.s32 $0x8B80, s18;
	s22 =	sadd.s32 $0xB80, s18  }
0x89: {  	[tilespmem:s21], [sflag:$0x1] =	stream.indirect.gather [hbm4b:s2+s8], $0x1, s22, s8, $0xb8;
	[tilespmem:$0x10000] =	vst v63  }
0x8a: {  	s21 =	sadd.s32 $0x8C00, s18;
	s22 =	sadd.s32 $0xC00, s18  }
0x8b: {  	[tilespmem:s21], [sflag:$0x1] =	stream.indirect.gather [hbm4b:s2+s8], $0x1, s22, s8, $0xb8;
	[tilespmem:$0x10000] =	vst v63  }
0x8c: {  	s21 =	sadd.s32 $0x8C80, s18;
	s22 =	sadd.s32 $0xC80, s18  }
0x8d: {  	[tilespmem:s21], [sflag:$0x1] =	stream.indirect.gather [hbm4b:s2+s8], $0x1, s22, s8, $0xb8;
	[tilespmem:$0x10000] =	vst v63  }
0x8e: {  	s21 =	sadd.s32 $0x8D00, s18;
	s22 =	sadd.s32 $0xD00, s18  }
0x8f: {  	[tilespmem:s21], [sflag:$0x1] =	stream.indirect.gather [hbm4b:s2+s8], $0x1, s22, s8, $0xb8;
	[tilespmem:$0x10000] =	vst v63  }
0x90: {  	s21 =	sadd.s32 $0x8D80, s18;
	s22 =	sadd.s32 $0xD80, s18  }
0x91: {  	[tilespmem:s21], [sflag:$0x1] =	stream.indirect.gather [hbm4b:s2+s8], $0x1, s22, s8, $0xb8;
	[tilespmem:$0x10000] =	vst v63  }
0x92: {  	s21 =	sadd.s32 $0x8E00, s18;
	s22 =	sadd.s32 $0xE00, s18  }
0x93: {  	[tilespmem:s21], [sflag:$0x1] =	stream.indirect.gather [hbm4b:s2+s8], $0x1, s22, s8, $0xb8;
	[tilespmem:$0x10000] =	vst v63  }
0x94: {  	s21 =	sadd.s32 $0x8E80, s18;
	s22 =	sadd.s32 $0xE80, s18  }
0x95: {  	[tilespmem:s21], [sflag:$0x1] =	stream.indirect.gather [hbm4b:s2+s8], $0x1, s22, s8, $0xb8;
	[tilespmem:$0x10000] =	vst v63  }
0x96: {  	s20 =	sadd.s32 $0x8F00, s18;
	s21 =	sadd.s32 $0xF00, s18  }
0x97: {  	[tilespmem:s20], [sflag:$0x1] =	stream.indirect.gather [hbm4b:s2+s8], $0x1, s21, s8, $0xb8;
	[tilespmem:$0x10000] =	vst v63  }
0x98: {  	s22 =	sadd.s32 $0x8F80, s18;
	s18 =	sadd.s32 $0xF80, s18  }
0x99: {  	[tilespmem:s22], [sflag:$0x1] =	stream.indirect.gather [hbm4b:s2+s8], $0x1, s18, s8, $0xb8;
	[tilespmem:$0x10000] =	vst v63  }
0x9a: {  	_ =	swait.ge [sflag:s16], $0x800  }
0x9b: {  	[sflag:s16] =	ssyncset.done $0x0  }
0x9c: {  	[sflag:s16] =	ssyncadd.s32 $0xFFFFF800  }
0x9d: {  	s17 =	sadd.s32 $0x1, s17;
	_ =	swait.ge [sflag:s16], $0x800  }
0x9e: {  	p0 =	sne.s32 s17, s6;
	[sflag:s16] =	ssyncset.done $0x0  }
.Ltmp1:
0x9f: {  	[sflag:s16] =	ssyncadd.s32 $0xFFFFF800;
	(pc) =	sbr.rel @p0 .LBB2_1-.Ltmp1, $4  }
0xa0: {  	[hbm4b:s5+s3] =	stream.linear.scatter [tilespmem:s9], [sflag:$0x2], $0x8000, $0x38;
	[tilespmem:$0x10000] =	vst v63  }
0xa1: {  	_ =	swait.ge [sflag:s7], $0x8000  }
0xa2: {  	[sflag:s7] =	ssyncset.done $0x0  }
0xa3: {  	[sflag:s7] =	ssyncadd.s32 $0xFFFF8000  }
0xa4: {  	_ =	sfence.sel $0x180000  }
0xa5: {  	[bflag:$0x0] =	sbarrier.arrive $0xFFFF  }
0xa6: {  	_ =	strace $0x90000047  }
0xa7: {  	s0 =	stileid.u32;
	[bflag:$0x2] =	sbarrier.arrive $0xFFFF  }
0xa8: {  	p0 =	sne.s32 s0, $0x0;
	s0 =	rddreg [dreg:$0x2]  }
0xa9: {  	s0 =	sadd.s32 @!p0 $0x100000, s0  }
0xaa: {  	[sflag:s0] =	ssyncadd.tile.s32 @!p0 $0x1;
	_ =	shalt  }
.Lfunc_end2:
_tile_overlayer_lowered:
.L_overlay_start_2:
0xab: {  	(tag) =	ssettag $0x2  }
0xac: {  	s0 =	rddreg [dreg:$0x0];
	s2 =	stileid.u32  }
0xad: {  	s1 =	rddreg [dreg:$0x1];
	p0 =	sne.s32 s2, $0x0  }
0xae: {  	s3 =	rddreg [dreg:$0x2];
	[bflag:$0x3] =	sbarrier.arrive $0xFFFF;
	s2 =	simm.s32 @!p0 $0x1C02  }
0xaf: {  	[timem:s3], [sflag:s2] =	dma.local @!p0 [hbm:s0], s1  }
0xb0: {  	s0 =	simm.s32 @!p0 $0x2  }
0xb1: {  	_ =	swait.ge @!p0 [sflag:s0], s1  }
0xb2: {  	s1 =	ssub.s32 @!p0 $0x0, s1;
	[sflag:s0] =	ssyncset.done @!p0 $0x0  }
0xb3: {  	[sflag:s0] =	ssyncadd.s32 @!p0 s1  }
0xb4: {  	[bflag:$0x3] =	sbarrier.arrive $0xFFFF  }
0xb5: {  	_ =	shalt  }

// kernel: kernel.8.cloned.1.call-start
scs
__scs_entry_jumppad:
0x0: {  	(pc) =	sbr.rel $0x88, $3  }
0x1: {  	(tag) =	ssettag $0x0;
	lr =	simm.s32 $0x1  }
0x2: {  	[smem:$0x3F98] =	sst lr;
	_ =	strace $0xD0000000  }
0x3: {  	_ = 	snop  }
0x4: {  	_ = 	snop  }
0x5: {  	_ = 	snop  }
0x6: {  	_ = 	snop  }
0x7: {  	_ = 	snop  }
__scs_overlays_trampoline_lowered:
0x8: {  	[smem:$0x3FA7] =	sst s0  }
0x9: {  	[smem:$0x3FA8] =	sst s1  }
0xa: {  	[smem:$0x3FA9] =	sst s2  }
0xb: {  	[smem:$0x3FAA] =	sst s3  }
0xc: {  	[smem:$0x3FAB] =	sst s4  }
0xd: {  	[smem:$0x3FAC] =	sst s5  }
0xe: {  	[smem:$0x3FAD] =	sst s6  }
0xf: {  	[smem:$0x3FAE] =	sst s7  }
0x10: {  	[smem:$0x3FAF] =	sst s8  }
0x11: {  	[smem:$0x3FB0] =	sst s9;
	s0 =	simm.s32 @!p0 $0x0  }
0x12: {  	s1 =	sld [smem:$0x3F96];
	s0 =	simm.s32 @p0 $0x1  }
0x13: {  	[smem:$0x3FB1] =	sst s0;
	s0 =	simm.s32 @!p1 $0x0  }
0x14: {  	s2 =	sld [smem:$0x3F95];
	s0 =	simm.s32 @p1 $0x1  }
0x15: {  	[smem:$0x3FB2] =	sst s0;
	s0 =	simm.s32 @!p2 $0x0  }
0x16: {  	s3 =	sld [smem:$0x3FDB];
	s0 =	simm.s32 @p2 $0x1  }
0x17: {  	s4 =	simm.s32 $0x1BF5;
	[smem:$0x3FB4] =	sst s0  }
0x18: {  	s0 =	sld [smem:$0x3F97];
	_ =	swait.ge [sflag:s4], $0x0  }
0x19: {  	s7 =	sld [smem:$0x3F98]  }
0x1a: {  	s8 =	sadd.s32 $0xFFFFE003, lr  }
0x1b: {  	s9 =	sadd.s32 $0xFFFFFEF7, lr;
	s5 =	simm.s32 $0xFFFFFFFF;
	p2 =	slt.u32 s8, $0xFFFFF086  }
0x1c: {  	p1 =	slt.u32 s9, $0xF7A;
	s5 =	simm.s32 @!p2 $0x0  }
0x1d: {  	s5 =	simm.s32 @p1 $0x1;
	p0 =	seq.s32 s7, s2  }
0x1e: {  	s7 =	smul.u32 @!p0 $0xF7A, s2;
	p2 =	seq.s32 @!p0 s5, $0x0  }
0x1f: {  	s9 =	smul.u32 $0xF7A, s1;
	s8 =	simm.s32 @!p0 $0x1BF5;
	p2 =	por !p2, p0  }
0x20: {  	[sflag:s8] =	ssyncset.s32 @!p0 $0xFFFFF086;
	s6 =	sadd.s32 @!p0 s3, s7;
	s7 =	simm.s32 @!p0 $0x108  }
0x21: {  	s3 =	sadd.s32 s3, s9;
	s6 =	sadd.s32 @!p0 $0x88, s6;
	s7 =	simm.s32 @p2 $0x1082  }
0x22: {  	[simem:s7], [sflag:s8] =	dma.local @!p0 [hbm:s6], $0xF7A  }
0x23: {  	s9 =	sor.u32 $0xD0000000, s2;
	s6 =	simm.s32 $0x108;
	_ =	swait.ge @!p0 [sflag:s8], $0x0  }
0x24: {  	s3 =	sadd.s32 $0x88, s3;
	s6 =	simm.s32 @!p1 $0x1082;
	[sflag:s4] =	ssyncset.s32 $0xFFFFF086  }
0x25: {  	[simem:s6], [sflag:s4] =	dma.local [hbm:s3], $0xF7A  }
0x26: {  	[smem:$0x3F98] =	sst s1;
	(tag) =	ssettag s2;
	_ =	strace s9  }
0x27: {  	s1 =	sld [smem:$0x3FA8]  }
0x28: {  	s2 =	sld [smem:$0x3FA9]  }
0x29: {  	s4 =	sld [smem:$0x3FAB]  }
0x2a: {  	p0 =	seq.s32 s5, $0x0;
	s5 =	sld [smem:$0x3FAC]  }
0x2b: {  	s6 =	sld [smem:$0x3FAD]  }
0x2c: {  	s7 =	sld [smem:$0x3FAE]  }
0x2d: {  	s3 =	simm.s32 $0x108;
	s8 =	sld [smem:$0x3FAF]  }
0x2e: {  	s3 =	simm.s32 @!p0 $0x1082;
	s9 =	sld [smem:$0x3FB0]  }
0x2f: {  	lr =	sadd.s32 s0, s3;
	s0 =	sld [smem:$0x3FA7]  }
0x30: {  	s3 =	sld [smem:$0x3FAA]  }
0x31: {  	[smem:$0x3FB3] =	sst s10  }
0x32: {  	s10 =	sld [smem:$0x3FB1];
	_ =	sdelay $0x3  }
0x33: {  	p0 =	seq.s32 s10, $0x1;
	s10 =	sld [smem:$0x3FB3];
	_ =	sdelay $0x3  }
0x34: {  	[smem:$0x3FB3] =	sst s10  }
0x35: {  	s10 =	sld [smem:$0x3FB2];
	_ =	sdelay $0x3  }
0x36: {  	p1 =	seq.s32 s10, $0x1;
	s10 =	sld [smem:$0x3FB3];
	_ =	sdelay $0x3  }
0x37: {  	[smem:$0x3FB3] =	sst s10  }
0x38: {  	s10 =	sld [smem:$0x3FB4]  }
0x39: {  	_ = 	snop;
	(pc) =	sbr.ind lr, $3  }
0x3a: {  	_ = 	snop  }
0x3b: {  	_ = 	snop  }
0x3c: {  	p2 =	seq.s32 s10, $0x1;
	s10 =	sld [smem:$0x3FB3]  }
0x3d: {  	_ =	shalt  }
0x3e: {  	_ =	shalt  }
0x3f: {  	_ =	shalt  }
0x40: {  	_ =	shalt  }
0x41: {  	_ =	shalt  }
0x42: {  	_ =	shalt  }
0x43: {  	_ =	shalt  }
0x44: {  	_ =	shalt  }
0x45: {  	_ =	shalt  }
0x46: {  	_ =	shalt  }
0x47: {  	_ =	shalt  }
0x48: {  	_ =	shalt  }
0x49: {  	_ =	shalt  }
0x4a: {  	_ =	shalt  }
0x4b: {  	_ =	shalt  }
0x4c: {  	_ =	shalt  }
0x4d: {  	_ =	shalt  }
0x4e: {  	_ =	shalt  }
0x4f: {  	_ =	shalt  }
0x50: {  	_ =	shalt  }
0x51: {  	_ =	shalt  }
0x52: {  	_ =	shalt  }
0x53: {  	_ =	shalt  }
0x54: {  	_ =	shalt  }
0x55: {  	_ =	shalt  }
0x56: {  	_ =	shalt  }
0x57: {  	_ =	shalt  }
0x58: {  	_ =	shalt  }
0x59: {  	_ =	shalt  }
0x5a: {  	_ =	shalt  }
0x5b: {  	_ =	shalt  }
0x5c: {  	_ =	shalt  }
0x5d: {  	_ =	shalt  }
0x5e: {  	_ =	shalt  }
0x5f: {  	_ =	shalt  }
0x60: {  	_ =	shalt  }
0x61: {  	_ =	shalt  }
0x62: {  	_ =	shalt  }
0x63: {  	_ =	shalt  }
0x64: {  	_ =	shalt  }
0x65: {  	_ =	shalt  }
0x66: {  	_ =	shalt  }
0x67: {  	_ =	shalt  }
0x68: {  	_ =	shalt  }
0x69: {  	_ =	shalt  }
0x6a: {  	_ =	shalt  }
0x6b: {  	_ =	shalt  }
0x6c: {  	_ =	shalt  }
0x6d: {  	_ =	shalt  }
0x6e: {  	_ =	shalt  }
0x6f: {  	_ =	shalt  }
0x70: {  	_ =	shalt  }
0x71: {  	_ =	shalt  }
0x72: {  	_ =	shalt  }
0x73: {  	_ =	shalt  }
0x74: {  	_ =	shalt  }
0x75: {  	_ =	shalt  }
0x76: {  	_ =	shalt  }
0x77: {  	_ =	shalt  }
0x78: {  	_ =	shalt  }
0x79: {  	_ =	shalt  }
0x7a: {  	_ =	shalt  }
0x7b: {  	_ =	shalt  }
0x7c: {  	_ =	shalt  }
0x7d: {  	_ =	shalt  }
0x7e: {  	_ =	shalt  }
0x7f: {  	_ =	shalt  }
0x80: {  	_ =	shalt  }
0x81: {  	_ =	shalt  }
0x82: {  	_ =	shalt  }
0x83: {  	_ =	shalt  }
0x84: {  	_ =	shalt  }
0x85: {  	_ =	shalt  }
0x86: {  	_ =	shalt  }
0x87: {  	_ =	shalt  }
.Lfunc_end0:
.L_simem_size_0:
called_computation.1_lowered:
.L_overlay_start_0:
0x88: {  	s2 =	sld [smem:$0x3FD9]  }
0x89: {  	s3 =	sld [smem:$0x3FFE];
	_ =	sdelay $0x1  }
0x8a: {  	s1 =	srdreg.scid  }
0x8b: {  	s0 =	sand.u32 $0x1, s1  }
0x8c: {  	s16 =	sshll.u32 s0, $0xA;
	s2 =	sadd.s32 s3, s2  }
0x8d: {  	s2 =	sadd.s32 s2, s16  }
0x8e: {  	[smem:$0x3FBF] =	sst s2  }
0x8f: {  	_ = 	snop  }
0x90: {  	(tm) =	ssettm $0x1  }
0x91: {  	s17 =	sld [smem:$0x3FFB];
	_ =	sdelay $0x3  }
0x92: {  	_ =	strace s17  }
0x93: {  	s2 =	sld [smem:$0x3FFC];
	_ =	sdelay $0x3  }
0x94: {  	_ =	strace s2  }
0x95: {  	s2 =	sld [smem:$0x3FFD];
	_ =	sdelay $0x3  }
0x96: {  	_ =	strace s2  }
0x97: {  	_ =	strace $0x8FFFFFFF  }
0x98: {  	s18 =	sld [smem:$0x3FDB];
	_ =	sdelay $0x1  }
0x99: {  	s19 =	simm.s32 $_scs_section_size  }
0x9a: {  	s4 =	simm.s32 $_size__tile_overlayer_lowered;
	s5 =	simm.s32 $_tile_overlayer_lowered  }
0x9b: {  	s22 =	simm.s32 $0x1BFF;
	s21 =	sshll.u32 s5, $0x1;
	s2 =	sadd.s32 s19, s18  }
0x9c: {  	s6 =	simm.s32 $0x0;
	s20 =	sshll.u32 s4, $0x1;
	s4 =	sadd.s32 s21, s2  }
0x9d: {  	[timem:s6], [sflag:s22] =	dma.local [hbm:s4], s20  }
0x9e: {  	_ =	swait.ge [sflag:s22], s20  }
0x9f: {  	s3 =	ssub.s32 $0x0, s20;
	[sflag:s22] =	ssyncset.done $0x0  }
0xa0: {  	[sflag:s22] =	ssyncadd.s32 s3;
	_ =	sdelay $0x1  }
0xa1: {  	s23 =	simm.s32 $0x1B8B  }
0xa2: {  	_ =	swait.ge [sflag:s23], $0x1  }
0xa3: {  	[sflag:s23] =	ssyncset.done $0x0  }
0xa4: {  	s25 =	simm.s32 $0x1B8E;
	s24 =	sld [smem:$0x3FFE];
	[sflag:s23] =	ssyncadd.s32 $0xFFFFFFFF  }
0xa5: {  	s26 =	simm.s32 $execute0_lowered;
	[smem:$0x3FD2] =	sst s25  }
0xa6: {  	s4 =	sshll.u32 s26, $0x1;
	_ =	strace $0x80000049;
	[dreg:$0x1] =	wrdreg $0xFFFFFFFF  }
0xa7: {  	s28 =	simm.s32 $_size_execute0_lowered;
	s2 =	sadd.s32 s2, s4;
	[dreg:$0x0] =	wrdreg $0x0  }
0xa8: {  	s4 =	sshll.u32 s28, $0x1;
	[dreg:$0x2] =	wrdreg s2  }
0xa9: {  	[dreg:$0x3] =	wrdreg s4  }
0xaa: {  	[dreg:$0x4] =	wrdreg $0xC0  }
0xab: {  	_ =	task [dreg:s6], $0x5FFFF  }
0xac: {  	[dreg:$0x1] =	wrdreg $0xFFFFFFFF  }
0xad: {  	[dreg:$0x0] =	wrdreg $0x60  }
0xae: {  	[dreg:$0x2] =	wrdreg s24  }
0xaf: {  	[dreg:$0x3] =	wrdreg $0x9  }
0xb0: {  	_ =	task.clear_ibuf [dreg:s6], $0x4FFFF;
	_ =	strace $0x90000049  }
0xb1: {  	s29 =	simm.s32 $0x9;
	_ =	strace $0x8000004B  }
0xb2: {  	_ =	swait.ge [sflag:s29], $0x1  }
0xb3: {  	[sflag:s29] =	ssyncadd.s32 $0xFFFFFFFF  }
0xb4: {  	_ =	strace $0x9000004B  }
0xb5: {  	_ =	sfence  }
0xb6: {  	s30 =	sld [smem:$0x0];
	_ =	sdelay $0x2  }
0xb7: {  	s31 =	sshll.u32 s1, $0xD;
	s1 =	sshrl.u32 s1, $0x2  }
0xb8: {  	s3 =	sand.u32 $0x4000, s31;
	s1 =	sadd.s32 s1, s30  }
0xb9: {  	s0 =	sor.u32 s3, s0;
	s1 =	sshll.u32 s1, $0x11  }
0xba: {  	s0 =	sor.u32 s1, s0  }
0xbb: {  	s0 =	sadd.s32 $0x8F2B, s0  }
0xbc: {  	[sflag:s0] =	ssyncadd.remote.s32 $0x1  }
0xbd: {  	_ =	sfence.sel $0xFFFF  }
0xbe: {  	[dreg:$0x0] =	wrdreg $0xFFFFFFFF;
	(pc) =	sbr.abs _section_cstart, $3  }
0xbf: {  	[dreg:$0x1] =	wrdreg $0xFFFFFFFF  }
0xc0: {  	_ =	task.clear_ibuf [dreg:s6], $0x2FFFF;
	_ =	strace $0x9FFFFFFF  }
0xc1: {  	(tm) =	ssettm $0x7FFFFFFF  }
tec
execute0_lowered:
.L_overlay_start_1:
0x0: {  	(tag) =	ssettag $0x1  }
0x1: {  	s5 =	rddreg [dreg:$0x0]  }
0x2: {  	s0 =	rddreg [dreg:$0x1];
	s3 =	srdreg.scid  }
0x3: {  	s1 =	stileid.u32;
	s2 =	simm.s32 $0x0;
	s12 =	simm.s32 $0x2  }
0x4: {  	s13 =	simm.s32 $0x80;
	s14 =	simm.s32 $0x1;
	s15 =	simm.s32 $0x18000  }
0x5: {  	s16 =	simm.s32 $0x10;
	s17 =	simm.s32 $0x18400;
	s18 =	simm.s32 $0x0  }
0x6: {  	s3 =	sand.u32 $0x1, s3;
	s4 =	sshll.u32 s1, $0x1;
	[smem:$0x7FF] =	sst s2  }
0x7: {  	s8 =	sor.u32 s3, s4;
	_ =	strace $0x8000004A;
	s6 =	ssub.s32 $0x2, s3  }
0x8: {  	s3 =	sadd.s32 $0x1047C00, s5;
	s4 =	sadd.s32 $0x7A00, s5;
	s9 =	sshll.u32 s8, $0xD  }
0x9: {  	s10 =	sshrl.u32 s6, $0x1;
	s7 =	sadd.s32 s9, s5;
	s5 =	sadd.s32 $0x87A00, s5  }
0xa: {  	s11 =	ssub.s32 s6, s10;
	s6 =	sshll.u32 s8, $0x10;
	s9 =	sadd.s32 s9, s4  }
0xb: {  	s8 =	sshll.u32 s8, $0x13;
	s7 =	sadd.s32 $0x47A00, s7;
	s31 =	sadd.s32 s6, s5  }
0xc: {  	s9 =	sadd.s32 $0x1F80, s9;
	s11 =	smax.u32 s11, $0x1;
	s10 =	sadd.s32 $0xFC00, s31  }
.LBB2_1:
.Ltmp0:
0xd: {  	(pc) =	sbr.rel .LBB2_2-.Ltmp0, $4  }
0xe: {  	[tilespmem:s2], [sflag:$0x2] =	stream.linear.gather [hbm4b:s7+s2], $0x10000, $0x38;
	[tilespmem:$0x18800] =	vst v63  }
0xf: {  	_ =	swait.ge [sflag:s12], $0x10000  }
0x10: {  	[sflag:s12] =	ssyncset.done $0x0  }
0x11: {  	s19 =	simm.s32 $0xFFFFFC00;
	s20 =	simm.s32 $0x0;
	[sflag:s12] =	ssyncadd.s32 $0xFFFF0000  }
.LBB2_6:
0x12: {  	_ =	swait.ge [sflag:s14], $0x800  }
0x13: {  	[sflag:s14] =	ssyncset.done $0x0  }
0x14: {  	[sflag:s14] =	ssyncadd.s32 $0xFFFFF800  }
0x15: {  	_ =	swait.ge [sflag:s14], $0x800  }
0x16: {  	[sflag:s14] =	ssyncset.done $0x0  }
0x17: {  	[sflag:s14] =	ssyncadd.s32 $0xFFFFF800  }
0x18: {  	_ =	swait.ge [sflag:s14], $0x800  }
0x19: {  	[sflag:s14] =	ssyncset.done $0x0  }
0x1a: {  	[sflag:s14] =	ssyncadd.s32 $0xFFFFF800  }
0x1b: {  	_ =	swait.ge [sflag:s14], $0x800  }
0x1c: {  	[sflag:s14] =	ssyncset.done $0x0  }
0x1d: {  	[sflag:s14] =	ssyncadd.s32 $0xFFFFF800  }
0x1e: {  	_ =	swait.ge [sflag:s14], $0x800  }
0x1f: {  	[sflag:s14] =	ssyncset.done $0x0  }
0x20: {  	[sflag:s14] =	ssyncadd.s32 $0xFFFFF800  }
0x21: {  	_ =	swait.ge [sflag:s14], $0x800  }
0x22: {  	[sflag:s14] =	ssyncset.done $0x0  }
0x23: {  	s20 =	sadd.s32 $0x1, s20;
	[sflag:s14] =	ssyncadd.s32 $0xFFFFF800  }
0x24: {  	p0 =	sne.s32 s20, $0x40;
	_ =	swait.ge [sflag:s14], $0x800  }
.Ltmp1:
0x25: {  	[sflag:s14] =	ssyncset.done $0x0;
	(pc) =	sbr.rel @!p0 .LBB2_7-.Ltmp1, $4  }
0x26: {  	[sflag:s14] =	ssyncadd.s32 $0xFFFFF800  }
0x27: {  	_ =	swait.ge [sflag:s14], $0x800  }
0x28: {  	[sflag:s14] =	ssyncset.done $0x0  }
0x29: {  	s19 =	sadd.s32 $0x400, s19;
	[sflag:s14] =	ssyncadd.s32 $0xFFFFF800  }
.LBB2_2:
0x2a: {  	s21 =	sshll.u32 s20, $0xE  }
0x2b: {  	s22 =	sshll.u32 s20, $0xA;
	s21 =	sand.u32 $0x4000, s21  }
0x2c: {  	s22 =	sand.u32 $0x3FFFFC00, s22;
	s23 =	sor.u32 $0x10000, s21  }
0x2d: {  	[tilespmem:s23], [sflag:$0x1] =	stream.indirect.gather [hbm4b:s3+s13], $0x10, s22, s13, $0xb8;
	[tilespmem:$0x18800] =	vst v63  }
0x2e: {  	s26 =	sor.u32 $0x10800, s21;
	s24 =	sor.u32 $0x80, s22  }
0x2f: {  	[tilespmem:s26], [sflag:$0x1] =	stream.indirect.gather [hbm4b:s3+s13], $0x10, s24, s13, $0xb8;
	[tilespmem:$0x18800] =	vst v63  }
0x30: {  	s28 =	sor.u32 $0x11000, s21;
	s29 =	sor.u32 $0x100, s22  }
0x31: {  	[tilespmem:s28], [sflag:$0x1] =	stream.indirect.gather [hbm4b:s3+s13], $0x10, s29, s13, $0xb8;
	[tilespmem:$0x18800] =	vst v63  }
0x32: {  	s30 =	sor.u32 $0x11800, s21;
	s31 =	sor.u32 $0x180, s22  }
0x33: {  	[tilespmem:s30], [sflag:$0x1] =	stream.indirect.gather [hbm4b:s3+s13], $0x10, s31, s13, $0xb8;
	[tilespmem:$0x18800] =	vst v63  }
0x34: {  	s25 =	sor.u32 $0x12000, s21;
	s26 =	sor.u32 $0x200, s22  }
0x35: {  	[tilespmem:s25], [sflag:$0x1] =	stream.indirect.gather [hbm4b:s3+s13], $0x10, s26, s13, $0xb8;
	[tilespmem:$0x18800] =	vst v63  }
0x36: {  	p0 =	seq.s32 s20, $0x0;
	s28 =	sor.u32 $0x12800, s21;
	s29 =	sor.u32 $0x280, s22  }
0x37: {  	[tilespmem:s28], [sflag:$0x1] =	stream.indirect.gather [hbm4b:s3+s13], $0x10, s29, s13, $0xb8;
	[tilespmem:$0x18800] =	vst v63  }
.Ltmp2:
0x38: {  	_ = 	snop;
	(pc) =	sbr.rel @p0 .LBB2_6-.Ltmp2, $4  }
0x39: {  	s30 =	sor.u32 $0x13000, s21;
	s31 =	sor.u32 $0x300, s22  }
0x3a: {  	[tilespmem:s30], [sflag:$0x1] =	stream.indirect.gather [hbm4b:s3+s13], $0x10, s31, s13, $0xb8;
	[tilespmem:$0x18800] =	vst v63  }
0x3b: {  	s21 =	sor.u32 $0x13800, s21;
	s22 =	sor.u32 $0x380, s22  }
0x3c: {  	[tilespmem:s21], [sflag:$0x1] =	stream.indirect.gather [hbm4b:s3+s13], $0x10, s22, s13, $0xb8;
	[tilespmem:$0x18800] =	vst v63  }
0x3d: {  	s21 =	sadd.s32 $0xFFFFFFFF, s20  }
0x3e: {  	s22 =	sshll.u32 s21, $0xA  }
0x3f: {  	s22 =	sadd.s32 s6, s22  }
0x40: {  	s22 =	sshrl.u32 s22, $0x3  }
0x41: {  	s23 =	sadd.s32 s4, s22;
	s22 =	simm.s32 $0x0  }
0x42: {  	[tilespmem:s15], [sflag:$0x2] =	stream.linear.gather [hbm4b:s23+s22], $0x400, $0x38;
	[tilespmem:$0x18800] =	vst v63  }
0x43: {  	s30 =	sshll.u32 s19, $0x4;
	s24 =	sand.u32 $0xE00, s22;
	_ =	swait.ge [sflag:s12], $0x400  }
0x44: {  	s25 =	sand.u32 $0x70, s22;
	s24 =	sshrl.u32 s24, $0x2;
	[sflag:s12] =	ssyncset.done $0x0  }
0x45: {  	s23 =	sand.u32 $0x4000, s30;
	s25 =	sor.u32 s25, s24;
	[sflag:s12] =	ssyncadd.s32 $0xFFFFFC00  }
0x46: {  	s24 =	sor.u32 $0x10080, s23;
	v0 =	vld [tilespmem:s25+$0x18000]  }
0x47: {  	v1 =	vld [tilespmem:s24+$0xFFFFFF80]  }
0x48: {  	v2 =	vld [tilespmem:s24+$0xFFFFFF90];
	_ =	sdelay $0x1  }
0x49: {  	v3 =	vld [tilespmem:s24+$0xFFFFFFA0]  }
0x4a: {  	v4 =	vbroadcast v0, $0x0;
	v5 =	vbroadcast v0, $0x1  }
0x4b: {  	v7 =	vld [tilespmem:s24+$0xFFFFFFB0];
	v6 =	vbroadcast v0, $0x2  }
0x4c: {  	v1 =	vmul.f32 v1, v4;
	v2 =	vmul.f32 v2, v5  }
0x4d: {  	v52 =	vld [tilespmem:s24+$0xFFFFFFC0]  }
0x4e: {  	v1 =	vadd.f32 v2, v1;
	v2 =	vmul.f32 v3, v6;
	v3 =	vbroadcast v0, $0x3  }
0x4f: {  	v53 =	vld [tilespmem:s24+$0xFFFFFFD0]  }
0x50: {  	v1 =	vadd.f32 v2, v1;
	v2 =	vmul.f32 v7, v3;
	v3 =	vbroadcast v0, $0x4  }
0x51: {  	v54 =	vld [tilespmem:s24+$0xFFFFFFE0]  }
0x52: {  	v1 =	vadd.f32 v2, v1;
	v2 =	vmul.f32 v52, v3;
	v3 =	vbroadcast v0, $0x5  }
0x53: {  	v55 =	vld [tilespmem:s24+$0xFFFFFFF0]  }
0x54: {  	v1 =	vadd.f32 v2, v1;
	v2 =	vmul.f32 v53, v3;
	v3 =	vbroadcast v0, $0x6  }
0x55: {  	v56 =	vld [tilespmem:s24+$0x0]  }
0x56: {  	v1 =	vadd.f32 v2, v1;
	v2 =	vmul.f32 v54, v3;
	v3 =	vbroadcast v0, $0x7  }
0x57: {  	v57 =	vld [tilespmem:s24+$0x10]  }
0x58: {  	v1 =	vadd.f32 v2, v1;
	v2 =	vmul.f32 v55, v3;
	v3 =	vbroadcast v0, $0x8  }
0x59: {  	v58 =	vld [tilespmem:s24+$0x20]  }
0x5a: {  	v1 =	vadd.f32 v2, v1;
	v2 =	vmul.f32 v56, v3;
	v3 =	vbroadcast v0, $0x9  }
0x5b: {  	v59 =	vld [tilespmem:s24+$0x30]  }
0x5c: {  	v1 =	vadd.f32 v2, v1;
	v2 =	vmul.f32 v57, v3;
	v3 =	vbroadcast v0, $0xA  }
0x5d: {  	v60 =	vld [tilespmem:s24+$0x40]  }
0x5e: {  	v1 =	vadd.f32 v2, v1;
	v2 =	vmul.f32 v58, v3;
	v3 =	vbroadcast v0, $0xB  }
0x5f: {  	v61 =	vld [tilespmem:s24+$0x50]  }
0x60: {  	v1 =	vadd.f32 v2, v1;
	v2 =	vmul.f32 v59, v3;
	v3 =	vbroadcast v0, $0xC  }
0x61: {  	v62 =	vld [tilespmem:s24+$0x60]  }
0x62: {  	v1 =	vadd.f32 v2, v1;
	v2 =	vmul.f32 v60, v3;
	v3 =	vbroadcast v0, $0xD  }
0x63: {  	v63 =	vld [tilespmem:s24+$0x70]  }
0x64: {  	v1 =	vadd.f32 v2, v1;
	v2 =	vmul.f32 v61, v3;
	v3 =	vbroadcast v0, $0xE;
	_ =	sdelay $0x1  }
0x65: {  	v0 =	vbroadcast v0, $0xF;
	v1 =	vadd.f32 v2, v1;
	v2 =	vmul.f32 v62, v3;
	_ =	sdelay $0x1  }
0x66: {  	v0 =	vmul.f32 v63, v0;
	v1 =	vadd.f32 v2, v1  }
0x67: {  	s31 =	simm.s32 $0x10;
	s23 =	simm.s32 $0x40  }
0x68: {  	s26 =	sand.u32 $0x70, s31;
	s28 =	sand.u32 $0xE00, s23;
	s25 =	simm.s32 $0x20;
	v0 =	vadd.f32 v0, v1  }
.LBB2_4:
0x69: {  	p0 =	sne.s32 s25, $0x3F0;
	s28 =	sshrl.u32 s28, $0x2;
	s22 =	sshra.s32 s22, $0x2  }
0x6a: {  	s26 =	sor.u32 s26, s28;
	[tilespmem:s22+$0x18400] =	vst v0;
	s22 =	smov.u32 s23  }
0x6b: {  	s24 =	sadd.s32 $0x100, s24;
	v0 =	vld [tilespmem:s26+$0x18000]  }
0x6c: {  	v1 =	vld [tilespmem:s24+$0xFFFFFF80]  }
0x6d: {  	v2 =	vld [tilespmem:s24+$0xFFFFFF90];
	_ =	sdelay $0x1  }
0x6e: {  	v3 =	vld [tilespmem:s24+$0xFFFFFFA0]  }
0x6f: {  	v4 =	vbroadcast v0, $0x0;
	v5 =	vbroadcast v0, $0x1  }
0x70: {  	v6 =	vbroadcast v0, $0x2;
	v7 =	vld [tilespmem:s24+$0xFFFFFFB0]  }
0x71: {  	v1 =	vmul.f32 v1, v4;
	v2 =	vmul.f32 v2, v5  }
0x72: {  	v4 =	vld [tilespmem:s24+$0xFFFFFFC0]  }
0x73: {  	v1 =	vadd.f32 v2, v1;
	v2 =	vmul.f32 v3, v6;
	v3 =	vbroadcast v0, $0x3  }
0x74: {  	v5 =	vld [tilespmem:s24+$0xFFFFFFD0]  }
0x75: {  	v1 =	vadd.f32 v2, v1;
	v2 =	vmul.f32 v7, v3;
	v3 =	vbroadcast v0, $0x4  }
0x76: {  	v6 =	vld [tilespmem:s24+$0xFFFFFFE0]  }
0x77: {  	v1 =	vadd.f32 v2, v1;
	v2 =	vmul.f32 v4, v3;
	v3 =	vbroadcast v0, $0x5  }
0x78: {  	v4 =	vld [tilespmem:s24+$0xFFFFFFF0]  }
0x79: {  	v1 =	vadd.f32 v2, v1;
	v2 =	vmul.f32 v5, v3;
	v3 =	vbroadcast v0, $0x6  }
0x7a: {  	v5 =	vld [tilespmem:s24+$0x0]  }
0x7b: {  	v1 =	vadd.f32 v2, v1;
	v2 =	vmul.f32 v6, v3;
	v3 =	vbroadcast v0, $0x7  }
0x7c: {  	v6 =	vld [tilespmem:s24+$0x10]  }
0x7d: {  	v1 =	vadd.f32 v2, v1;
	v2 =	vmul.f32 v4, v3;
	v3 =	vbroadcast v0, $0x8  }
0x7e: {  	v4 =	vld [tilespmem:s24+$0x20]  }
0x7f: {  	v1 =	vadd.f32 v2, v1;
	v2 =	vmul.f32 v5, v3;
	v3 =	vbroadcast v0, $0x9  }
0x80: {  	v5 =	vld [tilespmem:s24+$0x30]  }
0x81: {  	v1 =	vadd.f32 v2, v1;
	v2 =	vmul.f32 v6, v3;
	v3 =	vbroadcast v0, $0xA  }
0x82: {  	v6 =	vld [tilespmem:s24+$0x40]  }
0x83: {  	v1 =	vadd.f32 v2, v1;
	v2 =	vmul.f32 v4, v3;
	v3 =	vbroadcast v0, $0xB  }
0x84: {  	v4 =	vld [tilespmem:s24+$0x50]  }
0x85: {  	v1 =	vadd.f32 v2, v1;
	v2 =	vmul.f32 v5, v3;
	v3 =	vbroadcast v0, $0xC  }
0x86: {  	v5 =	vld [tilespmem:s24+$0x60]  }
0x87: {  	v1 =	vadd.f32 v2, v1;
	v2 =	vmul.f32 v6, v3;
	v3 =	vbroadcast v0, $0xD  }
0x88: {  	v6 =	vld [tilespmem:s24+$0x70]  }
0x89: {  	v1 =	vadd.f32 v2, v1;
	v2 =	vmul.f32 v4, v3;
	v3 =	vbroadcast v0, $0xE;
	_ =	sdelay $0x1  }
.Ltmp3:
0x8a: {  	v0 =	vbroadcast v0, $0xF;
	v1 =	vadd.f32 v2, v1;
	v2 =	vmul.f32 v5, v3;
	(pc) =	sbr.rel @p0 .LBB2_4-.Ltmp3, $4  }
0x8b: {  	_ = 	snop  }
0x8c: {  	v1 =	vadd.f32 v2, v1;
	v0 =	vmul.f32 v6, v0  }
0x8d: {  	s23 =	sadd.s32 $0x40, s23  }
0x8e: {  	s26 =	sand.u32 $0x70, s25;
	s28 =	sand.u32 $0xE00, s23;
	s25 =	sadd.s32 $0x10, s25;
	v0 =	vadd.f32 v0, v1  }
0x8f: {  	s25 =	sshrl.u32 s28, $0x2;
	s22 =	sshra.s32 s22, $0x2  }
0x90: {  	s25 =	sor.u32 s26, s25;
	[tilespmem:s22+$0x18400] =	vst v0  }
0x91: {  	s30 =	sadd.s32 $0x100, s24;
	v0 =	vld [tilespmem:s25+$0x18000]  }
0x92: {  	v1 =	vld [tilespmem:s30+$0xFFFFFF80]  }
0x93: {  	v2 =	vld [tilespmem:s30+$0xFFFFFF90];
	_ =	sdelay $0x1  }
0x94: {  	v3 =	vld [tilespmem:s30+$0xFFFFFFA0]  }
0x95: {  	v4 =	vbroadcast v0, $0x0;
	v5 =	vbroadcast v0, $0x1  }
0x96: {  	v7 =	vld [tilespmem:s30+$0xFFFFFFB0];
	v6 =	vbroadcast v0, $0x2  }
0x97: {  	v1 =	vmul.f32 v1, v4;
	v2 =	vmul.f32 v2, v5  }
0x98: {  	v27 =	vld [tilespmem:s30+$0xFFFFFFC0]  }
0x99: {  	v29 =	vbroadcast v0, $0x3;
	v28 =	vmul.f32 v3, v6;
	v1 =	vadd.f32 v2, v1  }
0x9a: {  	v30 =	vld [tilespmem:s30+$0xFFFFFFD0]  }
0x9b: {  	v32 =	vbroadcast v0, $0x4;
	v31 =	vmul.f32 v7, v29;
	v1 =	vadd.f32 v28, v1  }
0x9c: {  	v33 =	vld [tilespmem:s30+$0xFFFFFFE0]  }
0x9d: {  	v35 =	vbroadcast v0, $0x5;
	v34 =	vmul.f32 v27, v32;
	v1 =	vadd.f32 v31, v1  }
0x9e: {  	v36 =	vld [tilespmem:s30+$0xFFFFFFF0]  }
0x9f: {  	v38 =	vbroadcast v0, $0x6;
	v37 =	vmul.f32 v30, v35;
	v1 =	vadd.f32 v34, v1  }
0xa0: {  	v39 =	vld [tilespmem:s30+$0x0]  }
0xa1: {  	v41 =	vbroadcast v0, $0x7;
	v40 =	vmul.f32 v33, v38;
	v1 =	vadd.f32 v37, v1  }
0xa2: {  	v42 =	vld [tilespmem:s30+$0x10]  }
0xa3: {  	v44 =	vbroadcast v0, $0x8;
	v43 =	vmul.f32 v36, v41;
	v1 =	vadd.f32 v40, v1  }
0xa4: {  	v45 =	vld [tilespmem:s30+$0x20]  }
0xa5: {  	v47 =	vbroadcast v0, $0x9;
	v46 =	vmul.f32 v39, v44;
	v1 =	vadd.f32 v43, v1  }
0xa6: {  	v48 =	vld [tilespmem:s30+$0x30]  }
0xa7: {  	v50 =	vbroadcast v0, $0xA;
	v49 =	vmul.f32 v42, v47;
	v1 =	vadd.f32 v46, v1  }
0xa8: {  	v51 =	vld [tilespmem:s30+$0x40]  }
0xa9: {  	v53 =	vbroadcast v0, $0xB;
	v52 =	vmul.f32 v45, v50;
	v1 =	vadd.f32 v49, v1  }
0xaa: {  	v54 =	vld [tilespmem:s30+$0x50]  }
0xab: {  	v56 =	vbroadcast v0, $0xC;
	v55 =	vmul.f32 v48, v53;
	v1 =	vadd.f32 v52, v1  }
0xac: {  	v57 =	vld [tilespmem:s30+$0x60]  }
0xad: {  	v59 =	vbroadcast v0, $0xD;
	v58 =	vmul.f32 v51, v56;
	v1 =	vadd.f32 v55, v1  }
0xae: {  	v60 =	vld [tilespmem:s30+$0x70]  }
0xaf: {  	v62 =	vbroadcast v0, $0xE;
	v61 =	vmul.f32 v54, v59;
	v1 =	vadd.f32 v58, v1;
	_ =	sdelay $0x1  }
0xb0: {  	v0 =	vbroadcast v0, $0xF;
	v63 =	vmul.f32 v57, v62;
	v1 =	vadd.f32 v61, v1;
	_ =	sdelay $0x1  }
0xb1: {  	v0 =	vmul.f32 v60, v0;
	v1 =	vadd.f32 v63, v1  }
0xb2: {  	s21 =	sshll.u32 s21, $0xD  }
0xb3: {  	s21 =	sadd.s32 s8, s21;
	v0 =	vadd.f32 v0, v1  }
0xb4: {  	s31 =	sshra.s32 s23, $0x2;
	s21 =	sshrl.u32 s21, $0x3  }
.Ltmp4:
0xb5: {  	s21 =	sadd.s32 s5, s21;
	[tilespmem:s31+$0x18400] =	vst v0;
	(pc) =	sbr.rel .LBB2_6-.Ltmp4, $4  }
0xb6: {  	[hbm4b:s21+s16] =	stream.strided.scatter [tilespmem:s17], [sflag:$0x2], $0x400, s13, s16, $0x38;
	[tilespmem:$0x18800] =	vst v63  }
0xb7: {  	_ =	swait.ge [sflag:s12], $0x400  }
0xb8: {  	[sflag:s12] =	ssyncset.done $0x0  }
0xb9: {  	[sflag:s12] =	ssyncadd.s32 $0xFFFFFC00  }
.LBB2_7:
0xba: {  	s19 =	simm.s32 $0x0  }
0xbb: {  	[tilespmem:s15], [sflag:$0x2] =	stream.linear.gather [hbm4b:s9+s19], $0x400, $0x38;
	[tilespmem:$0x18800] =	vst v63  }
0xbc: {  	s20 =	sand.u32 $0xE00, s19;
	_ =	swait.ge [sflag:s12], $0x400  }
0xbd: {  	s19 =	sand.u32 $0x70, s19;
	s20 =	sshrl.u32 s20, $0x2;
	[sflag:s12] =	ssyncset.done $0x0  }
0xbe: {  	s19 =	sor.u32 s19, s20;
	[sflag:s12] =	ssyncadd.s32 $0xFFFFFC00  }
0xbf: {  	s23 =	simm.s32 $0x0;
	v0 =	vld [tilespmem:s19+$0x18000]  }
0xc0: {  	v1 =	vld [tilespmem:s23+$0x14000]  }
0xc1: {  	v2 =	vld [tilespmem:s23+$0x14010];
	_ =	sdelay $0x1  }
0xc2: {  	v3 =	vld [tilespmem:s23+$0x14020]  }
0xc3: {  	v4 =	vbroadcast v0, $0x0;
	v5 =	vbroadcast v0, $0x1  }
0xc4: {  	v7 =	vld [tilespmem:s23+$0x14030];
	v6 =	vbroadcast v0, $0x2  }
0xc5: {  	v1 =	vmul.f32 v1, v4;
	v2 =	vmul.f32 v2, v5  }
0xc6: {  	v52 =	vld [tilespmem:s23+$0x14040]  }
0xc7: {  	v1 =	vadd.f32 v2, v1;
	v2 =	vmul.f32 v3, v6;
	v3 =	vbroadcast v0, $0x3  }
0xc8: {  	v53 =	vld [tilespmem:s23+$0x14050]  }
0xc9: {  	v1 =	vadd.f32 v2, v1;
	v2 =	vmul.f32 v7, v3;
	v3 =	vbroadcast v0, $0x4  }
0xca: {  	v54 =	vld [tilespmem:s23+$0x14060]  }
0xcb: {  	v1 =	vadd.f32 v2, v1;
	v2 =	vmul.f32 v52, v3;
	v3 =	vbroadcast v0, $0x5  }
0xcc: {  	v55 =	vld [tilespmem:s23+$0x14070]  }
0xcd: {  	v1 =	vadd.f32 v2, v1;
	v2 =	vmul.f32 v53, v3;
	v3 =	vbroadcast v0, $0x6  }
0xce: {  	v56 =	vld [tilespmem:s23+$0x14080]  }
0xcf: {  	v1 =	vadd.f32 v2, v1;
	v2 =	vmul.f32 v54, v3;
	v3 =	vbroadcast v0, $0x7  }
0xd0: {  	v57 =	vld [tilespmem:s23+$0x14090]  }
0xd1: {  	v1 =	vadd.f32 v2, v1;
	v2 =	vmul.f32 v55, v3;
	v3 =	vbroadcast v0, $0x8  }
0xd2: {  	v58 =	vld [tilespmem:s23+$0x140A0]  }
0xd3: {  	v1 =	vadd.f32 v2, v1;
	v2 =	vmul.f32 v56, v3;
	v3 =	vbroadcast v0, $0x9  }
0xd4: {  	v59 =	vld [tilespmem:s23+$0x140B0]  }
0xd5: {  	v1 =	vadd.f32 v2, v1;
	v2 =	vmul.f32 v57, v3;
	v3 =	vbroadcast v0, $0xA  }
0xd6: {  	v60 =	vld [tilespmem:s23+$0x140C0]  }
0xd7: {  	v1 =	vadd.f32 v2, v1;
	v2 =	vmul.f32 v58, v3;
	v3 =	vbroadcast v0, $0xB  }
0xd8: {  	v61 =	vld [tilespmem:s23+$0x140D0]  }
0xd9: {  	v1 =	vadd.f32 v2, v1;
	v2 =	vmul.f32 v59, v3;
	v3 =	vbroadcast v0, $0xC  }
0xda: {  	v62 =	vld [tilespmem:s23+$0x140E0]  }
0xdb: {  	v1 =	vadd.f32 v2, v1;
	v2 =	vmul.f32 v60, v3;
	v3 =	vbroadcast v0, $0xD  }
0xdc: {  	v63 =	vld [tilespmem:s23+$0x140F0]  }
0xdd: {  	v1 =	vadd.f32 v2, v1;
	v2 =	vmul.f32 v61, v3;
	v3 =	vbroadcast v0, $0xE;
	_ =	sdelay $0x1  }
0xde: {  	v0 =	vbroadcast v0, $0xF;
	v1 =	vadd.f32 v2, v1;
	v2 =	vmul.f32 v62, v3;
	_ =	sdelay $0x1  }
0xdf: {  	v0 =	vmul.f32 v63, v0;
	v1 =	vadd.f32 v2, v1  }
0xe0: {  	s21 =	simm.s32 $0x10;
	s19 =	simm.s32 $0x40  }
0xe1: {  	s22 =	simm.s32 $0x800;
	s20 =	simm.s32 $0x400;
	s24 =	sand.u32 $0xE00, s19;
	v0 =	vadd.f32 v0, v1  }
.LBB2_8:
0xe2: {  	p0 =	sne.s32 s22, $0xFC00;
	s25 =	sand.u32 $0x70, s21;
	s24 =	sshrl.u32 s24, $0x2  }
0xe3: {  	s24 =	sor.u32 s25, s24;
	[tilespmem:s23+$0x18400] =	vst v0;
	s23 =	smov.u32 s19  }
0xe4: {  	v0 =	vld [tilespmem:s24+$0x18000];
	s24 =	sshra.s32 s20, $0x2;
	s20 =	smov.u32 s22  }
0xe5: {  	v1 =	vld [tilespmem:s24+$0x14000]  }
0xe6: {  	v2 =	vld [tilespmem:s24+$0x14010];
	_ =	sdelay $0x1  }
0xe7: {  	v3 =	vld [tilespmem:s24+$0x14020]  }
0xe8: {  	v4 =	vbroadcast v0, $0x0;
	v5 =	vbroadcast v0, $0x1  }
0xe9: {  	v6 =	vbroadcast v0, $0x2;
	v7 =	vld [tilespmem:s24+$0x14030]  }
0xea: {  	v1 =	vmul.f32 v1, v4;
	v2 =	vmul.f32 v2, v5  }
0xeb: {  	v4 =	vld [tilespmem:s24+$0x14040]  }
0xec: {  	v1 =	vadd.f32 v2, v1;
	v2 =	vmul.f32 v3, v6;
	v3 =	vbroadcast v0, $0x3  }
0xed: {  	v5 =	vld [tilespmem:s24+$0x14050]  }
0xee: {  	v1 =	vadd.f32 v2, v1;
	v2 =	vmul.f32 v7, v3;
	v3 =	vbroadcast v0, $0x4  }
0xef: {  	v6 =	vld [tilespmem:s24+$0x14060]  }
0xf0: {  	v1 =	vadd.f32 v2, v1;
	v2 =	vmul.f32 v4, v3;
	v3 =	vbroadcast v0, $0x5  }
0xf1: {  	v4 =	vld [tilespmem:s24+$0x14070]  }
0xf2: {  	v1 =	vadd.f32 v2, v1;
	v2 =	vmul.f32 v5, v3;
	v3 =	vbroadcast v0, $0x6  }
0xf3: {  	v5 =	vld [tilespmem:s24+$0x14080]  }
0xf4: {  	v1 =	vadd.f32 v2, v1;
	v2 =	vmul.f32 v6, v3;
	v3 =	vbroadcast v0, $0x7  }
0xf5: {  	v6 =	vld [tilespmem:s24+$0x14090]  }
0xf6: {  	v1 =	vadd.f32 v2, v1;
	v2 =	vmul.f32 v4, v3;
	v3 =	vbroadcast v0, $0x8  }
0xf7: {  	v4 =	vld [tilespmem:s24+$0x140A0]  }
0xf8: {  	v1 =	vadd.f32 v2, v1;
	v2 =	vmul.f32 v5, v3;
	v3 =	vbroadcast v0, $0x9  }
0xf9: {  	v5 =	vld [tilespmem:s24+$0x140B0]  }
0xfa: {  	v1 =	vadd.f32 v2, v1;
	v2 =	vmul.f32 v6, v3;
	v3 =	vbroadcast v0, $0xA  }
0xfb: {  	v6 =	vld [tilespmem:s24+$0x140C0]  }
0xfc: {  	v1 =	vadd.f32 v2, v1;
	v2 =	vmul.f32 v4, v3;
	v3 =	vbroadcast v0, $0xB  }
0xfd: {  	v4 =	vld [tilespmem:s24+$0x140D0]  }
0xfe: {  	v1 =	vadd.f32 v2, v1;
	v2 =	vmul.f32 v5, v3;
	v3 =	vbroadcast v0, $0xC  }
0xff: {  	v5 =	vld [tilespmem:s24+$0x140E0]  }
0x100: {  	v1 =	vadd.f32 v2, v1;
	v2 =	vmul.f32 v6, v3;
	v3 =	vbroadcast v0, $0xD  }
0x101: {  	v6 =	vld [tilespmem:s24+$0x140F0]  }
0x102: {  	v1 =	vadd.f32 v2, v1;
	v2 =	vmul.f32 v4, v3;
	v3 =	vbroadcast v0, $0xE;
	_ =	sdelay $0x1  }
.Ltmp5:
0x103: {  	v0 =	vbroadcast v0, $0xF;
	v1 =	vadd.f32 v2, v1;
	v2 =	vmul.f32 v5, v3;
	(pc) =	sbr.rel @p0 .LBB2_8-.Ltmp5, $4  }
0x104: {  	_ = 	snop  }
0x105: {  	v1 =	vadd.f32 v2, v1;
	v0 =	vmul.f32 v6, v0  }
0x106: {  	s21 =	sadd.s32 $0x10, s21;
	s19 =	sadd.s32 $0x40, s19  }
0x107: {  	s22 =	sadd.s32 $0x400, s22;
	s23 =	sshra.s32 s23, $0x2;
	s24 =	sand.u32 $0xE00, s19;
	v0 =	vadd.f32 v0, v1  }
0x108: {  	s21 =	sand.u32 $0x70, s21;
	s22 =	sshrl.u32 s24, $0x2  }
0x109: {  	s21 =	sor.u32 s21, s22;
	[tilespmem:s23+$0x18400] =	vst v0  }
0x10a: {  	s20 =	sshra.s32 s20, $0x2;
	v0 =	vld [tilespmem:s21+$0x18000]  }
0x10b: {  	v1 =	vld [tilespmem:s20+$0x14000]  }
0x10c: {  	v2 =	vld [tilespmem:s20+$0x14010];
	_ =	sdelay $0x1  }
0x10d: {  	v3 =	vld [tilespmem:s20+$0x14020]  }
0x10e: {  	v4 =	vbroadcast v0, $0x0;
	v5 =	vbroadcast v0, $0x1  }
0x10f: {  	v7 =	vld [tilespmem:s20+$0x14030];
	v6 =	vbroadcast v0, $0x2  }
0x110: {  	v1 =	vmul.f32 v1, v4;
	v2 =	vmul.f32 v2, v5  }
0x111: {  	v27 =	vld [tilespmem:s20+$0x14040]  }
0x112: {  	v29 =	vbroadcast v0, $0x3;
	v28 =	vmul.f32 v3, v6;
	v1 =	vadd.f32 v2, v1  }
0x113: {  	v30 =	vld [tilespmem:s20+$0x14050]  }
0x114: {  	v32 =	vbroadcast v0, $0x4;
	v31 =	vmul.f32 v7, v29;
	v1 =	vadd.f32 v28, v1  }
0x115: {  	v33 =	vld [tilespmem:s20+$0x14060]  }
0x116: {  	v35 =	vbroadcast v0, $0x5;
	v34 =	vmul.f32 v27, v32;
	v1 =	vadd.f32 v31, v1  }
0x117: {  	v36 =	vld [tilespmem:s20+$0x14070]  }
0x118: {  	v38 =	vbroadcast v0, $0x6;
	v37 =	vmul.f32 v30, v35;
	v1 =	vadd.f32 v34, v1  }
0x119: {  	v39 =	vld [tilespmem:s20+$0x14080]  }
0x11a: {  	v41 =	vbroadcast v0, $0x7;
	v40 =	vmul.f32 v33, v38;
	v1 =	vadd.f32 v37, v1  }
0x11b: {  	v42 =	vld [tilespmem:s20+$0x14090]  }
0x11c: {  	v44 =	vbroadcast v0, $0x8;
	v43 =	vmul.f32 v36, v41;
	v1 =	vadd.f32 v40, v1  }
0x11d: {  	v45 =	vld [tilespmem:s20+$0x140A0]  }
0x11e: {  	v47 =	vbroadcast v0, $0x9;
	v46 =	vmul.f32 v39, v44;
	v1 =	vadd.f32 v43, v1  }
0x11f: {  	v48 =	vld [tilespmem:s20+$0x140B0]  }
0x120: {  	v50 =	vbroadcast v0, $0xA;
	v49 =	vmul.f32 v42, v47;
	v1 =	vadd.f32 v46, v1  }
0x121: {  	v51 =	vld [tilespmem:s20+$0x140C0]  }
0x122: {  	v53 =	vbroadcast v0, $0xB;
	v52 =	vmul.f32 v45, v50;
	v1 =	vadd.f32 v49, v1  }
0x123: {  	v54 =	vld [tilespmem:s20+$0x140D0]  }
0x124: {  	v56 =	vbroadcast v0, $0xC;
	v55 =	vmul.f32 v48, v53;
	v1 =	vadd.f32 v52, v1  }
0x125: {  	v57 =	vld [tilespmem:s20+$0x140E0]  }
0x126: {  	v59 =	vbroadcast v0, $0xD;
	v58 =	vmul.f32 v51, v56;
	v1 =	vadd.f32 v55, v1  }
0x127: {  	v60 =	vld [tilespmem:s20+$0x140F0]  }
0x128: {  	v62 =	vbroadcast v0, $0xE;
	v61 =	vmul.f32 v54, v59;
	v1 =	vadd.f32 v58, v1;
	_ =	sdelay $0x1  }
0x129: {  	v0 =	vbroadcast v0, $0xF;
	v63 =	vmul.f32 v57, v62;
	v1 =	vadd.f32 v61, v1;
	_ =	sdelay $0x1  }
0x12a: {  	v0 =	vmul.f32 v60, v0;
	v1 =	vadd.f32 v63, v1;
	_ =	sdelay $0x1  }
0x12b: {  	s18 =	sadd.s32 $0x1, s18;
	v0 =	vadd.f32 v0, v1  }
0x12c: {  	s19 =	sshra.s32 s19, $0x2;
	p0 =	sne.s32 s18, s11  }
.Ltmp6:
0x12d: {  	[tilespmem:s19+$0x18400] =	vst v0;
	(pc) =	sbr.rel @p0 .LBB2_1-.Ltmp6, $4  }
0x12e: {  	[hbm4b:s10+s16] =	stream.strided.scatter [tilespmem:s17], [sflag:$0x2], $0x400, s13, s16, $0x38;
	[tilespmem:$0x18800] =	vst v63  }
0x12f: {  	_ =	swait.ge [sflag:s12], $0x400  }
0x130: {  	[sflag:s12] =	ssyncset.done $0x0  }
0x131: {  	[sflag:s12] =	ssyncadd.s32 $0xFFFFFC00  }
0x132: {  	_ =	sfence.sel $0x180000  }
0x133: {  	[bflag:$0x0] =	sbarrier.arrive $0xFFFF  }
0x134: {  	p0 =	sne.s32 s1, $0x0;
	_ =	strace $0x9000004A  }
0x135: {  	s0 =	sadd.s32 @!p0 $0x100000, s0;
	[bflag:$0x2] =	sbarrier.arrive $0xFFFF  }
0x136: {  	[sflag:s0] =	ssyncadd.tile.s32 @!p0 $0x1;
	_ =	shalt  }
.Lfunc_end2:
_tile_overlayer_lowered:
.L_overlay_start_2:
0x137: {  	(tag) =	ssettag $0x2  }
0x138: {  	s0 =	rddreg [dreg:$0x0];
	s2 =	stileid.u32  }
0x139: {  	s1 =	rddreg [dreg:$0x1];
	p0 =	sne.s32 s2, $0x0  }
0x13a: {  	s3 =	rddreg [dreg:$0x2];
	[bflag:$0x3] =	sbarrier.arrive $0xFFFF;
	s2 =	simm.s32 @!p0 $0x1C02  }
0x13b: {  	[timem:s3], [sflag:s2] =	dma.local @!p0 [hbm:s0], s1  }
0x13c: {  	s0 =	simm.s32 @!p0 $0x2  }
0x13d: {  	_ =	swait.ge @!p0 [sflag:s0], s1  }
0x13e: {  	s1 =	ssub.s32 @!p0 $0x0, s1;
	[sflag:s0] =	ssyncset.done @!p0 $0x0  }
0x13f: {  	[sflag:s0] =	ssyncadd.s32 @!p0 s1  }
0x140: {  	[bflag:$0x3] =	sbarrier.arrive $0xFFFF  }
0x141: {  	_ =	shalt  }

</sc_bundles>
